<compile_context>
chip_gen: v7x
topology: tpu7x:2x2x1
jax: 0.10.2.dev20260603
libtpu: 0.0.44.dev20260713+nightly
codegen_flags: <defaults>
</compile_context>

<pallas_src>
import functools

import jax
import jax.numpy as jnp
from jax import lax
from jax.experimental import pallas as pl
from jax.experimental.pallas import tpu as pltpu
from jax.experimental.pallas import tpu_sc as plsc

N = 10000
H = 128
ANN = 2
E = 320000
ELIG = 5000
A_SIZE = 32
FC = 64

NC = 2
NS = 16
L = 16
NW = NC * NS

CHUNK = 128
CHUNKS_PER_TILE = 79
TOTAL_CHUNKS_PAD = NW * CHUNKS_PER_TILE
E_PAD = TOTAL_CHUNKS_PAD * CHUNK
ACC_ROWS = 10240
STRIPE = ACC_ROWS // NS
LAST_ROWS = N - (NS - 1) * STRIPE

BN = 5000


def _stage_a_body(h0_ref, annp_ref, wmT_ref, bm_ref, whT_ref, bh_ref,
                  h_ref, hm_ref, gh_ref):
    h = h0_ref[...] + annp_ref[...]
    h_ref[...] = h
    hm_ref[...] = jnp.dot(h, wmT_ref[...],
                          preferred_element_type=jnp.float32) + bm_ref[...]
    gh_ref[...] = jnp.dot(h, whT_ref[...],
                          preferred_element_type=jnp.float32) + bh_ref[...]


def _stage_a(h0, annp, wmT, bm, whT, bh):
    grid = (N // BN,)
    row_spec = pl.BlockSpec((BN, H), lambda i: (i, 0))
    full = lambda shape: pl.BlockSpec(shape, lambda i: (0,) * len(shape))
    return pl.pallas_call(
        _stage_a_body,
        grid=grid,
        in_specs=[row_spec, row_spec, full((H, H)), full((1, H)),
                  full((H, 3 * H)), full((1, 3 * H))],
        out_specs=[row_spec, row_spec,
                   pl.BlockSpec((BN, 3 * H), lambda i: (i, 0))],
        out_shape=[jax.ShapeDtypeStruct((N, H), jnp.float32),
                   jax.ShapeDtypeStruct((N, H), jnp.float32),
                   jax.ShapeDtypeStruct((N, 3 * H), jnp.float32)],
    )(h0, annp, wmT, bm, whT, bh)


@functools.cache
def _mesh():
    return plsc.VectorSubcoreMesh(core_axis_name="c", subcore_axis_name="s",
                                  num_cores=NC, num_subcores=NS)


@functools.cache
def _build_scatter_kernel():
  @functools.partial(
      pl.kernel,
      out_type=jax.ShapeDtypeStruct((NC, N, H), jnp.float32),
      mesh=_mesh(),
      scratch_types=[
          pltpu.VMEM((CHUNKS_PER_TILE, CHUNK), jnp.int32),
          pltpu.VMEM((CHUNKS_PER_TILE, CHUNK), jnp.int32),
          pltpu.VMEM((CHUNK, H), jnp.float32),
          pltpu.VMEM_SHARED((ACC_ROWS, H), jnp.float32),
          pltpu.SemaphoreType.DMA,
      ],
      compiler_params=pltpu.CompilerParams(needs_layout_passes=False),
  )
  def _scatter_kernel(hm_hbm, src_hbm, dst_hbm, zeros_hbm, out_hbm,
                      sidx_v, didx_v, rows_v, acc_sh, sem):
    c = lax.axis_index("c")
    s = lax.axis_index("s")
    wid = s * NC + c

    r0 = s * STRIPE
    pltpu.sync_copy(zeros_hbm, acc_sh.at[pl.ds(r0, STRIPE)])
    plsc.subcore_barrier()

    pltpu.sync_copy(src_hbm.at[wid], sidx_v)
    pltpu.sync_copy(dst_hbm.at[wid], didx_v)

    def body(t, carry):
        pltpu.async_copy(hm_hbm.at[sidx_v.at[t]], rows_v, sem).wait()
        pltpu.sync_copy(rows_v, acc_sh.at[didx_v.at[t]], add=True)
        return carry

    lax.fori_loop(0, CHUNKS_PER_TILE, body, 0)

    plsc.subcore_barrier()
    @pl.when(s < NS - 1)
    def _():
        pltpu.sync_copy(acc_sh.at[pl.ds(r0, STRIPE)],
                        out_hbm.at[c, pl.ds(r0, STRIPE)])

    @pl.when(s == NS - 1)
    def _():
        pltpu.sync_copy(acc_sh.at[pl.ds((NS - 1) * STRIPE, LAST_ROWS)],
                        out_hbm.at[c, pl.ds((NS - 1) * STRIPE, LAST_ROWS)])

  return _scatter_kernel


def _stage_c_body(p0_ref, p1_ref, h_ref, gh_ref, wiT_ref, bi_ref,
                  w1T_ref, b1_ref, w2T_ref, b2_ref, w3_ref, b3_ref,
                  hid_ref, sel_ref):
    incoming = p0_ref[...] + p1_ref[...]
    gi = jnp.dot(incoming, wiT_ref[...],
                 preferred_element_type=jnp.float32) + bi_ref[...]
    gh = gh_ref[...]
    h = h_ref[...]
    r = jax.nn.sigmoid(gi[:, :H] + gh[:, :H])
    z = jax.nn.sigmoid(gi[:, H:2 * H] + gh[:, H:2 * H])
    n = jnp.tanh(gi[:, 2 * H:] + r * gh[:, 2 * H:])
    hid = (1.0 - z) * n + z * h
    hid_ref[...] = hid
    x = jax.nn.relu(jnp.dot(hid, w1T_ref[...],
                            preferred_element_type=jnp.float32) + b1_ref[...])
    x = jax.nn.relu(jnp.dot(x, w2T_ref[...],
                            preferred_element_type=jnp.float32) + b2_ref[...])
    sel_ref[...] = (jnp.sum(x * w3_ref[...], axis=1, keepdims=True)
                    + b3_ref[...])


def _stage_c(p0, p1, h, gh, wiT, bi, w1T, b1, w2T, b2, w3, b3):
    grid = (N // BN,)
    row_spec = pl.BlockSpec((BN, H), lambda i: (i, 0))
    row3_spec = pl.BlockSpec((BN, 3 * H), lambda i: (i, 0))
    full = lambda shape: pl.BlockSpec(shape, lambda i: (0,) * len(shape))
    return pl.pallas_call(
        _stage_c_body,
        grid=grid,
        in_specs=[row_spec, row_spec, row_spec, row3_spec,
                  full((H, 3 * H)), full((1, 3 * H)),
                  full((H, FC)), full((1, FC)),
                  full((FC, FC)), full((1, FC)),
                  full((1, FC)), full((1, 1))],
        out_specs=[row_spec, pl.BlockSpec((BN, 1), lambda i: (i, 0))],
        out_shape=[jax.ShapeDtypeStruct((N, H), jnp.float32),
                   jax.ShapeDtypeStruct((N, 1), jnp.float32)],
    )(p0, p1, h, gh, wiT, bi, w1T, b1, w2T, b2, w3, b3)


_N_FULL = ELIG // L
_REM = ELIG - _N_FULL * L
_EC = 128
_E_CHUNKS = -(-ELIG // _EC)
_ELIG_PAD = _E_CHUNKS * _EC
_BIG = 2147483647


@functools.cache
def _build_argmax_kernel():
  @functools.partial(
      pl.kernel,
      out_type=(jax.ShapeDtypeStruct((L,), jnp.int32),
                jax.ShapeDtypeStruct((L, H), jnp.float32)),
      mesh=_mesh(),
      scratch_types=[
          pltpu.VMEM((_E_CHUNKS, _EC), jnp.int32),
          pltpu.VMEM((_E_CHUNKS, _EC), jnp.float32),
          pltpu.VMEM((L,), jnp.int32),
          pltpu.VMEM((L, H), jnp.float32),
          pltpu.SemaphoreType.DMA,
      ],
      compiler_params=pltpu.CompilerParams(needs_layout_passes=False),
  )
  def _argmax_kernel(sel_hbm, elig_hbm, hid_hbm, idx_out, row_out,
                     elig_v, vals_v, nidx_v, row_v, sem):
    c = lax.axis_index("c")
    s = lax.axis_index("s")

    @pl.when(jnp.logical_and(c == 0, s == 0))
    def _():
        pltpu.sync_copy(elig_hbm, elig_v)
        descs = [
            pltpu.async_copy(sel_hbm.at[elig_v.at[t]], vals_v.at[t], sem)
            for t in range(_E_CHUNKS)
        ]
        for d in descs:
            d.wait()

        neg = jnp.full((L,), -3.0e38, jnp.float32)
        lane = lax.iota(jnp.int32, L)
        per_row = _EC // L

        def body(j, carry):
            best_val, best_pos, best_node = carry
            row = j // per_row
            col = (j % per_row) * L
            vals = vals_v[row, pl.ds(col, L)]
            nodes = elig_v[row, pl.ds(col, L)]
            pos = j * L + lane
            better = vals > best_val
            return (jnp.where(better, vals, best_val),
                    jnp.where(better, pos, best_pos),
                    jnp.where(better, nodes, best_node))

        bv, bp, bn = lax.fori_loop(
            0, _N_FULL, body,
            (neg, jnp.zeros((L,), jnp.int32), jnp.zeros((L,), jnp.int32)))
        tmask = lane < _REM
        row = _N_FULL // per_row
        col = (_N_FULL % per_row) * L
        vals_t = jnp.where(tmask, vals_v[row, pl.ds(col, L)], neg)
        nodes_t = elig_v[row, pl.ds(col, L)]
        pos_t = _N_FULL * L + lane
        better = vals_t > bv
        bv = jnp.where(better, vals_t, bv)
        bp = jnp.where(better, pos_t, bp)
        bn = jnp.where(better, nodes_t, bn)
        m = jnp.max(bv)
        rel = jnp.min(jnp.where(bv == m, bp, _BIG))
        node = jnp.min(jnp.where(bp == rel, bn, _BIG))
        nidx_v[...] = jnp.full((L,), node, jnp.int32)
        pltpu.sync_copy(nidx_v, idx_out)
        pltpu.async_copy(hid_hbm.at[nidx_v], row_v, sem).wait()
        pltpu.sync_copy(row_v, row_out)

  return _argmax_kernel


def _stage_e_body(row_ref, w1T_ref, b1_ref, w2T_ref, b2_ref, w3T_ref, b3_ref,
                  out_ref):
    x = row_ref[...]
    x = jax.nn.relu(jnp.dot(x, w1T_ref[...],
                            preferred_element_type=jnp.float32) + b1_ref[...])
    x = jax.nn.relu(jnp.dot(x, w2T_ref[...],
                            preferred_element_type=jnp.float32) + b2_ref[...])
    out_ref[...] = jnp.dot(x, w3T_ref[...],
                           preferred_element_type=jnp.float32) + b3_ref[...]


def _stage_e(row8, w1T, b1, w2T, b2, w3T, b3):
    return pl.pallas_call(
        _stage_e_body,
        out_shape=jax.ShapeDtypeStruct((8, A_SIZE), jnp.float32),
    )(row8, w1T, b1, w2T, b2, w3T, b3)


def kernel(initial_node_representation, annotations, edge_index, eligibleNodes,
           W_msg, b_msg, gru_wi, gru_wh, gru_bi, gru_bh,
           sel_w1, sel_b1, sel_w2, sel_b2, sel_w3, sel_b3,
           col_w1, col_b1, col_w2, col_b2, col_w3, col_b3):
    annp = jnp.pad(annotations, ((0, 0), (0, H - ANN)))

    h, hm, gh = _stage_a(
        initial_node_representation, annp,
        W_msg.T, b_msg.reshape(1, H),
        gru_wh.T, gru_bh.reshape(1, 3 * H))

    pad = E_PAD - E
    src_p = jnp.concatenate(
        [edge_index[0], jnp.zeros((pad,), jnp.int32)]
    ).reshape(NW, CHUNKS_PER_TILE, CHUNK)
    dst_p = jnp.concatenate(
        [edge_index[1], jnp.full((pad,), N, jnp.int32)]
    ).reshape(NW, CHUNKS_PER_TILE, CHUNK)
    zeros = jnp.zeros((STRIPE, H), jnp.float32)

    partials = _build_scatter_kernel()(hm, src_p, dst_p, zeros)

    hidden, select_out = _stage_c(
        partials[0], partials[1], h, gh,
        gru_wi.T, gru_bi.reshape(1, 3 * H),
        sel_w1.T, sel_b1.reshape(1, FC),
        sel_w2.T, sel_b2.reshape(1, FC),
        sel_w3.reshape(1, FC), sel_b3.reshape(1, 1))

    elig_p = jnp.concatenate(
        [eligibleNodes, jnp.zeros((_ELIG_PAD - ELIG,), jnp.int32)]
    ).reshape(_E_CHUNKS, _EC)
    idx_vec, row = _build_argmax_kernel()(select_out.reshape(N),
                                          elig_p, hidden)
    node_index = idx_vec[0]

    color8 = _stage_e(
        row[:8],
        col_w1.T, col_b1.reshape(1, FC),
        col_w2.T, col_b2.reshape(1, FC),
        col_w3.T, col_b3.reshape(1, A_SIZE))
    color_out = color8[0]

    return (select_out, node_index, color_out)

# --- scband reference (transcript-rebuilt; emitter-appended) ---
"""Pipeline reference for scband-qnetwork-54262616818141 (READ-ONLY COPY).

The authoritative reference and input builder live on the scoring server;
editing this copy changes nothing except your own understanding.
"""

import jax, jax.numpy as jnp
import numpy as np

N = 10000
H = 128
ANN = 2
E = 320000
ELIG = 5000
A_SIZE = 32
FC = 64


def setup_inputs(seed: int = 0) -> dict:
    key = jax.random.key(seed)
    ks = [jax.random.fold_in(key, i) for i in range(32)]
    def gn(k, shape, scale=0.05):
        return jax.random.normal(k, shape, dtype=jnp.float32) * scale
    inp = {}
    inp["initial_node_representation"] = jax.random.normal(ks[0], (N, H), dtype=jnp.float32)
    inp["annotations"] = jax.random.uniform(ks[1], (N, ANN), dtype=jnp.float32)
    inp["edge_index"] = jax.random.randint(ks[2], (2, E), 0, N, dtype=jnp.int32)
    inp["eligibleNodes"] = jax.random.randint(ks[3], (ELIG,), 0, N, dtype=jnp.int32)
    # GGNN params (1 edge type, 1 timestep)
    inp["W_msg"] = gn(ks[4], (H, H))
    inp["b_msg"] = jnp.zeros((H,), jnp.float32)
    inp["gru_wi"] = gn(ks[5], (3 * H, H))
    inp["gru_wh"] = gn(ks[6], (3 * H, H))
    inp["gru_bi"] = jnp.zeros((3 * H,), jnp.float32)
    inp["gru_bh"] = jnp.zeros((3 * H,), jnp.float32)
    # SelectNetwork: H -> 64 -> 64 -> 1
    inp["sel_w1"] = gn(ks[7], (FC, H)); inp["sel_b1"] = jnp.zeros((FC,), jnp.float32)
    inp["sel_w2"] = gn(ks[8], (FC, FC)); inp["sel_b2"] = jnp.zeros((FC,), jnp.float32)
    inp["sel_w3"] = gn(ks[9], (1, FC)); inp["sel_b3"] = jnp.zeros((1,), jnp.float32)
    # ColorNetwork: H -> 64 -> 64 -> A_SIZE
    inp["col_w1"] = gn(ks[10], (FC, H)); inp["col_b1"] = jnp.zeros((FC,), jnp.float32)
    inp["col_w2"] = gn(ks[11], (FC, FC)); inp["col_b2"] = jnp.zeros((FC,), jnp.float32)
    inp["col_w3"] = gn(ks[12], (A_SIZE, FC)); inp["col_b3"] = jnp.zeros((A_SIZE,), jnp.float32)
    return inp


def _ggnn(h0, ann, edge_index, W_msg, b_msg, gru_wi, gru_wh, gru_bi, gru_bh):
    ann_pad = jnp.pad(ann, ((0, 0), (0, H - ANN)))
    h = h0 + ann_pad
    src = edge_index[0]
    dst = edge_index[1]
    # layer_timesteps=[1], num_edge_types=1 -> one propagation step
    msgs = (h @ W_msg.T + b_msg)[src]                      # gather over src nodes
    incoming = jax.ops.segment_sum(msgs, dst, num_segments=N)  # scatter-add to dst
    gi = incoming @ gru_wi.T + gru_bi
    gh = h @ gru_wh.T + gru_bh
    i_r, i_z, i_n = jnp.split(gi, 3, axis=1)
    h_r, h_z, h_n = jnp.split(gh, 3, axis=1)
    r = jax.nn.sigmoid(i_r + h_r)
    z = jax.nn.sigmoid(i_z + h_z)
    n = jnp.tanh(i_n + r * h_n)
    return (1.0 - z) * n + z * h


def _mlp(x, w1, b1, w2, b2, w3, b3):
    x = jax.nn.relu(x @ w1.T + b1)
    x = jax.nn.relu(x @ w2.T + b2)
    return x @ w3.T + b3


def reference(initial_node_representation, annotations, edge_index, eligibleNodes,
              W_msg, b_msg, gru_wi, gru_wh, gru_bi, gru_bh,
              sel_w1, sel_b1, sel_w2, sel_b2, sel_w3, sel_b3,
              col_w1, col_b1, col_w2, col_b2, col_w3, col_b3):
    hidden = _ggnn(initial_node_representation, annotations, edge_index,
                   W_msg, b_msg, gru_wi, gru_wh, gru_bi, gru_bh)
    select_out = _mlp(hidden, sel_w1, sel_b1, sel_w2, sel_b2, sel_w3, sel_b3)  # [N,1]
    masked_select_out = select_out[eligibleNodes]            # [ELIG,1]
    rel_indexchoose = jnp.argmax(masked_select_out)          # flattened argmax, col dim = 1
    node_index = eligibleNodes[rel_indexchoose]
    color_out = _mlp(hidden[node_index],
                     col_w1, col_b1, col_w2, col_b2, col_w3, col_b3)  # [A_SIZE]
    return (select_out, node_index, color_out)

if __name__ == "__main__":
    import jax
    _d = setup_inputs()
    print(jax.jit(kernel)(*tuple(_d.values())))

</pallas_src>

<mosaic_0001>
#map = affine_map<(d0, d1) -> (0, 0)>
#map1 = affine_map<(d0, d1) -> (0, 0, 0)>
module attributes {stable_mosaic.version = 14 : i64} {
  func.func @_scatter_kernel(%arg0: i32, %arg1: i32, %arg2: memref<10000x128xf32, #tpu.memory_space<hbm>>, %arg3: memref<32x79x128xi32, #tpu.memory_space<hbm>>, %arg4: memref<32x79x128xi32, #tpu.memory_space<hbm>>, %arg5: memref<640x128xf32, #tpu.memory_space<hbm>>, %arg6: memref<2x10000x128xf32, #tpu.memory_space<hbm>>, %arg7: memref<79x128xi32, #tpu.memory_space<vmem>>, %arg8: memref<79x128xi32, #tpu.memory_space<vmem>>, %arg9: memref<128x128xf32, #tpu.memory_space<vmem>>, %arg10: memref<10240x128xf32, #tpu.memory_space<vmem_shared>>, %arg11: memref<!tpu.dma_semaphore, #tpu.memory_space<semaphore_mem>>) attributes {dimension_semantics = [#tpu.dimension_semantics<core_parallel>, #tpu.dimension_semantics<subcore_parallel>], iteration_bounds = array<i64: 2, 16>, scalar_prefetch = 0 : i64, scratch_operands = 5 : i64, tpu.core_type = #tpu.core_type<sc_vector_subcore>, window_params = [{transform_indices = #map}, {transform_indices = #map1}, {transform_indices = #map1}, {transform_indices = #map}, {transform_indices = #map1}]} {
    %mul3A = arith.constant 2 : i32
    %mul3A_0 = arith.muli %arg1, %mul3A : i32
    %add3A = arith.addi %mul3A_0, %arg0 : i32
    %mul3A_1 = arith.constant 640 : i32
    %mul3A_2 = arith.muli %arg1, %mul3A_1 : i32
    "tpu.region"() ({
      %run_scoped3A = tpu.sem_alloc : memref<!tpu.dma_semaphore, #tpu.memory_space<semaphore_mem>>
      %dma_start3A = arith.constant 0 : i32
      %dma_start3A_15 = tpu.memref_slice %arg10[%mul3A_2, %dma_start3A] : memref<10240x128xf32, #tpu.memory_space<vmem_shared>> -> memref<640x128xf32, #tpu.memory_space<vmem_shared>>
      tpu.enqueue_dma source(%arg5 : memref<640x128xf32, #tpu.memory_space<hbm>>) target(%dma_start3A_15 : memref<640x128xf32, #tpu.memory_space<vmem_shared>>) target_semaphore(%run_scoped3A : memref<!tpu.dma_semaphore, #tpu.memory_space<semaphore_mem>>)
      %dma_wait3A = arith.constant 0 : i32
      %dma_wait3A_16 = tpu.memref_slice %arg10[%mul3A_2, %dma_wait3A] : memref<10240x128xf32, #tpu.memory_space<vmem_shared>> -> memref<640x128xf32, #tpu.memory_space<vmem_shared>>
      tpu.wait_dma2 semaphore(%run_scoped3A : memref<!tpu.dma_semaphore, #tpu.memory_space<semaphore_mem>>) src(%arg5 : memref<640x128xf32, #tpu.memory_space<hbm>>) dst(%dma_wait3A_16 : memref<640x128xf32, #tpu.memory_space<vmem_shared>>)
      tpu.yield
    }) : () -> ()
    %barrier3A = arith.constant 0 : index
    tpu.barrier barrier_id(%barrier3A)
    "tpu.region"() ({
      %run_scoped3A = tpu.sem_alloc : memref<!tpu.dma_semaphore, #tpu.memory_space<semaphore_mem>>
      %dma_start3A = arith.constant 0 : i32
      %dma_start3A_15 = arith.constant 0 : i32
      %dma_start3A_16 = tpu.memref_slice %arg3[%add3A, %dma_start3A, %dma_start3A_15] : memref<32x79x128xi32, #tpu.memory_space<hbm>> -> memref<1x79x128xi32, #tpu.memory_space<hbm>>
      %dma_start3A_17 = tpu.memref_squeeze %dma_start3A_16 : memref<1x79x128xi32, #tpu.memory_space<hbm>> -> memref<79x128xi32, #tpu.memory_space<hbm>>
      %dma_start3A_18 = arith.constant 0 : i32
      %dma_start3A_19 = arith.constant 0 : i32
      %dma_start3A_20 = tpu.memref_slice %arg3[%add3A, %dma_start3A_18, %dma_start3A_19] : memref<32x79x128xi32, #tpu.memory_space<hbm>> -> memref<1x79x128xi32, #tpu.memory_space<hbm>>
      %dma_start3A_21 = tpu.memref_squeeze %dma_start3A_20 : memref<1x79x128xi32, #tpu.memory_space<hbm>> -> memref<79x128xi32, #tpu.memory_space<hbm>>
      tpu.enqueue_dma source(%dma_start3A_21 : memref<79x128xi32, #tpu.memory_space<hbm>>) target(%arg7 : memref<79x128xi32, #tpu.memory_space<vmem>>) target_semaphore(%run_scoped3A : memref<!tpu.dma_semaphore, #tpu.memory_space<semaphore_mem>>)
      %dma_wait3A = arith.constant 0 : i32
      %dma_wait3A_22 = arith.constant 0 : i32
      %dma_wait3A_23 = tpu.memref_slice %arg3[%add3A, %dma_wait3A, %dma_wait3A_22] : memref<32x79x128xi32, #tpu.memory_space<hbm>> -> memref<1x79x128xi32, #tpu.memory_space<hbm>>
      %dma_wait3A_24 = tpu.memref_squeeze %dma_wait3A_23 : memref<1x79x128xi32, #tpu.memory_space<hbm>> -> memref<79x128xi32, #tpu.memory_space<hbm>>
      %dma_wait3A_25 = arith.constant 0 : i32
      %dma_wait3A_26 = arith.constant 0 : i32
      %dma_wait3A_27 = tpu.memref_slice %arg3[%add3A, %dma_wait3A_25, %dma_wait3A_26] : memref<32x79x128xi32, #tpu.memory_space<hbm>> -> memref<1x79x128xi32, #tpu.memory_space<hbm>>
      %dma_wait3A_28 = tpu.memref_squeeze %dma_wait3A_27 : memref<1x79x128xi32, #tpu.memory_space<hbm>> -> memref<79x128xi32, #tpu.memory_space<hbm>>
      tpu.wait_dma2 semaphore(%run_scoped3A : memref<!tpu.dma_semaphore, #tpu.memory_space<semaphore_mem>>) src(%dma_wait3A_28 : memref<79x128xi32, #tpu.memory_space<hbm>>) dst(%arg7 : memref<79x128xi32, #tpu.memory_space<vmem>>)
      tpu.yield
    }) : () -> ()
    "tpu.region"() ({
      %run_scoped3A = tpu.sem_alloc : memref<!tpu.dma_semaphore, #tpu.memory_space<semaphore_mem>>
      %dma_start3A = arith.constant 0 : i32
      %dma_start3A_15 = arith.constant 0 : i32
      %dma_start3A_16 = tpu.memref_slice %arg4[%add3A, %dma_start3A, %dma_start3A_15] : memref<32x79x128xi32, #tpu.memory_space<hbm>> -> memref<1x79x128xi32, #tpu.memory_space<hbm>>
      %dma_start3A_17 = tpu.memref_squeeze %dma_start3A_16 : memref<1x79x128xi32, #tpu.memory_space<hbm>> -> memref<79x128xi32, #tpu.memory_space<hbm>>
      %dma_start3A_18 = arith.constant 0 : i32
      %dma_start3A_19 = arith.constant 0 : i32
      %dma_start3A_20 = tpu.memref_slice %arg4[%add3A, %dma_start3A_18, %dma_start3A_19] : memref<32x79x128xi32, #tpu.memory_space<hbm>> -> memref<1x79x128xi32, #tpu.memory_space<hbm>>
      %dma_start3A_21 = tpu.memref_squeeze %dma_start3A_20 : memref<1x79x128xi32, #tpu.memory_space<hbm>> -> memref<79x128xi32, #tpu.memory_space<hbm>>
      tpu.enqueue_dma source(%dma_start3A_21 : memref<79x128xi32, #tpu.memory_space<hbm>>) target(%arg8 : memref<79x128xi32, #tpu.memory_space<vmem>>) target_semaphore(%run_scoped3A : memref<!tpu.dma_semaphore, #tpu.memory_space<semaphore_mem>>)
      %dma_wait3A = arith.constant 0 : i32
      %dma_wait3A_22 = arith.constant 0 : i32
      %dma_wait3A_23 = tpu.memref_slice %arg4[%add3A, %dma_wait3A, %dma_wait3A_22] : memref<32x79x128xi32, #tpu.memory_space<hbm>> -> memref<1x79x128xi32, #tpu.memory_space<hbm>>
      %dma_wait3A_24 = tpu.memref_squeeze %dma_wait3A_23 : memref<1x79x128xi32, #tpu.memory_space<hbm>> -> memref<79x128xi32, #tpu.memory_space<hbm>>
      %dma_wait3A_25 = arith.constant 0 : i32
      %dma_wait3A_26 = arith.constant 0 : i32
      %dma_wait3A_27 = tpu.memref_slice %arg4[%add3A, %dma_wait3A_25, %dma_wait3A_26] : memref<32x79x128xi32, #tpu.memory_space<hbm>> -> memref<1x79x128xi32, #tpu.memory_space<hbm>>
      %dma_wait3A_28 = tpu.memref_squeeze %dma_wait3A_27 : memref<1x79x128xi32, #tpu.memory_space<hbm>> -> memref<79x128xi32, #tpu.memory_space<hbm>>
      tpu.wait_dma2 semaphore(%run_scoped3A : memref<!tpu.dma_semaphore, #tpu.memory_space<semaphore_mem>>) src(%dma_wait3A_28 : memref<79x128xi32, #tpu.memory_space<hbm>>) dst(%arg8 : memref<79x128xi32, #tpu.memory_space<vmem>>)
      tpu.yield
    }) : () -> ()
    %scan3A = arith.constant 0 : i32
    %scan3A_3 = arith.constant 0 : i32
    %scan3A_4 = arith.constant 79 : i32
    %scan3A_5 = arith.addi %scan3A_3, %scan3A_4 : i32
    %scan3A_6 = arith.constant 1 : i32
    scf.for %scan3A_15 = %scan3A_3 to %scan3A_5 step %scan3A_6  : i32 {
      %dma_start3A = arith.constant 0 : i32
      %dma_start3A_16 = tpu.memref_slice %arg7[%scan3A_15, %dma_start3A] : memref<79x128xi32, #tpu.memory_space<vmem>> -> memref<1x128xi32, #tpu.memory_space<vmem>>
      %dma_start3A_17 = tpu.memref_squeeze %dma_start3A_16 : memref<1x128xi32, #tpu.memory_space<vmem>> -> memref<128xi32, #tpu.memory_space<vmem>>
      %dma_start3A_18 = arith.constant 0 : i32
      %dma_start3A_19 = arith.constant 0 : i32
      %dma_start3A_20 = tpu.memref_slice %arg2[%dma_start3A_18, %dma_start3A_19] : memref<10000x128xf32, #tpu.memory_space<hbm>> -> memref<10000x128xf32, #tpu.memory_space<hbm>>
      tpu.enqueue_indirect_dma source(%dma_start3A_20 : memref<10000x128xf32, #tpu.memory_space<hbm>>) target(%arg9 : memref<128x128xf32, #tpu.memory_space<vmem>>) offsets(%dma_start3A_17 : memref<128xi32, #tpu.memory_space<vmem>>) semaphore(%arg11 : memref<!tpu.dma_semaphore, #tpu.memory_space<semaphore_mem>>)
      %dma_wait3A = arith.constant 0 : i32
      %dma_wait3A_21 = tpu.memref_slice %arg7[%scan3A_15, %dma_wait3A] : memref<79x128xi32, #tpu.memory_space<vmem>> -> memref<1x128xi32, #tpu.memory_space<vmem>>
      %dma_wait3A_22 = tpu.memref_squeeze %dma_wait3A_21 : memref<1x128xi32, #tpu.memory_space<vmem>> -> memref<128xi32, #tpu.memory_space<vmem>>
      %dma_wait3A_23 = arith.constant 0 : i32
      %dma_wait3A_24 = arith.constant 0 : i32
      %dma_wait3A_25 = tpu.memref_slice %arg2[%dma_wait3A_23, %dma_wait3A_24] : memref<10000x128xf32, #tpu.memory_space<hbm>> -> memref<10000x128xf32, #tpu.memory_space<hbm>>
      tpu.wait_indirect_dma semaphore(%arg11 : memref<!tpu.dma_semaphore, #tpu.memory_space<semaphore_mem>>) src(%dma_wait3A_25 : memref<10000x128xf32, #tpu.memory_space<hbm>>) dst(%arg9 : memref<128x128xf32, #tpu.memory_space<vmem>>)
      "tpu.region"() ({
        %run_scoped3A = tpu.sem_alloc : memref<!tpu.dma_semaphore, #tpu.memory_space<semaphore_mem>>
        %dma_start3A_26 = arith.constant 0 : i32
        %dma_start3A_27 = tpu.memref_slice %arg8[%scan3A_15, %dma_start3A_26] : memref<79x128xi32, #tpu.memory_space<vmem>> -> memref<1x128xi32, #tpu.memory_space<vmem>>
        %dma_start3A_28 = tpu.memref_squeeze %dma_start3A_27 : memref<1x128xi32, #tpu.memory_space<vmem>> -> memref<128xi32, #tpu.memory_space<vmem>>
        %dma_start3A_29 = arith.constant 0 : i32
        %dma_start3A_30 = arith.constant 0 : i32
        %dma_start3A_31 = tpu.memref_slice %arg10[%dma_start3A_29, %dma_start3A_30] : memref<10240x128xf32, #tpu.memory_space<vmem_shared>> -> memref<10240x128xf32, #tpu.memory_space<vmem_shared>>
        tpu.enqueue_indirect_dma source(%arg9 : memref<128x128xf32, #tpu.memory_space<vmem>>) target(%dma_start3A_31 : memref<10240x128xf32, #tpu.memory_space<vmem_shared>>) offsets(%dma_start3A_28 : memref<128xi32, #tpu.memory_space<vmem>>) semaphore(%run_scoped3A : memref<!tpu.dma_semaphore, #tpu.memory_space<semaphore_mem>>) {add = true}
        %dma_wait3A_32 = arith.constant 0 : i32
        %dma_wait3A_33 = tpu.memref_slice %arg8[%scan3A_15, %dma_wait3A_32] : memref<79x128xi32, #tpu.memory_space<vmem>> -> memref<1x128xi32, #tpu.memory_space<vmem>>
        %dma_wait3A_34 = tpu.memref_squeeze %dma_wait3A_33 : memref<1x128xi32, #tpu.memory_space<vmem>> -> memref<128xi32, #tpu.memory_space<vmem>>
        %dma_wait3A_35 = arith.constant 0 : i32
        %dma_wait3A_36 = arith.constant 0 : i32
        %dma_wait3A_37 = tpu.memref_slice %arg10[%dma_wait3A_35, %dma_wait3A_36] : memref<10240x128xf32, #tpu.memory_space<vmem_shared>> -> memref<10240x128xf32, #tpu.memory_space<vmem_shared>>
        tpu.wait_indirect_dma semaphore(%run_scoped3A : memref<!tpu.dma_semaphore, #tpu.memory_space<semaphore_mem>>) src(%arg9 : memref<128x128xf32, #tpu.memory_space<vmem>>) dst(%dma_wait3A_37 : memref<10240x128xf32, #tpu.memory_space<vmem_shared>>)
        tpu.yield
      }) : () -> ()
    }
    %scan3A_7 = arith.constant 79 : i32
    %barrier3A_8 = arith.constant 0 : index
    tpu.barrier barrier_id(%barrier3A_8)
    %lt3A = arith.constant 15 : i32
    %lt3A_9 = arith.cmpi slt, %arg1, %lt3A : i32
    %convert_element_type3A = arith.extui %lt3A_9 : i1 to i32
    %cond3A = arith.constant 0 : i32
    %cond3A_10 = arith.cmpi ne, %convert_element_type3A, %cond3A : i32
    scf.if %cond3A_10 {
      "tpu.region"() ({
        %run_scoped3A = tpu.sem_alloc : memref<!tpu.dma_semaphore, #tpu.memory_space<semaphore_mem>>
        %dma_start3A = arith.constant 0 : i32
        %dma_start3A_15 = tpu.memref_slice %arg6[%arg0, %mul3A_2, %dma_start3A] : memref<2x10000x128xf32, #tpu.memory_space<hbm>> -> memref<1x640x128xf32, #tpu.memory_space<hbm>>
        %dma_start3A_16 = tpu.memref_squeeze %dma_start3A_15 : memref<1x640x128xf32, #tpu.memory_space<hbm>> -> memref<640x128xf32, #tpu.memory_space<hbm>>
        %dma_start3A_17 = arith.constant 0 : i32
        %dma_start3A_18 = tpu.memref_slice %arg10[%mul3A_2, %dma_start3A_17] : memref<10240x128xf32, #tpu.memory_space<vmem_shared>> -> memref<640x128xf32, #tpu.memory_space<vmem_shared>>
        tpu.enqueue_dma source(%dma_start3A_18 : memref<640x128xf32, #tpu.memory_space<vmem_shared>>) target(%dma_start3A_16 : memref<640x128xf32, #tpu.memory_space<hbm>>) target_semaphore(%run_scoped3A : memref<!tpu.dma_semaphore, #tpu.memory_space<semaphore_mem>>)
        %dma_wait3A = arith.constant 0 : i32
        %dma_wait3A_19 = tpu.memref_slice %arg6[%arg0, %mul3A_2, %dma_wait3A] : memref<2x10000x128xf32, #tpu.memory_space<hbm>> -> memref<1x640x128xf32, #tpu.memory_space<hbm>>
        %dma_wait3A_20 = tpu.memref_squeeze %dma_wait3A_19 : memref<1x640x128xf32, #tpu.memory_space<hbm>> -> memref<640x128xf32, #tpu.memory_space<hbm>>
        %dma_wait3A_21 = arith.constant 0 : i32
        %dma_wait3A_22 = tpu.memref_slice %arg10[%mul3A_2, %dma_wait3A_21] : memref<10240x128xf32, #tpu.memory_space<vmem_shared>> -> memref<640x128xf32, #tpu.memory_space<vmem_shared>>
        tpu.wait_dma2 semaphore(%run_scoped3A : memref<!tpu.dma_semaphore, #tpu.memory_space<semaphore_mem>>) src(%dma_wait3A_22 : memref<640x128xf32, #tpu.memory_space<vmem_shared>>) dst(%dma_wait3A_20 : memref<640x128xf32, #tpu.memory_space<hbm>>)
        tpu.yield
      }) : () -> ()
    } else {
    }
    %eq3A = arith.constant 15 : i32
    %eq3A_11 = arith.cmpi eq, %arg1, %eq3A : i32
    %convert_element_type3A_12 = arith.extui %eq3A_11 : i1 to i32
    %cond3A_13 = arith.constant 0 : i32
    %cond3A_14 = arith.cmpi ne, %convert_element_type3A_12, %cond3A_13 : i32
    scf.if %cond3A_14 {
      "tpu.region"() ({
        %run_scoped3A = tpu.sem_alloc : memref<!tpu.dma_semaphore, #tpu.memory_space<semaphore_mem>>
        %dma_start3A = arith.constant 9600 : i32
        %dma_start3A_15 = arith.constant 0 : i32
        %dma_start3A_16 = tpu.memref_slice %arg6[%arg0, %dma_start3A, %dma_start3A_15] : memref<2x10000x128xf32, #tpu.memory_space<hbm>> -> memref<1x400x128xf32, #tpu.memory_space<hbm>>
        %dma_start3A_17 = tpu.memref_squeeze %dma_start3A_16 : memref<1x400x128xf32, #tpu.memory_space<hbm>> -> memref<400x128xf32, #tpu.memory_space<hbm>>
        %dma_start3A_18 = arith.constant 9600 : i32
        %dma_start3A_19 = arith.constant 0 : i32
        %dma_start3A_20 = tpu.memref_slice %arg10[%dma_start3A_18, %dma_start3A_19] : memref<10240x128xf32, #tpu.memory_space<vmem_shared>> -> memref<400x128xf32, #tpu.memory_space<vmem_shared>>
        tpu.enqueue_dma source(%dma_start3A_20 : memref<400x128xf32, #tpu.memory_space<vmem_shared>>) target(%dma_start3A_17 : memref<400x128xf32, #tpu.memory_space<hbm>>) target_semaphore(%run_scoped3A : memref<!tpu.dma_semaphore, #tpu.memory_space<semaphore_mem>>)
        %dma_wait3A = arith.constant 9600 : i32
        %dma_wait3A_21 = arith.constant 0 : i32
        %dma_wait3A_22 = tpu.memref_slice %arg6[%arg0, %dma_wait3A, %dma_wait3A_21] : memref<2x10000x128xf32, #tpu.memory_space<hbm>> -> memref<1x400x128xf32, #tpu.memory_space<hbm>>
        %dma_wait3A_23 = tpu.memref_squeeze %dma_wait3A_22 : memref<1x400x128xf32, #tpu.memory_space<hbm>> -> memref<400x128xf32, #tpu.memory_space<hbm>>
        %dma_wait3A_24 = arith.constant 9600 : i32
        %dma_wait3A_25 = arith.constant 0 : i32
        %dma_wait3A_26 = tpu.memref_slice %arg10[%dma_wait3A_24, %dma_wait3A_25] : memref<10240x128xf32, #tpu.memory_space<vmem_shared>> -> memref<400x128xf32, #tpu.memory_space<vmem_shared>>
        tpu.wait_dma2 semaphore(%run_scoped3A : memref<!tpu.dma_semaphore, #tpu.memory_space<semaphore_mem>>) src(%dma_wait3A_26 : memref<400x128xf32, #tpu.memory_space<vmem_shared>>) dst(%dma_wait3A_23 : memref<400x128xf32, #tpu.memory_space<hbm>>)
        tpu.yield
      }) : () -> ()
    } else {
    }
    return
  }
}

#map = affine_map<(d0, d1) -> (0)>
#map1 = affine_map<(d0, d1) -> (0, 0)>
module attributes {stable_mosaic.version = 14 : i64} {
  func.func @_argmax_kernel(%arg0: i32, %arg1: i32, %arg2: memref<10000xf32, #tpu.memory_space<hbm>>, %arg3: memref<40x128xi32, #tpu.memory_space<hbm>>, %arg4: memref<10000x128xf32, #tpu.memory_space<hbm>>, %arg5: memref<16xi32, #tpu.memory_space<hbm>>, %arg6: memref<16x128xf32, #tpu.memory_space<hbm>>, %arg7: memref<40x128xi32, #tpu.memory_space<vmem>>, %arg8: memref<40x128xf32, #tpu.memory_space<vmem>>, %arg9: memref<16xi32, #tpu.memory_space<vmem>>, %arg10: memref<16x128xf32, #tpu.memory_space<vmem>>, %arg11: memref<!tpu.dma_semaphore, #tpu.memory_space<semaphore_mem>>) attributes {dimension_semantics = [#tpu.dimension_semantics<core_parallel>, #tpu.dimension_semantics<subcore_parallel>], iteration_bounds = array<i64: 2, 16>, scalar_prefetch = 0 : i64, scratch_operands = 5 : i64, tpu.core_type = #tpu.core_type<sc_vector_subcore>, window_params = [{transform_indices = #map}, {transform_indices = #map1}, {transform_indices = #map1}, {transform_indices = #map}, {transform_indices = #map1}]} {
    %eq3A = arith.constant 0 : i32
    %eq3A_0 = arith.cmpi eq, %arg0, %eq3A : i32
    %eq3A_1 = arith.constant 0 : i32
    %eq3A_2 = arith.cmpi eq, %arg1, %eq3A_1 : i32
    %and3A = arith.andi %eq3A_0, %eq3A_2 : i1
    %convert_element_type3A = arith.extui %and3A : i1 to i32
    %cond3A = arith.constant 0 : i32
    %cond3A_3 = arith.cmpi ne, %convert_element_type3A, %cond3A : i32
    scf.if %cond3A_3 {
      "tpu.region"() ({
        %run_scoped3A = tpu.sem_alloc : memref<!tpu.dma_semaphore, #tpu.memory_space<semaphore_mem>>
        tpu.enqueue_dma source(%arg3 : memref<40x128xi32, #tpu.memory_space<hbm>>) target(%arg7 : memref<40x128xi32, #tpu.memory_space<vmem>>) target_semaphore(%run_scoped3A : memref<!tpu.dma_semaphore, #tpu.memory_space<semaphore_mem>>)
        tpu.wait_dma2 semaphore(%run_scoped3A : memref<!tpu.dma_semaphore, #tpu.memory_space<semaphore_mem>>) src(%arg3 : memref<40x128xi32, #tpu.memory_space<hbm>>) dst(%arg7 : memref<40x128xi32, #tpu.memory_space<vmem>>)
        tpu.yield
      }) : () -> ()
      %dma_start3A = arith.constant 0 : i32
      %dma_start3A_4 = arith.constant 0 : i32
      %dma_start3A_5 = arith.constant 0 : i32
      %dma_start3A_6 = tpu.memref_slice %arg8[%dma_start3A_4, %dma_start3A_5] : memref<40x128xf32, #tpu.memory_space<vmem>> -> memref<1x128xf32, #tpu.memory_space<vmem>>
      %dma_start3A_7 = tpu.memref_squeeze %dma_start3A_6 : memref<1x128xf32, #tpu.memory_space<vmem>> -> memref<128xf32, #tpu.memory_space<vmem>>
      %dma_start3A_8 = arith.constant 0 : i32
      %dma_start3A_9 = tpu.memref_slice %arg7[%dma_start3A, %dma_start3A_8] : memref<40x128xi32, #tpu.memory_space<vmem>> -> memref<1x128xi32, #tpu.memory_space<vmem>>
      %dma_start3A_10 = tpu.memref_squeeze %dma_start3A_9 : memref<1x128xi32, #tpu.memory_space<vmem>> -> memref<128xi32, #tpu.memory_space<vmem>>
      %dma_start3A_11 = arith.constant 0 : i32
      %dma_start3A_12 = tpu.memref_slice %arg2[%dma_start3A_11] : memref<10000xf32, #tpu.memory_space<hbm>> -> memref<10000xf32, #tpu.memory_space<hbm>>
      tpu.enqueue_indirect_dma source(%dma_start3A_12 : memref<10000xf32, #tpu.memory_space<hbm>>) target(%dma_start3A_7 : memref<128xf32, #tpu.memory_space<vmem>>) offsets(%dma_start3A_10 : memref<128xi32, #tpu.memory_space<vmem>>) semaphore(%arg11 : memref<!tpu.dma_semaphore, #tpu.memory_space<semaphore_mem>>)
      %dma_start3A_13 = arith.constant 1 : i32
      %dma_start3A_14 = arith.constant 1 : i32
      %dma_start3A_15 = arith.constant 0 : i32
      %dma_start3A_16 = tpu.memref_slice %arg8[%dma_start3A_14, %dma_start3A_15] : memref<40x128xf32, #tpu.memory_space<vmem>> -> memref<1x128xf32, #tpu.memory_space<vmem>>
      %dma_start3A_17 = tpu.memref_squeeze %dma_start3A_16 : memref<1x128xf32, #tpu.memory_space<vmem>> -> memref<128xf32, #tpu.memory_space<vmem>>
      %dma_start3A_18 = arith.constant 0 : i32
      %dma_start3A_19 = tpu.memref_slice %arg7[%dma_start3A_13, %dma_start3A_18] : memref<40x128xi32, #tpu.memory_space<vmem>> -> memref<1x128xi32, #tpu.memory_space<vmem>>
      %dma_start3A_20 = tpu.memref_squeeze %dma_start3A_19 : memref<1x128xi32, #tpu.memory_space<vmem>> -> memref<128xi32, #tpu.memory_space<vmem>>
      %dma_start3A_21 = arith.constant 0 : i32
      %dma_start3A_22 = tpu.memref_slice %arg2[%dma_start3A_21] : memref<10000xf32, #tpu.memory_space<hbm>> -> memref<10000xf32, #tpu.memory_space<hbm>>
      tpu.enqueue_indirect_dma source(%dma_start3A_22 : memref<10000xf32, #tpu.memory_space<hbm>>) target(%dma_start3A_17 : memref<128xf32, #tpu.memory_space<vmem>>) offsets(%dma_start3A_20 : memref<128xi32, #tpu.memory_space<vmem>>) semaphore(%arg11 : memref<!tpu.dma_semaphore, #tpu.memory_space<semaphore_mem>>)
      %dma_start3A_23 = arith.constant 2 : i32
      %dma_start3A_24 = arith.constant 2 : i32
      %dma_start3A_25 = arith.constant 0 : i32
      %dma_start3A_26 = tpu.memref_slice %arg8[%dma_start3A_24, %dma_start3A_25] : memref<40x128xf32, #tpu.memory_space<vmem>> -> memref<1x128xf32, #tpu.memory_space<vmem>>
      %dma_start3A_27 = tpu.memref_squeeze %dma_start3A_26 : memref<1x128xf32, #tpu.memory_space<vmem>> -> memref<128xf32, #tpu.memory_space<vmem>>
      %dma_start3A_28 = arith.constant 0 : i32
      %dma_start3A_29 = tpu.memref_slice %arg7[%dma_start3A_23, %dma_start3A_28] : memref<40x128xi32, #tpu.memory_space<vmem>> -> memref<1x128xi32, #tpu.memory_space<vmem>>
      %dma_start3A_30 = tpu.memref_squeeze %dma_start3A_29 : memref<1x128xi32, #tpu.memory_space<vmem>> -> memref<128xi32, #tpu.memory_space<vmem>>
      %dma_start3A_31 = arith.constant 0 : i32
      %dma_start3A_32 = tpu.memref_slice %arg2[%dma_start3A_31] : memref<10000xf32, #tpu.memory_space<hbm>> -> memref<10000xf32, #tpu.memory_space<hbm>>
      tpu.enqueue_indirect_dma source(%dma_start3A_32 : memref<10000xf32, #tpu.memory_space<hbm>>) target(%dma_start3A_27 : memref<128xf32, #tpu.memory_space<vmem>>) offsets(%dma_start3A_30 : memref<128xi32, #tpu.memory_space<vmem>>) semaphore(%arg11 : memref<!tpu.dma_semaphore, #tpu.memory_space<semaphore_mem>>)
      %dma_start3A_33 = arith.constant 3 : i32
      %dma_start3A_34 = arith.constant 3 : i32
      %dma_start3A_35 = arith.constant 0 : i32
      %dma_start3A_36 = tpu.memref_slice %arg8[%dma_start3A_34, %dma_start3A_35] : memref<40x128xf32, #tpu.memory_space<vmem>> -> memref<1x128xf32, #tpu.memory_space<vmem>>
      %dma_start3A_37 = tpu.memref_squeeze %dma_start3A_36 : memref<1x128xf32, #tpu.memory_space<vmem>> -> memref<128xf32, #tpu.memory_space<vmem>>
      %dma_start3A_38 = arith.constant 0 : i32
      %dma_start3A_39 = tpu.memref_slice %arg7[%dma_start3A_33, %dma_start3A_38] : memref<40x128xi32, #tpu.memory_space<vmem>> -> memref<1x128xi32, #tpu.memory_space<vmem>>
      %dma_start3A_40 = tpu.memref_squeeze %dma_start3A_39 : memref<1x128xi32, #tpu.memory_space<vmem>> -> memref<128xi32, #tpu.memory_space<vmem>>
      %dma_start3A_41 = arith.constant 0 : i32
      %dma_start3A_42 = tpu.memref_slice %arg2[%dma_start3A_41] : memref<10000xf32, #tpu.memory_space<hbm>> -> memref<10000xf32, #tpu.memory_space<hbm>>
      tpu.enqueue_indirect_dma source(%dma_start3A_42 : memref<10000xf32, #tpu.memory_space<hbm>>) target(%dma_start3A_37 : memref<128xf32, #tpu.memory_space<vmem>>) offsets(%dma_start3A_40 : memref<128xi32, #tpu.memory_space<vmem>>) semaphore(%arg11 : memref<!tpu.dma_semaphore, #tpu.memory_space<semaphore_mem>>)
      %dma_start3A_43 = arith.constant 4 : i32
      %dma_start3A_44 = arith.constant 4 : i32
      %dma_start3A_45 = arith.constant 0 : i32
      %dma_start3A_46 = tpu.memref_slice %arg8[%dma_start3A_44, %dma_start3A_45] : memref<40x128xf32, #tpu.memory_space<vmem>> -> memref<1x128xf32, #tpu.memory_space<vmem>>
      %dma_start3A_47 = tpu.memref_squeeze %dma_start3A_46 : memref<1x128xf32, #tpu.memory_space<vmem>> -> memref<128xf32, #tpu.memory_space<vmem>>
      %dma_start3A_48 = arith.constant 0 : i32
      %dma_start3A_49 = tpu.memref_slice %arg7[%dma_start3A_43, %dma_start3A_48] : memref<40x128xi32, #tpu.memory_space<vmem>> -> memref<1x128xi32, #tpu.memory_space<vmem>>
      %dma_start3A_50 = tpu.memref_squeeze %dma_start3A_49 : memref<1x128xi32, #tpu.memory_space<vmem>> -> memref<128xi32, #tpu.memory_space<vmem>>
      %dma_start3A_51 = arith.constant 0 : i32
      %dma_start3A_52 = tpu.memref_slice %arg2[%dma_start3A_51] : memref<10000xf32, #tpu.memory_space<hbm>> -> memref<10000xf32, #tpu.memory_space<hbm>>
      tpu.enqueue_indirect_dma source(%dma_start3A_52 : memref<10000xf32, #tpu.memory_space<hbm>>) target(%dma_start3A_47 : memref<128xf32, #tpu.memory_space<vmem>>) offsets(%dma_start3A_50 : memref<128xi32, #tpu.memory_space<vmem>>) semaphore(%arg11 : memref<!tpu.dma_semaphore, #tpu.memory_space<semaphore_mem>>)
      %dma_start3A_53 = arith.constant 5 : i32
      %dma_start3A_54 = arith.constant 5 : i32
      %dma_start3A_55 = arith.constant 0 : i32
      %dma_start3A_56 = tpu.memref_slice %arg8[%dma_start3A_54, %dma_start3A_55] : memref<40x128xf32, #tpu.memory_space<vmem>> -> memref<1x128xf32, #tpu.memory_space<vmem>>
      %dma_start3A_57 = tpu.memref_squeeze %dma_start3A_56 : memref<1x128xf32, #tpu.memory_space<vmem>> -> memref<128xf32, #tpu.memory_space<vmem>>
      %dma_start3A_58 = arith.constant 0 : i32
      %dma_start3A_59 = tpu.memref_slice %arg7[%dma_start3A_53, %dma_start3A_58] : memref<40x128xi32, #tpu.memory_space<vmem>> -> memref<1x128xi32, #tpu.memory_space<vmem>>
      %dma_start3A_60 = tpu.memref_squeeze %dma_start3A_59 : memref<1x128xi32, #tpu.memory_space<vmem>> -> memref<128xi32, #tpu.memory_space<vmem>>
      %dma_start3A_61 = arith.constant 0 : i32
      %dma_start3A_62 = tpu.memref_slice %arg2[%dma_start3A_61] : memref<10000xf32, #tpu.memory_space<hbm>> -> memref<10000xf32, #tpu.memory_space<hbm>>
      tpu.enqueue_indirect_dma source(%dma_start3A_62 : memref<10000xf32, #tpu.memory_space<hbm>>) target(%dma_start3A_57 : memref<128xf32, #tpu.memory_space<vmem>>) offsets(%dma_start3A_60 : memref<128xi32, #tpu.memory_space<vmem>>) semaphore(%arg11 : memref<!tpu.dma_semaphore, #tpu.memory_space<semaphore_mem>>)
      %dma_start3A_63 = arith.constant 6 : i32
      %dma_start3A_64 = arith.constant 6 : i32
      %dma_start3A_65 = arith.constant 0 : i32
      %dma_start3A_66 = tpu.memref_slice %arg8[%dma_start3A_64, %dma_start3A_65] : memref<40x128xf32, #tpu.memory_space<vmem>> -> memref<1x128xf32, #tpu.memory_space<vmem>>
      %dma_start3A_67 = tpu.memref_squeeze %dma_start3A_66 : memref<1x128xf32, #tpu.memory_space<vmem>> -> memref<128xf32, #tpu.memory_space<vmem>>
      %dma_start3A_68 = arith.constant 0 : i32
      %dma_start3A_69 = tpu.memref_slice %arg7[%dma_start3A_63, %dma_start3A_68] : memref<40x128xi32, #tpu.memory_space<vmem>> -> memref<1x128xi32, #tpu.memory_space<vmem>>
      %dma_start3A_70 = tpu.memref_squeeze %dma_start3A_69 : memref<1x128xi32, #tpu.memory_space<vmem>> -> memref<128xi32, #tpu.memory_space<vmem>>
      %dma_start3A_71 = arith.constant 0 : i32
      %dma_start3A_72 = tpu.memref_slice %arg2[%dma_start3A_71] : memref<10000xf32, #tpu.memory_space<hbm>> -> memref<10000xf32, #tpu.memory_space<hbm>>
      tpu.enqueue_indirect_dma source(%dma_start3A_72 : memref<10000xf32, #tpu.memory_space<hbm>>) target(%dma_start3A_67 : memref<128xf32, #tpu.memory_space<vmem>>) offsets(%dma_start3A_70 : memref<128xi32, #tpu.memory_space<vmem>>) semaphore(%arg11 : memref<!tpu.dma_semaphore, #tpu.memory_space<semaphore_mem>>)
      %dma_start3A_73 = arith.constant 7 : i32
      %dma_start3A_74 = arith.constant 7 : i32
      %dma_start3A_75 = arith.constant 0 : i32
      %dma_start3A_76 = tpu.memref_slice %arg8[%dma_start3A_74, %dma_start3A_75] : memref<40x128xf32, #tpu.memory_space<vmem>> -> memref<1x128xf32, #tpu.memory_space<vmem>>
      %dma_start3A_77 = tpu.memref_squeeze %dma_start3A_76 : memref<1x128xf32, #tpu.memory_space<vmem>> -> memref<128xf32, #tpu.memory_space<vmem>>
      %dma_start3A_78 = arith.constant 0 : i32
      %dma_start3A_79 = tpu.memref_slice %arg7[%dma_start3A_73, %dma_start3A_78] : memref<40x128xi32, #tpu.memory_space<vmem>> -> memref<1x128xi32, #tpu.memory_space<vmem>>
      %dma_start3A_80 = tpu.memref_squeeze %dma_start3A_79 : memref<1x128xi32, #tpu.memory_space<vmem>> -> memref<128xi32, #tpu.memory_space<vmem>>
      %dma_start3A_81 = arith.constant 0 : i32
      %dma_start3A_82 = tpu.memref_slice %arg2[%dma_start3A_81] : memref<10000xf32, #tpu.memory_space<hbm>> -> memref<10000xf32, #tpu.memory_space<hbm>>
      tpu.enqueue_indirect_dma source(%dma_start3A_82 : memref<10000xf32, #tpu.memory_space<hbm>>) target(%dma_start3A_77 : memref<128xf32, #tpu.memory_space<vmem>>) offsets(%dma_start3A_80 : memref<128xi32, #tpu.memory_space<vmem>>) semaphore(%arg11 : memref<!tpu.dma_semaphore, #tpu.memory_space<semaphore_mem>>)
      %dma_start3A_83 = arith.constant 8 : i32
      %dma_start3A_84 = arith.constant 8 : i32
      %dma_start3A_85 = arith.constant 0 : i32
      %dma_start3A_86 = tpu.memref_slice %arg8[%dma_start3A_84, %dma_start3A_85] : memref<40x128xf32, #tpu.memory_space<vmem>> -> memref<1x128xf32, #tpu.memory_space<vmem>>
      %dma_start3A_87 = tpu.memref_squeeze %dma_start3A_86 : memref<1x128xf32, #tpu.memory_space<vmem>> -> memref<128xf32, #tpu.memory_space<vmem>>
      %dma_start3A_88 = arith.constant 0 : i32
      %dma_start3A_89 = tpu.memref_slice %arg7[%dma_start3A_83, %dma_start3A_88] : memref<40x128xi32, #tpu.memory_space<vmem>> -> memref<1x128xi32, #tpu.memory_space<vmem>>
      %dma_start3A_90 = tpu.memref_squeeze %dma_start3A_89 : memref<1x128xi32, #tpu.memory_space<vmem>> -> memref<128xi32, #tpu.memory_space<vmem>>
      %dma_start3A_91 = arith.constant 0 : i32
      %dma_start3A_92 = tpu.memref_slice %arg2[%dma_start3A_91] : memref<10000xf32, #tpu.memory_space<hbm>> -> memref<10000xf32, #tpu.memory_space<hbm>>
      tpu.enqueue_indirect_dma source(%dma_start3A_92 : memref<10000xf32, #tpu.memory_space<hbm>>) target(%dma_start3A_87 : memref<128xf32, #tpu.memory_space<vmem>>) offsets(%dma_start3A_90 : memref<128xi32, #tpu.memory_space<vmem>>) semaphore(%arg11 : memref<!tpu.dma_semaphore, #tpu.memory_space<semaphore_mem>>)
      %dma_start3A_93 = arith.constant 9 : i32
      %dma_start3A_94 = arith.constant 9 : i32
      %dma_start3A_95 = arith.constant 0 : i32
      %dma_start3A_96 = tpu.memref_slice %arg8[%dma_start3A_94, %dma_start3A_95] : memref<40x128xf32, #tpu.memory_space<vmem>> -> memref<1x128xf32, #tpu.memory_space<vmem>>
      %dma_start3A_97 = tpu.memref_squeeze %dma_start3A_96 : memref<1x128xf32, #tpu.memory_space<vmem>> -> memref<128xf32, #tpu.memory_space<vmem>>
      %dma_start3A_98 = arith.constant 0 : i32
      %dma_start3A_99 = tpu.memref_slice %arg7[%dma_start3A_93, %dma_start3A_98] : memref<40x128xi32, #tpu.memory_space<vmem>> -> memref<1x128xi32, #tpu.memory_space<vmem>>
      %dma_start3A_100 = tpu.memref_squeeze %dma_start3A_99 : memref<1x128xi32, #tpu.memory_space<vmem>> -> memref<128xi32, #tpu.memory_space<vmem>>
      %dma_start3A_101 = arith.constant 0 : i32
      %dma_start3A_102 = tpu.memref_slice %arg2[%dma_start3A_101] : memref<10000xf32, #tpu.memory_space<hbm>> -> memref<10000xf32, #tpu.memory_space<hbm>>
      tpu.enqueue_indirect_dma source(%dma_start3A_102 : memref<10000xf32, #tpu.memory_space<hbm>>) target(%dma_start3A_97 : memref<128xf32, #tpu.memory_space<vmem>>) offsets(%dma_start3A_100 : memref<128xi32, #tpu.memory_space<vmem>>) semaphore(%arg11 : memref<!tpu.dma_semaphore, #tpu.memory_space<semaphore_mem>>)
      %dma_start3A_103 = arith.constant 10 : i32
      %dma_start3A_104 = arith.constant 10 : i32
      %dma_start3A_105 = arith.constant 0 : i32
      %dma_start3A_106 = tpu.memref_slice %arg8[%dma_start3A_104, %dma_start3A_105] : memref<40x128xf32, #tpu.memory_space<vmem>> -> memref<1x128xf32, #tpu.memory_space<vmem>>
      %dma_start3A_107 = tpu.memref_squeeze %dma_start3A_106 : memref<1x128xf32, #tpu.memory_space<vmem>> -> memref<128xf32, #tpu.memory_space<vmem>>
      %dma_start3A_108 = arith.constant 0 : i32
      %dma_start3A_109 = tpu.memref_slice %arg7[%dma_start3A_103, %dma_start3A_108] : memref<40x128xi32, #tpu.memory_space<vmem>> -> memref<1x128xi32, #tpu.memory_space<vmem>>
      %dma_start3A_110 = tpu.memref_squeeze %dma_start3A_109 : memref<1x128xi32, #tpu.memory_space<vmem>> -> memref<128xi32, #tpu.memory_space<vmem>>
      %dma_start3A_111 = arith.constant 0 : i32
      %dma_start3A_112 = tpu.memref_slice %arg2[%dma_start3A_111] : memref<10000xf32, #tpu.memory_space<hbm>> -> memref<10000xf32, #tpu.memory_space<hbm>>
      tpu.enqueue_indirect_dma source(%dma_start3A_112 : memref<10000xf32, #tpu.memory_space<hbm>>) target(%dma_start3A_107 : memref<128xf32, #tpu.memory_space<vmem>>) offsets(%dma_start3A_110 : memref<128xi32, #tpu.memory_space<vmem>>) semaphore(%arg11 : memref<!tpu.dma_semaphore, #tpu.memory_space<semaphore_mem>>)
      %dma_start3A_113 = arith.constant 11 : i32
      %dma_start3A_114 = arith.constant 11 : i32
      %dma_start3A_115 = arith.constant 0 : i32
      %dma_start3A_116 = tpu.memref_slice %arg8[%dma_start3A_114, %dma_start3A_115] : memref<40x128xf32, #tpu.memory_space<vmem>> -> memref<1x128xf32, #tpu.memory_space<vmem>>
      %dma_start3A_117 = tpu.memref_squeeze %dma_start3A_116 : memref<1x128xf32, #tpu.memory_space<vmem>> -> memref<128xf32, #tpu.memory_space<vmem>>
      %dma_start3A_118 = arith.constant 0 : i32
      %dma_start3A_119 = tpu.memref_slice %arg7[%dma_start3A_113, %dma_start3A_118] : memref<40x128xi32, #tpu.memory_space<vmem>> -> memref<1x128xi32, #tpu.memory_space<vmem>>
      %dma_start3A_120 = tpu.memref_squeeze %dma_start3A_119 : memref<1x128xi32, #tpu.memory_space<vmem>> -> memref<128xi32, #tpu.memory_space<vmem>>
      %dma_start3A_121 = arith.constant 0 : i32
      %dma_start3A_122 = tpu.memref_slice %arg2[%dma_start3A_121] : memref<10000xf32, #tpu.memory_space<hbm>> -> memref<10000xf32, #tpu.memory_space<hbm>>
      tpu.enqueue_indirect_dma source(%dma_start3A_122 : memref<10000xf32, #tpu.memory_space<hbm>>) target(%dma_start3A_117 : memref<128xf32, #tpu.memory_space<vmem>>) offsets(%dma_start3A_120 : memref<128xi32, #tpu.memory_space<vmem>>) semaphore(%arg11 : memref<!tpu.dma_semaphore, #tpu.memory_space<semaphore_mem>>)
      %dma_start3A_123 = arith.constant 12 : i32
      %dma_start3A_124 = arith.constant 12 : i32
      %dma_start3A_125 = arith.constant 0 : i32
      %dma_start3A_126 = tpu.memref_slice %arg8[%dma_start3A_124, %dma_start3A_125] : memref<40x128xf32, #tpu.memory_space<vmem>> -> memref<1x128xf32, #tpu.memory_space<vmem>>
      %dma_start3A_127 = tpu.memref_squeeze %dma_start3A_126 : memref<1x128xf32, #tpu.memory_space<vmem>> -> memref<128xf32, #tpu.memory_space<vmem>>
      %dma_start3A_128 = arith.constant 0 : i32
      %dma_start3A_129 = tpu.memref_slice %arg7[%dma_start3A_123, %dma_start3A_128] : memref<40x128xi32, #tpu.memory_space<vmem>> -> memref<1x128xi32, #tpu.memory_space<vmem>>
      %dma_start3A_130 = tpu.memref_squeeze %dma_start3A_129 : memref<1x128xi32, #tpu.memory_space<vmem>> -> memref<128xi32, #tpu.memory_space<vmem>>
      %dma_start3A_131 = arith.constant 0 : i32
      %dma_start3A_132 = tpu.memref_slice %arg2[%dma_start3A_131] : memref<10000xf32, #tpu.memory_space<hbm>> -> memref<10000xf32, #tpu.memory_space<hbm>>
      tpu.enqueue_indirect_dma source(%dma_start3A_132 : memref<10000xf32, #tpu.memory_space<hbm>>) target(%dma_start3A_127 : memref<128xf32, #tpu.memory_space<vmem>>) offsets(%dma_start3A_130 : memref<128xi32, #tpu.memory_space<vmem>>) semaphore(%arg11 : memref<!tpu.dma_semaphore, #tpu.memory_space<semaphore_mem>>)
      %dma_start3A_133 = arith.constant 13 : i32
      %dma_start3A_134 = arith.constant 13 : i32
      %dma_start3A_135 = arith.constant 0 : i32
      %dma_start3A_136 = tpu.memref_slice %arg8[%dma_start3A_134, %dma_start3A_135] : memref<40x128xf32, #tpu.memory_space<vmem>> -> memref<1x128xf32, #tpu.memory_space<vmem>>
      %dma_start3A_137 = tpu.memref_squeeze %dma_start3A_136 : memref<1x128xf32, #tpu.memory_space<vmem>> -> memref<128xf32, #tpu.memory_space<vmem>>
      %dma_start3A_138 = arith.constant 0 : i32
      %dma_start3A_139 = tpu.memref_slice %arg7[%dma_start3A_133, %dma_start3A_138] : memref<40x128xi32, #tpu.memory_space<vmem>> -> memref<1x128xi32, #tpu.memory_space<vmem>>
      %dma_start3A_140 = tpu.memref_squeeze %dma_start3A_139 : memref<1x128xi32, #tpu.memory_space<vmem>> -> memref<128xi32, #tpu.memory_space<vmem>>
      %dma_start3A_141 = arith.constant 0 : i32
      %dma_start3A_142 = tpu.memref_slice %arg2[%dma_start3A_141] : memref<10000xf32, #tpu.memory_space<hbm>> -> memref<10000xf32, #tpu.memory_space<hbm>>
      tpu.enqueue_indirect_dma source(%dma_start3A_142 : memref<10000xf32, #tpu.memory_space<hbm>>) target(%dma_start3A_137 : memref<128xf32, #tpu.memory_space<vmem>>) offsets(%dma_start3A_140 : memref<128xi32, #tpu.memory_space<vmem>>) semaphore(%arg11 : memref<!tpu.dma_semaphore, #tpu.memory_space<semaphore_mem>>)
      %dma_start3A_143 = arith.constant 14 : i32
      %dma_start3A_144 = arith.constant 14 : i32
      %dma_start3A_145 = arith.constant 0 : i32
      %dma_start3A_146 = tpu.memref_slice %arg8[%dma_start3A_144, %dma_start3A_145] : memref<40x128xf32, #tpu.memory_space<vmem>> -> memref<1x128xf32, #tpu.memory_space<vmem>>
      %dma_start3A_147 = tpu.memref_squeeze %dma_start3A_146 : memref<1x128xf32, #tpu.memory_space<vmem>> -> memref<128xf32, #tpu.memory_space<vmem>>
      %dma_start3A_148 = arith.constant 0 : i32
      %dma_start3A_149 = tpu.memref_slice %arg7[%dma_start3A_143, %dma_start3A_148] : memref<40x128xi32, #tpu.memory_space<vmem>> -> memref<1x128xi32, #tpu.memory_space<vmem>>
      %dma_start3A_150 = tpu.memref_squeeze %dma_start3A_149 : memref<1x128xi32, #tpu.memory_space<vmem>> -> memref<128xi32, #tpu.memory_space<vmem>>
      %dma_start3A_151 = arith.constant 0 : i32
      %dma_start3A_152 = tpu.memref_slice %arg2[%dma_start3A_151] : memref<10000xf32, #tpu.memory_space<hbm>> -> memref<10000xf32, #tpu.memory_space<hbm>>
      tpu.enqueue_indirect_dma source(%dma_start3A_152 : memref<10000xf32, #tpu.memory_space<hbm>>) target(%dma_start3A_147 : memref<128xf32, #tpu.memory_space<vmem>>) offsets(%dma_start3A_150 : memref<128xi32, #tpu.memory_space<vmem>>) semaphore(%arg11 : memref<!tpu.dma_semaphore, #tpu.memory_space<semaphore_mem>>)
      %dma_start3A_153 = arith.constant 15 : i32
      %dma_start3A_154 = arith.constant 15 : i32
      %dma_start3A_155 = arith.constant 0 : i32
      %dma_start3A_156 = tpu.memref_slice %arg8[%dma_start3A_154, %dma_start3A_155] : memref<40x128xf32, #tpu.memory_space<vmem>> -> memref<1x128xf32, #tpu.memory_space<vmem>>
      %dma_start3A_157 = tpu.memref_squeeze %dma_start3A_156 : memref<1x128xf32, #tpu.memory_space<vmem>> -> memref<128xf32, #tpu.memory_space<vmem>>
      %dma_start3A_158 = arith.constant 0 : i32
      %dma_start3A_159 = tpu.memref_slice %arg7[%dma_start3A_153, %dma_start3A_158] : memref<40x128xi32, #tpu.memory_space<vmem>> -> memref<1x128xi32, #tpu.memory_space<vmem>>
      %dma_start3A_160 = tpu.memref_squeeze %dma_start3A_159 : memref<1x128xi32, #tpu.memory_space<vmem>> -> memref<128xi32, #tpu.memory_space<vmem>>
      %dma_start3A_161 = arith.constant 0 : i32
      %dma_start3A_162 = tpu.memref_slice %arg2[%dma_start3A_161] : memref<10000xf32, #tpu.memory_space<hbm>> -> memref<10000xf32, #tpu.memory_space<hbm>>
      tpu.enqueue_indirect_dma source(%dma_start3A_162 : memref<10000xf32, #tpu.memory_space<hbm>>) target(%dma_start3A_157 : memref<128xf32, #tpu.memory_space<vmem>>) offsets(%dma_start3A_160 : memref<128xi32, #tpu.memory_space<vmem>>) semaphore(%arg11 : memref<!tpu.dma_semaphore, #tpu.memory_space<semaphore_mem>>)
      %dma_start3A_163 = arith.constant 16 : i32
      %dma_start3A_164 = arith.constant 16 : i32
      %dma_start3A_165 = arith.constant 0 : i32
      %dma_start3A_166 = tpu.memref_slice %arg8[%dma_start3A_164, %dma_start3A_165] : memref<40x128xf32, #tpu.memory_space<vmem>> -> memref<1x128xf32, #tpu.memory_space<vmem>>
      %dma_start3A_167 = tpu.memref_squeeze %dma_start3A_166 : memref<1x128xf32, #tpu.memory_space<vmem>> -> memref<128xf32, #tpu.memory_space<vmem>>
      %dma_start3A_168 = arith.constant 0 : i32
      %dma_start3A_169 = tpu.memref_slice %arg7[%dma_start3A_163, %dma_start3A_168] : memref<40x128xi32, #tpu.memory_space<vmem>> -> memref<1x128xi32, #tpu.memory_space<vmem>>
      %dma_start3A_170 = tpu.memref_squeeze %dma_start3A_169 : memref<1x128xi32, #tpu.memory_space<vmem>> -> memref<128xi32, #tpu.memory_space<vmem>>
      %dma_start3A_171 = arith.constant 0 : i32
      %dma_start3A_172 = tpu.memref_slice %arg2[%dma_start3A_171] : memref<10000xf32, #tpu.memory_space<hbm>> -> memref<10000xf32, #tpu.memory_space<hbm>>
      tpu.enqueue_indirect_dma source(%dma_start3A_172 : memref<10000xf32, #tpu.memory_space<hbm>>) target(%dma_start3A_167 : memref<128xf32, #tpu.memory_space<vmem>>) offsets(%dma_start3A_170 : memref<128xi32, #tpu.memory_space<vmem>>) semaphore(%arg11 : memref<!tpu.dma_semaphore, #tpu.memory_space<semaphore_mem>>)
      %dma_start3A_173 = arith.constant 17 : i32
      %dma_start3A_174 = arith.constant 17 : i32
      %dma_start3A_175 = arith.constant 0 : i32
      %dma_start3A_176 = tpu.memref_slice %arg8[%dma_start3A_174, %dma_start3A_175] : memref<40x128xf32, #tpu.memory_space<vmem>> -> memref<1x128xf32, #tpu.memory_space<vmem>>
      %dma_start3A_177 = tpu.memref_squeeze %dma_start3A_176 : memref<1x128xf32, #tpu.memory_space<vmem>> -> memref<128xf32, #tpu.memory_space<vmem>>
      %dma_start3A_178 = arith.constant 0 : i32
      %dma_start3A_179 = tpu.memref_slice %arg7[%dma_start3A_173, %dma_start3A_178] : memref<40x128xi32, #tpu.memory_space<vmem>> -> memref<1x128xi32, #tpu.memory_space<vmem>>
      %dma_start3A_180 = tpu.memref_squeeze %dma_start3A_179 : memref<1x128xi32, #tpu.memory_space<vmem>> -> memref<128xi32, #tpu.memory_space<vmem>>
      %dma_start3A_181 = arith.constant 0 : i32
      %dma_start3A_182 = tpu.memref_slice %arg2[%dma_start3A_181] : memref<10000xf32, #tpu.memory_space<hbm>> -> memref<10000xf32, #tpu.memory_space<hbm>>
      tpu.enqueue_indirect_dma source(%dma_start3A_182 : memref<10000xf32, #tpu.memory_space<hbm>>) target(%dma_start3A_177 : memref<128xf32, #tpu.memory_space<vmem>>) offsets(%dma_start3A_180 : memref<128xi32, #tpu.memory_space<vmem>>) semaphore(%arg11 : memref<!tpu.dma_semaphore, #tpu.memory_space<semaphore_mem>>)
      %dma_start3A_183 = arith.constant 18 : i32
      %dma_start3A_184 = arith.constant 18 : i32
      %dma_start3A_185 = arith.constant 0 : i32
      %dma_start3A_186 = tpu.memref_slice %arg8[%dma_start3A_184, %dma_start3A_185] : memref<40x128xf32, #tpu.memory_space<vmem>> -> memref<1x128xf32, #tpu.memory_space<vmem>>
      %dma_start3A_187 = tpu.memref_squeeze %dma_start3A_186 : memref<1x128xf32, #tpu.memory_space<vmem>> -> memref<128xf32, #tpu.memory_space<vmem>>
      %dma_start3A_188 = arith.constant 0 : i32
      %dma_start3A_189 = tpu.memref_slice %arg7[%dma_start3A_183, %dma_start3A_188] : memref<40x128xi32, #tpu.memory_space<vmem>> -> memref<1x128xi32, #tpu.memory_space<vmem>>
      %dma_start3A_190 = tpu.memref_squeeze %dma_start3A_189 : memref<1x128xi32, #tpu.memory_space<vmem>> -> memref<128xi32, #tpu.memory_space<vmem>>
      %dma_start3A_191 = arith.constant 0 : i32
      %dma_start3A_192 = tpu.memref_slice %arg2[%dma_start3A_191] : memref<10000xf32, #tpu.memory_space<hbm>> -> memref<10000xf32, #tpu.memory_space<hbm>>
      tpu.enqueue_indirect_dma source(%dma_start3A_192 : memref<10000xf32, #tpu.memory_space<hbm>>) target(%dma_start3A_187 : memref<128xf32, #tpu.memory_space<vmem>>) offsets(%dma_start3A_190 : memref<128xi32, #tpu.memory_space<vmem>>) semaphore(%arg11 : memref<!tpu.dma_semaphore, #tpu.memory_space<semaphore_mem>>)
      %dma_start3A_193 = arith.constant 19 : i32
      %dma_start3A_194 = arith.constant 19 : i32
      %dma_start3A_195 = arith.constant 0 : i32
      %dma_start3A_196 = tpu.memref_slice %arg8[%dma_start3A_194, %dma_start3A_195] : memref<40x128xf32, #tpu.memory_space<vmem>> -> memref<1x128xf32, #tpu.memory_space<vmem>>
      %dma_start3A_197 = tpu.memref_squeeze %dma_start3A_196 : memref<1x128xf32, #tpu.memory_space<vmem>> -> memref<128xf32, #tpu.memory_space<vmem>>
      %dma_start3A_198 = arith.constant 0 : i32
      %dma_start3A_199 = tpu.memref_slice %arg7[%dma_start3A_193, %dma_start3A_198] : memref<40x128xi32, #tpu.memory_space<vmem>> -> memref<1x128xi32, #tpu.memory_space<vmem>>
      %dma_start3A_200 = tpu.memref_squeeze %dma_start3A_199 : memref<1x128xi32, #tpu.memory_space<vmem>> -> memref<128xi32, #tpu.memory_space<vmem>>
      %dma_start3A_201 = arith.constant 0 : i32
      %dma_start3A_202 = tpu.memref_slice %arg2[%dma_start3A_201] : memref<10000xf32, #tpu.memory_space<hbm>> -> memref<10000xf32, #tpu.memory_space<hbm>>
      tpu.enqueue_indirect_dma source(%dma_start3A_202 : memref<10000xf32, #tpu.memory_space<hbm>>) target(%dma_start3A_197 : memref<128xf32, #tpu.memory_space<vmem>>) offsets(%dma_start3A_200 : memref<128xi32, #tpu.memory_space<vmem>>) semaphore(%arg11 : memref<!tpu.dma_semaphore, #tpu.memory_space<semaphore_mem>>)
      %dma_start3A_203 = arith.constant 20 : i32
      %dma_start3A_204 = arith.constant 20 : i32
      %dma_start3A_205 = arith.constant 0 : i32
      %dma_start3A_206 = tpu.memref_slice %arg8[%dma_start3A_204, %dma_start3A_205] : memref<40x128xf32, #tpu.memory_space<vmem>> -> memref<1x128xf32, #tpu.memory_space<vmem>>
      %dma_start3A_207 = tpu.memref_squeeze %dma_start3A_206 : memref<1x128xf32, #tpu.memory_space<vmem>> -> memref<128xf32, #tpu.memory_space<vmem>>
      %dma_start3A_208 = arith.constant 0 : i32
      %dma_start3A_209 = tpu.memref_slice %arg7[%dma_start3A_203, %dma_start3A_208] : memref<40x128xi32, #tpu.memory_space<vmem>> -> memref<1x128xi32, #tpu.memory_space<vmem>>
      %dma_start3A_210 = tpu.memref_squeeze %dma_start3A_209 : memref<1x128xi32, #tpu.memory_space<vmem>> -> memref<128xi32, #tpu.memory_space<vmem>>
      %dma_start3A_211 = arith.constant 0 : i32
      %dma_start3A_212 = tpu.memref_slice %arg2[%dma_start3A_211] : memref<10000xf32, #tpu.memory_space<hbm>> -> memref<10000xf32, #tpu.memory_space<hbm>>
      tpu.enqueue_indirect_dma source(%dma_start3A_212 : memref<10000xf32, #tpu.memory_space<hbm>>) target(%dma_start3A_207 : memref<128xf32, #tpu.memory_space<vmem>>) offsets(%dma_start3A_210 : memref<128xi32, #tpu.memory_space<vmem>>) semaphore(%arg11 : memref<!tpu.dma_semaphore, #tpu.memory_space<semaphore_mem>>)
      %dma_start3A_213 = arith.constant 21 : i32
      %dma_start3A_214 = arith.constant 21 : i32
      %dma_start3A_215 = arith.constant 0 : i32
      %dma_start3A_216 = tpu.memref_slice %arg8[%dma_start3A_214, %dma_start3A_215] : memref<40x128xf32, #tpu.memory_space<vmem>> -> memref<1x128xf32, #tpu.memory_space<vmem>>
      %dma_start3A_217 = tpu.memref_squeeze %dma_start3A_216 : memref<1x128xf32, #tpu.memory_space<vmem>> -> memref<128xf32, #tpu.memory_space<vmem>>
      %dma_start3A_218 = arith.constant 0 : i32
      %dma_start3A_219 = tpu.memref_slice %arg7[%dma_start3A_213, %dma_start3A_218] : memref<40x128xi32, #tpu.memory_space<vmem>> -> memref<1x128xi32, #tpu.memory_space<vmem>>
      %dma_start3A_220 = tpu.memref_squeeze %dma_start3A_219 : memref<1x128xi32, #tpu.memory_space<vmem>> -> memref<128xi32, #tpu.memory_space<vmem>>
      %dma_start3A_221 = arith.constant 0 : i32
      %dma_start3A_222 = tpu.memref_slice %arg2[%dma_start3A_221] : memref<10000xf32, #tpu.memory_space<hbm>> -> memref<10000xf32, #tpu.memory_space<hbm>>
      tpu.enqueue_indirect_dma source(%dma_start3A_222 : memref<10000xf32, #tpu.memory_space<hbm>>) target(%dma_start3A_217 : memref<128xf32, #tpu.memory_space<vmem>>) offsets(%dma_start3A_220 : memref<128xi32, #tpu.memory_space<vmem>>) semaphore(%arg11 : memref<!tpu.dma_semaphore, #tpu.memory_space<semaphore_mem>>)
      %dma_start3A_223 = arith.constant 22 : i32
      %dma_start3A_224 = arith.constant 22 : i32
      %dma_start3A_225 = arith.constant 0 : i32
      %dma_start3A_226 = tpu.memref_slice %arg8[%dma_start3A_224, %dma_start3A_225] : memref<40x128xf32, #tpu.memory_space<vmem>> -> memref<1x128xf32, #tpu.memory_space<vmem>>
      %dma_start3A_227 = tpu.memref_squeeze %dma_start3A_226 : memref<1x128xf32, #tpu.memory_space<vmem>> -> memref<128xf32, #tpu.memory_space<vmem>>
      %dma_start3A_228 = arith.constant 0 : i32
      %dma_start3A_229 = tpu.memref_slice %arg7[%dma_start3A_223, %dma_start3A_228] : memref<40x128xi32, #tpu.memory_space<vmem>> -> memref<1x128xi32, #tpu.memory_space<vmem>>
      %dma_start3A_230 = tpu.memref_squeeze %dma_start3A_229 : memref<1x128xi32, #tpu.memory_space<vmem>> -> memref<128xi32, #tpu.memory_space<vmem>>
      %dma_start3A_231 = arith.constant 0 : i32
      %dma_start3A_232 = tpu.memref_slice %arg2[%dma_start3A_231] : memref<10000xf32, #tpu.memory_space<hbm>> -> memref<10000xf32, #tpu.memory_space<hbm>>
      tpu.enqueue_indirect_dma source(%dma_start3A_232 : memref<10000xf32, #tpu.memory_space<hbm>>) target(%dma_start3A_227 : memref<128xf32, #tpu.memory_space<vmem>>) offsets(%dma_start3A_230 : memref<128xi32, #tpu.memory_space<vmem>>) semaphore(%arg11 : memref<!tpu.dma_semaphore, #tpu.memory_space<semaphore_mem>>)
      %dma_start3A_233 = arith.constant 23 : i32
      %dma_start3A_234 = arith.constant 23 : i32
      %dma_start3A_235 = arith.constant 0 : i32
      %dma_start3A_236 = tpu.memref_slice %arg8[%dma_start3A_234, %dma_start3A_235] : memref<40x128xf32, #tpu.memory_space<vmem>> -> memref<1x128xf32, #tpu.memory_space<vmem>>
      %dma_start3A_237 = tpu.memref_squeeze %dma_start3A_236 : memref<1x128xf32, #tpu.memory_space<vmem>> -> memref<128xf32, #tpu.memory_space<vmem>>
      %dma_start3A_238 = arith.constant 0 : i32
      %dma_start3A_239 = tpu.memref_slice %arg7[%dma_start3A_233, %dma_start3A_238] : memref<40x128xi32, #tpu.memory_space<vmem>> -> memref<1x128xi32, #tpu.memory_space<vmem>>
      %dma_start3A_240 = tpu.memref_squeeze %dma_start3A_239 : memref<1x128xi32, #tpu.memory_space<vmem>> -> memref<128xi32, #tpu.memory_space<vmem>>
      %dma_start3A_241 = arith.constant 0 : i32
      %dma_start3A_242 = tpu.memref_slice %arg2[%dma_start3A_241] : memref<10000xf32, #tpu.memory_space<hbm>> -> memref<10000xf32, #tpu.memory_space<hbm>>
      tpu.enqueue_indirect_dma source(%dma_start3A_242 : memref<10000xf32, #tpu.memory_space<hbm>>) target(%dma_start3A_237 : memref<128xf32, #tpu.memory_space<vmem>>) offsets(%dma_start3A_240 : memref<128xi32, #tpu.memory_space<vmem>>) semaphore(%arg11 : memref<!tpu.dma_semaphore, #tpu.memory_space<semaphore_mem>>)
      %dma_start3A_243 = arith.constant 24 : i32
      %dma_start3A_244 = arith.constant 24 : i32
      %dma_start3A_245 = arith.constant 0 : i32
      %dma_start3A_246 = tpu.memref_slice %arg8[%dma_start3A_244, %dma_start3A_245] : memref<40x128xf32, #tpu.memory_space<vmem>> -> memref<1x128xf32, #tpu.memory_space<vmem>>
      %dma_start3A_247 = tpu.memref_squeeze %dma_start3A_246 : memref<1x128xf32, #tpu.memory_space<vmem>> -> memref<128xf32, #tpu.memory_space<vmem>>
      %dma_start3A_248 = arith.constant 0 : i32
      %dma_start3A_249 = tpu.memref_slice %arg7[%dma_start3A_243, %dma_start3A_248] : memref<40x128xi32, #tpu.memory_space<vmem>> -> memref<1x128xi32, #tpu.memory_space<vmem>>
      %dma_start3A_250 = tpu.memref_squeeze %dma_start3A_249 : memref<1x128xi32, #tpu.memory_space<vmem>> -> memref<128xi32, #tpu.memory_space<vmem>>
      %dma_start3A_251 = arith.constant 0 : i32
      %dma_start3A_252 = tpu.memref_slice %arg2[%dma_start3A_251] : memref<10000xf32, #tpu.memory_space<hbm>> -> memref<10000xf32, #tpu.memory_space<hbm>>
      tpu.enqueue_indirect_dma source(%dma_start3A_252 : memref<10000xf32, #tpu.memory_space<hbm>>) target(%dma_start3A_247 : memref<128xf32, #tpu.memory_space<vmem>>) offsets(%dma_start3A_250 : memref<128xi32, #tpu.memory_space<vmem>>) semaphore(%arg11 : memref<!tpu.dma_semaphore, #tpu.memory_space<semaphore_mem>>)
      %dma_start3A_253 = arith.constant 25 : i32
      %dma_start3A_254 = arith.constant 25 : i32
      %dma_start3A_255 = arith.constant 0 : i32
      %dma_start3A_256 = tpu.memref_slice %arg8[%dma_start3A_254, %dma_start3A_255] : memref<40x128xf32, #tpu.memory_space<vmem>> -> memref<1x128xf32, #tpu.memory_space<vmem>>
      %dma_start3A_257 = tpu.memref_squeeze %dma_start3A_256 : memref<1x128xf32, #tpu.memory_space<vmem>> -> memref<128xf32, #tpu.memory_space<vmem>>
      %dma_start3A_258 = arith.constant 0 : i32
      %dma_start3A_259 = tpu.memref_slice %arg7[%dma_start3A_253, %dma_start3A_258] : memref<40x128xi32, #tpu.memory_space<vmem>> -> memref<1x128xi32, #tpu.memory_space<vmem>>
      %dma_start3A_260 = tpu.memref_squeeze %dma_start3A_259 : memref<1x128xi32, #tpu.memory_space<vmem>> -> memref<128xi32, #tpu.memory_space<vmem>>
      %dma_start3A_261 = arith.constant 0 : i32
      %dma_start3A_262 = tpu.memref_slice %arg2[%dma_start3A_261] : memref<10000xf32, #tpu.memory_space<hbm>> -> memref<10000xf32, #tpu.memory_space<hbm>>
      tpu.enqueue_indirect_dma source(%dma_start3A_262 : memref<10000xf32, #tpu.memory_space<hbm>>) target(%dma_start3A_257 : memref<128xf32, #tpu.memory_space<vmem>>) offsets(%dma_start3A_260 : memref<128xi32, #tpu.memory_space<vmem>>) semaphore(%arg11 : memref<!tpu.dma_semaphore, #tpu.memory_space<semaphore_mem>>)
      %dma_start3A_263 = arith.constant 26 : i32
      %dma_start3A_264 = arith.constant 26 : i32
      %dma_start3A_265 = arith.constant 0 : i32
      %dma_start3A_266 = tpu.memref_slice %arg8[%dma_start3A_264, %dma_start3A_265] : memref<40x128xf32, #tpu.memory_space<vmem>> -> memref<1x128xf32, #tpu.memory_space<vmem>>
      %dma_start3A_267 = tpu.memref_squeeze %dma_start3A_266 : memref<1x128xf32, #tpu.memory_space<vmem>> -> memref<128xf32, #tpu.memory_space<vmem>>
      %dma_start3A_268 = arith.constant 0 : i32
      %dma_start3A_269 = tpu.memref_slice %arg7[%dma_start3A_263, %dma_start3A_268] : memref<40x128xi32, #tpu.memory_space<vmem>> -> memref<1x128xi32, #tpu.memory_space<vmem>>
      %dma_start3A_270 = tpu.memref_squeeze %dma_start3A_269 : memref<1x128xi32, #tpu.memory_space<vmem>> -> memref<128xi32, #tpu.memory_space<vmem>>
      %dma_start3A_271 = arith.constant 0 : i32
      %dma_start3A_272 = tpu.memref_slice %arg2[%dma_start3A_271] : memref<10000xf32, #tpu.memory_space<hbm>> -> memref<10000xf32, #tpu.memory_space<hbm>>
      tpu.enqueue_indirect_dma source(%dma_start3A_272 : memref<10000xf32, #tpu.memory_space<hbm>>) target(%dma_start3A_267 : memref<128xf32, #tpu.memory_space<vmem>>) offsets(%dma_start3A_270 : memref<128xi32, #tpu.memory_space<vmem>>) semaphore(%arg11 : memref<!tpu.dma_semaphore, #tpu.memory_space<semaphore_mem>>)
      %dma_start3A_273 = arith.constant 27 : i32
      %dma_start3A_274 = arith.constant 27 : i32
      %dma_start3A_275 = arith.constant 0 : i32
      %dma_start3A_276 = tpu.memref_slice %arg8[%dma_start3A_274, %dma_start3A_275] : memref<40x128xf32, #tpu.memory_space<vmem>> -> memref<1x128xf32, #tpu.memory_space<vmem>>
      %dma_start3A_277 = tpu.memref_squeeze %dma_start3A_276 : memref<1x128xf32, #tpu.memory_space<vmem>> -> memref<128xf32, #tpu.memory_space<vmem>>
      %dma_start3A_278 = arith.constant 0 : i32
      %dma_start3A_279 = tpu.memref_slice %arg7[%dma_start3A_273, %dma_start3A_278] : memref<40x128xi32, #tpu.memory_space<vmem>> -> memref<1x128xi32, #tpu.memory_space<vmem>>
      %dma_start3A_280 = tpu.memref_squeeze %dma_start3A_279 : memref<1x128xi32, #tpu.memory_space<vmem>> -> memref<128xi32, #tpu.memory_space<vmem>>
      %dma_start3A_281 = arith.constant 0 : i32
      %dma_start3A_282 = tpu.memref_slice %arg2[%dma_start3A_281] : memref<10000xf32, #tpu.memory_space<hbm>> -> memref<10000xf32, #tpu.memory_space<hbm>>
      tpu.enqueue_indirect_dma source(%dma_start3A_282 : memref<10000xf32, #tpu.memory_space<hbm>>) target(%dma_start3A_277 : memref<128xf32, #tpu.memory_space<vmem>>) offsets(%dma_start3A_280 : memref<128xi32, #tpu.memory_space<vmem>>) semaphore(%arg11 : memref<!tpu.dma_semaphore, #tpu.memory_space<semaphore_mem>>)
      %dma_start3A_283 = arith.constant 28 : i32
      %dma_start3A_284 = arith.constant 28 : i32
      %dma_start3A_285 = arith.constant 0 : i32
      %dma_start3A_286 = tpu.memref_slice %arg8[%dma_start3A_284, %dma_start3A_285] : memref<40x128xf32, #tpu.memory_space<vmem>> -> memref<1x128xf32, #tpu.memory_space<vmem>>
      %dma_start3A_287 = tpu.memref_squeeze %dma_start3A_286 : memref<1x128xf32, #tpu.memory_space<vmem>> -> memref<128xf32, #tpu.memory_space<vmem>>
      %dma_start3A_288 = arith.constant 0 : i32
      %dma_start3A_289 = tpu.memref_slice %arg7[%dma_start3A_283, %dma_start3A_288] : memref<40x128xi32, #tpu.memory_space<vmem>> -> memref<1x128xi32, #tpu.memory_space<vmem>>
      %dma_start3A_290 = tpu.memref_squeeze %dma_start3A_289 : memref<1x128xi32, #tpu.memory_space<vmem>> -> memref<128xi32, #tpu.memory_space<vmem>>
      %dma_start3A_291 = arith.constant 0 : i32
      %dma_start3A_292 = tpu.memref_slice %arg2[%dma_start3A_291] : memref<10000xf32, #tpu.memory_space<hbm>> -> memref<10000xf32, #tpu.memory_space<hbm>>
      tpu.enqueue_indirect_dma source(%dma_start3A_292 : memref<10000xf32, #tpu.memory_space<hbm>>) target(%dma_start3A_287 : memref<128xf32, #tpu.memory_space<vmem>>) offsets(%dma_start3A_290 : memref<128xi32, #tpu.memory_space<vmem>>) semaphore(%arg11 : memref<!tpu.dma_semaphore, #tpu.memory_space<semaphore_mem>>)
      %dma_start3A_293 = arith.constant 29 : i32
      %dma_start3A_294 = arith.constant 29 : i32
      %dma_start3A_295 = arith.constant 0 : i32
      %dma_start3A_296 = tpu.memref_slice %arg8[%dma_start3A_294, %dma_start3A_295] : memref<40x128xf32, #tpu.memory_space<vmem>> -> memref<1x128xf32, #tpu.memory_space<vmem>>
      %dma_start3A_297 = tpu.memref_squeeze %dma_start3A_296 : memref<1x128xf32, #tpu.memory_space<vmem>> -> memref<128xf32, #tpu.memory_space<vmem>>
      %dma_start3A_298 = arith.constant 0 : i32
      %dma_start3A_299 = tpu.memref_slice %arg7[%dma_start3A_293, %dma_start3A_298] : memref<40x128xi32, #tpu.memory_space<vmem>> -> memref<1x128xi32, #tpu.memory_space<vmem>>
      %dma_start3A_300 = tpu.memref_squeeze %dma_start3A_299 : memref<1x128xi32, #tpu.memory_space<vmem>> -> memref<128xi32, #tpu.memory_space<vmem>>
      %dma_start3A_301 = arith.constant 0 : i32
      %dma_start3A_302 = tpu.memref_slice %arg2[%dma_start3A_301] : memref<10000xf32, #tpu.memory_space<hbm>> -> memref<10000xf32, #tpu.memory_space<hbm>>
      tpu.enqueue_indirect_dma source(%dma_start3A_302 : memref<10000xf32, #tpu.memory_space<hbm>>) target(%dma_start3A_297 : memref<128xf32, #tpu.memory_space<vmem>>) offsets(%dma_start3A_300 : memref<128xi32, #tpu.memory_space<vmem>>) semaphore(%arg11 : memref<!tpu.dma_semaphore, #tpu.memory_space<semaphore_mem>>)
      %dma_start3A_303 = arith.constant 30 : i32
      %dma_start3A_304 = arith.constant 30 : i32
      %dma_start3A_305 = arith.constant 0 : i32
      %dma_start3A_306 = tpu.memref_slice %arg8[%dma_start3A_304, %dma_start3A_305] : memref<40x128xf32, #tpu.memory_space<vmem>> -> memref<1x128xf32, #tpu.memory_space<vmem>>
      %dma_start3A_307 = tpu.memref_squeeze %dma_start3A_306 : memref<1x128xf32, #tpu.memory_space<vmem>> -> memref<128xf32, #tpu.memory_space<vmem>>
      %dma_start3A_308 = arith.constant 0 : i32
      %dma_start3A_309 = tpu.memref_slice %arg7[%dma_start3A_303, %dma_start3A_308] : memref<40x128xi32, #tpu.memory_space<vmem>> -> memref<1x128xi32, #tpu.memory_space<vmem>>
      %dma_start3A_310 = tpu.memref_squeeze %dma_start3A_309 : memref<1x128xi32, #tpu.memory_space<vmem>> -> memref<128xi32, #tpu.memory_space<vmem>>
      %dma_start3A_311 = arith.constant 0 : i32
      %dma_start3A_312 = tpu.memref_slice %arg2[%dma_start3A_311] : memref<10000xf32, #tpu.memory_space<hbm>> -> memref<10000xf32, #tpu.memory_space<hbm>>
      tpu.enqueue_indirect_dma source(%dma_start3A_312 : memref<10000xf32, #tpu.memory_space<hbm>>) target(%dma_start3A_307 : memref<128xf32, #tpu.memory_space<vmem>>) offsets(%dma_start3A_310 : memref<128xi32, #tpu.memory_space<vmem>>) semaphore(%arg11 : memref<!tpu.dma_semaphore, #tpu.memory_space<semaphore_mem>>)
      %dma_start3A_313 = arith.constant 31 : i32
      %dma_start3A_314 = arith.constant 31 : i32
      %dma_start3A_315 = arith.constant 0 : i32
      %dma_start3A_316 = tpu.memref_slice %arg8[%dma_start3A_314, %dma_start3A_315] : memref<40x128xf32, #tpu.memory_space<vmem>> -> memref<1x128xf32, #tpu.memory_space<vmem>>
      %dma_start3A_317 = tpu.memref_squeeze %dma_start3A_316 : memref<1x128xf32, #tpu.memory_space<vmem>> -> memref<128xf32, #tpu.memory_space<vmem>>
      %dma_start3A_318 = arith.constant 0 : i32
      %dma_start3A_319 = tpu.memref_slice %arg7[%dma_start3A_313, %dma_start3A_318] : memref<40x128xi32, #tpu.memory_space<vmem>> -> memref<1x128xi32, #tpu.memory_space<vmem>>
      %dma_start3A_320 = tpu.memref_squeeze %dma_start3A_319 : memref<1x128xi32, #tpu.memory_space<vmem>> -> memref<128xi32, #tpu.memory_space<vmem>>
      %dma_start3A_321 = arith.constant 0 : i32
      %dma_start3A_322 = tpu.memref_slice %arg2[%dma_start3A_321] : memref<10000xf32, #tpu.memory_space<hbm>> -> memref<10000xf32, #tpu.memory_space<hbm>>
      tpu.enqueue_indirect_dma source(%dma_start3A_322 : memref<10000xf32, #tpu.memory_space<hbm>>) target(%dma_start3A_317 : memref<128xf32, #tpu.memory_space<vmem>>) offsets(%dma_start3A_320 : memref<128xi32, #tpu.memory_space<vmem>>) semaphore(%arg11 : memref<!tpu.dma_semaphore, #tpu.memory_space<semaphore_mem>>)
      %dma_start3A_323 = arith.constant 32 : i32
      %dma_start3A_324 = arith.constant 32 : i32
      %dma_start3A_325 = arith.constant 0 : i32
      %dma_start3A_326 = tpu.memref_slice %arg8[%dma_start3A_324, %dma_start3A_325] : memref<40x128xf32, #tpu.memory_space<vmem>> -> memref<1x128xf32, #tpu.memory_space<vmem>>
      %dma_start3A_327 = tpu.memref_squeeze %dma_start3A_326 : memref<1x128xf32, #tpu.memory_space<vmem>> -> memref<128xf32, #tpu.memory_space<vmem>>
      %dma_start3A_328 = arith.constant 0 : i32
      %dma_start3A_329 = tpu.memref_slice %arg7[%dma_start3A_323, %dma_start3A_328] : memref<40x128xi32, #tpu.memory_space<vmem>> -> memref<1x128xi32, #tpu.memory_space<vmem>>
      %dma_start3A_330 = tpu.memref_squeeze %dma_start3A_329 : memref<1x128xi32, #tpu.memory_space<vmem>> -> memref<128xi32, #tpu.memory_space<vmem>>
      %dma_start3A_331 = arith.constant 0 : i32
      %dma_start3A_332 = tpu.memref_slice %arg2[%dma_start3A_331] : memref<10000xf32, #tpu.memory_space<hbm>> -> memref<10000xf32, #tpu.memory_space<hbm>>
      tpu.enqueue_indirect_dma source(%dma_start3A_332 : memref<10000xf32, #tpu.memory_space<hbm>>) target(%dma_start3A_327 : memref<128xf32, #tpu.memory_space<vmem>>) offsets(%dma_start3A_330 : memref<128xi32, #tpu.memory_space<vmem>>) semaphore(%arg11 : memref<!tpu.dma_semaphore, #tpu.memory_space<semaphore_mem>>)
      %dma_start3A_333 = arith.constant 33 : i32
      %dma_start3A_334 = arith.constant 33 : i32
      %dma_start3A_335 = arith.constant 0 : i32
      %dma_start3A_336 = tpu.memref_slice %arg8[%dma_start3A_334, %dma_start3A_335] : memref<40x128xf32, #tpu.memory_space<vmem>> -> memref<1x128xf32, #tpu.memory_space<vmem>>
      %dma_start3A_337 = tpu.memref_squeeze %dma_start3A_336 : memref<1x128xf32, #tpu.memory_space<vmem>> -> memref<128xf32, #tpu.memory_space<vmem>>
      %dma_start3A_338 = arith.constant 0 : i32
      %dma_start3A_339 = tpu.memref_slice %arg7[%dma_start3A_333, %dma_start3A_338] : memref<40x128xi32, #tpu.memory_space<vmem>> -> memref<1x128xi32, #tpu.memory_space<vmem>>
      %dma_start3A_340 = tpu.memref_squeeze %dma_start3A_339 : memref<1x128xi32, #tpu.memory_space<vmem>> -> memref<128xi32, #tpu.memory_space<vmem>>
      %dma_start3A_341 = arith.constant 0 : i32
      %dma_start3A_342 = tpu.memref_slice %arg2[%dma_start3A_341] : memref<10000xf32, #tpu.memory_space<hbm>> -> memref<10000xf32, #tpu.memory_space<hbm>>
      tpu.enqueue_indirect_dma source(%dma_start3A_342 : memref<10000xf32, #tpu.memory_space<hbm>>) target(%dma_start3A_337 : memref<128xf32, #tpu.memory_space<vmem>>) offsets(%dma_start3A_340 : memref<128xi32, #tpu.memory_space<vmem>>) semaphore(%arg11 : memref<!tpu.dma_semaphore, #tpu.memory_space<semaphore_mem>>)
      %dma_start3A_343 = arith.constant 34 : i32
      %dma_start3A_344 = arith.constant 34 : i32
      %dma_start3A_345 = arith.constant 0 : i32
      %dma_start3A_346 = tpu.memref_slice %arg8[%dma_start3A_344, %dma_start3A_345] : memref<40x128xf32, #tpu.memory_space<vmem>> -> memref<1x128xf32, #tpu.memory_space<vmem>>
      %dma_start3A_347 = tpu.memref_squeeze %dma_start3A_346 : memref<1x128xf32, #tpu.memory_space<vmem>> -> memref<128xf32, #tpu.memory_space<vmem>>
      %dma_start3A_348 = arith.constant 0 : i32
      %dma_start3A_349 = tpu.memref_slice %arg7[%dma_start3A_343, %dma_start3A_348] : memref<40x128xi32, #tpu.memory_space<vmem>> -> memref<1x128xi32, #tpu.memory_space<vmem>>
      %dma_start3A_350 = tpu.memref_squeeze %dma_start3A_349 : memref<1x128xi32, #tpu.memory_space<vmem>> -> memref<128xi32, #tpu.memory_space<vmem>>
      %dma_start3A_351 = arith.constant 0 : i32
      %dma_start3A_352 = tpu.memref_slice %arg2[%dma_start3A_351] : memref<10000xf32, #tpu.memory_space<hbm>> -> memref<10000xf32, #tpu.memory_space<hbm>>
      tpu.enqueue_indirect_dma source(%dma_start3A_352 : memref<10000xf32, #tpu.memory_space<hbm>>) target(%dma_start3A_347 : memref<128xf32, #tpu.memory_space<vmem>>) offsets(%dma_start3A_350 : memref<128xi32, #tpu.memory_space<vmem>>) semaphore(%arg11 : memref<!tpu.dma_semaphore, #tpu.memory_space<semaphore_mem>>)
      %dma_start3A_353 = arith.constant 35 : i32
      %dma_start3A_354 = arith.constant 35 : i32
      %dma_start3A_355 = arith.constant 0 : i32
      %dma_start3A_356 = tpu.memref_slice %arg8[%dma_start3A_354, %dma_start3A_355] : memref<40x128xf32, #tpu.memory_space<vmem>> -> memref<1x128xf32, #tpu.memory_space<vmem>>
      %dma_start3A_357 = tpu.memref_squeeze %dma_start3A_356 : memref<1x128xf32, #tpu.memory_space<vmem>> -> memref<128xf32, #tpu.memory_space<vmem>>
      %dma_start3A_358 = arith.constant 0 : i32
      %dma_start3A_359 = tpu.memref_slice %arg7[%dma_start3A_353, %dma_start3A_358] : memref<40x128xi32, #tpu.memory_space<vmem>> -> memref<1x128xi32, #tpu.memory_space<vmem>>
      %dma_start3A_360 = tpu.memref_squeeze %dma_start3A_359 : memref<1x128xi32, #tpu.memory_space<vmem>> -> memref<128xi32, #tpu.memory_space<vmem>>
      %dma_start3A_361 = arith.constant 0 : i32
      %dma_start3A_362 = tpu.memref_slice %arg2[%dma_start3A_361] : memref<10000xf32, #tpu.memory_space<hbm>> -> memref<10000xf32, #tpu.memory_space<hbm>>
      tpu.enqueue_indirect_dma source(%dma_start3A_362 : memref<10000xf32, #tpu.memory_space<hbm>>) target(%dma_start3A_357 : memref<128xf32, #tpu.memory_space<vmem>>) offsets(%dma_start3A_360 : memref<128xi32, #tpu.memory_space<vmem>>) semaphore(%arg11 : memref<!tpu.dma_semaphore, #tpu.memory_space<semaphore_mem>>)
      %dma_start3A_363 = arith.constant 36 : i32
      %dma_start3A_364 = arith.constant 36 : i32
      %dma_start3A_365 = arith.constant 0 : i32
      %dma_start3A_366 = tpu.memref_slice %arg8[%dma_start3A_364, %dma_start3A_365] : memref<40x128xf32, #tpu.memory_space<vmem>> -> memref<1x128xf32, #tpu.memory_space<vmem>>
      %dma_start3A_367 = tpu.memref_squeeze %dma_start3A_366 : memref<1x128xf32, #tpu.memory_space<vmem>> -> memref<128xf32, #tpu.memory_space<vmem>>
      %dma_start3A_368 = arith.constant 0 : i32
      %dma_start3A_369 = tpu.memref_slice %arg7[%dma_start3A_363, %dma_start3A_368] : memref<40x128xi32, #tpu.memory_space<vmem>> -> memref<1x128xi32, #tpu.memory_space<vmem>>
      %dma_start3A_370 = tpu.memref_squeeze %dma_start3A_369 : memref<1x128xi32, #tpu.memory_space<vmem>> -> memref<128xi32, #tpu.memory_space<vmem>>
      %dma_start3A_371 = arith.constant 0 : i32
      %dma_start3A_372 = tpu.memref_slice %arg2[%dma_start3A_371] : memref<10000xf32, #tpu.memory_space<hbm>> -> memref<10000xf32, #tpu.memory_space<hbm>>
      tpu.enqueue_indirect_dma source(%dma_start3A_372 : memref<10000xf32, #tpu.memory_space<hbm>>) target(%dma_start3A_367 : memref<128xf32, #tpu.memory_space<vmem>>) offsets(%dma_start3A_370 : memref<128xi32, #tpu.memory_space<vmem>>) semaphore(%arg11 : memref<!tpu.dma_semaphore, #tpu.memory_space<semaphore_mem>>)
      %dma_start3A_373 = arith.constant 37 : i32
      %dma_start3A_374 = arith.constant 37 : i32
      %dma_start3A_375 = arith.constant 0 : i32
      %dma_start3A_376 = tpu.memref_slice %arg8[%dma_start3A_374, %dma_start3A_375] : memref<40x128xf32, #tpu.memory_space<vmem>> -> memref<1x128xf32, #tpu.memory_space<vmem>>
      %dma_start3A_377 = tpu.memref_squeeze %dma_start3A_376 : memref<1x128xf32, #tpu.memory_space<vmem>> -> memref<128xf32, #tpu.memory_space<vmem>>
      %dma_start3A_378 = arith.constant 0 : i32
      %dma_start3A_379 = tpu.memref_slice %arg7[%dma_start3A_373, %dma_start3A_378] : memref<40x128xi32, #tpu.memory_space<vmem>> -> memref<1x128xi32, #tpu.memory_space<vmem>>
      %dma_start3A_380 = tpu.memref_squeeze %dma_start3A_379 : memref<1x128xi32, #tpu.memory_space<vmem>> -> memref<128xi32, #tpu.memory_space<vmem>>
      %dma_start3A_381 = arith.constant 0 : i32
      %dma_start3A_382 = tpu.memref_slice %arg2[%dma_start3A_381] : memref<10000xf32, #tpu.memory_space<hbm>> -> memref<10000xf32, #tpu.memory_space<hbm>>
      tpu.enqueue_indirect_dma source(%dma_start3A_382 : memref<10000xf32, #tpu.memory_space<hbm>>) target(%dma_start3A_377 : memref<128xf32, #tpu.memory_space<vmem>>) offsets(%dma_start3A_380 : memref<128xi32, #tpu.memory_space<vmem>>) semaphore(%arg11 : memref<!tpu.dma_semaphore, #tpu.memory_space<semaphore_mem>>)
      %dma_start3A_383 = arith.constant 38 : i32
      %dma_start3A_384 = arith.constant 38 : i32
      %dma_start3A_385 = arith.constant 0 : i32
      %dma_start3A_386 = tpu.memref_slice %arg8[%dma_start3A_384, %dma_start3A_385] : memref<40x128xf32, #tpu.memory_space<vmem>> -> memref<1x128xf32, #tpu.memory_space<vmem>>
      %dma_start3A_387 = tpu.memref_squeeze %dma_start3A_386 : memref<1x128xf32, #tpu.memory_space<vmem>> -> memref<128xf32, #tpu.memory_space<vmem>>
      %dma_start3A_388 = arith.constant 0 : i32
      %dma_start3A_389 = tpu.memref_slice %arg7[%dma_start3A_383, %dma_start3A_388] : memref<40x128xi32, #tpu.memory_space<vmem>> -> memref<1x128xi32, #tpu.memory_space<vmem>>
      %dma_start3A_390 = tpu.memref_squeeze %dma_start3A_389 : memref<1x128xi32, #tpu.memory_space<vmem>> -> memref<128xi32, #tpu.memory_space<vmem>>
      %dma_start3A_391 = arith.constant 0 : i32
      %dma_start3A_392 = tpu.memref_slice %arg2[%dma_start3A_391] : memref<10000xf32, #tpu.memory_space<hbm>> -> memref<10000xf32, #tpu.memory_space<hbm>>
      tpu.enqueue_indirect_dma source(%dma_start3A_392 : memref<10000xf32, #tpu.memory_space<hbm>>) target(%dma_start3A_387 : memref<128xf32, #tpu.memory_space<vmem>>) offsets(%dma_start3A_390 : memref<128xi32, #tpu.memory_space<vmem>>) semaphore(%arg11 : memref<!tpu.dma_semaphore, #tpu.memory_space<semaphore_mem>>)
      %dma_start3A_393 = arith.constant 39 : i32
      %dma_start3A_394 = arith.constant 39 : i32
      %dma_start3A_395 = arith.constant 0 : i32
      %dma_start3A_396 = tpu.memref_slice %arg8[%dma_start3A_394, %dma_start3A_395] : memref<40x128xf32, #tpu.memory_space<vmem>> -> memref<1x128xf32, #tpu.memory_space<vmem>>
      %dma_start3A_397 = tpu.memref_squeeze %dma_start3A_396 : memref<1x128xf32, #tpu.memory_space<vmem>> -> memref<128xf32, #tpu.memory_space<vmem>>
      %dma_start3A_398 = arith.constant 0 : i32
      %dma_start3A_399 = tpu.memref_slice %arg7[%dma_start3A_393, %dma_start3A_398] : memref<40x128xi32, #tpu.memory_space<vmem>> -> memref<1x128xi32, #tpu.memory_space<vmem>>
      %dma_start3A_400 = tpu.memref_squeeze %dma_start3A_399 : memref<1x128xi32, #tpu.memory_space<vmem>> -> memref<128xi32, #tpu.memory_space<vmem>>
      %dma_start3A_401 = arith.constant 0 : i32
      %dma_start3A_402 = tpu.memref_slice %arg2[%dma_start3A_401] : memref<10000xf32, #tpu.memory_space<hbm>> -> memref<10000xf32, #tpu.memory_space<hbm>>
      tpu.enqueue_indirect_dma source(%dma_start3A_402 : memref<10000xf32, #tpu.memory_space<hbm>>) target(%dma_start3A_397 : memref<128xf32, #tpu.memory_space<vmem>>) offsets(%dma_start3A_400 : memref<128xi32, #tpu.memory_space<vmem>>) semaphore(%arg11 : memref<!tpu.dma_semaphore, #tpu.memory_space<semaphore_mem>>)
      %dma_wait3A = arith.constant 0 : i32
      %dma_wait3A_403 = arith.constant 0 : i32
      %dma_wait3A_404 = arith.constant 0 : i32
      %dma_wait3A_405 = tpu.memref_slice %arg8[%dma_wait3A_403, %dma_wait3A_404] : memref<40x128xf32, #tpu.memory_space<vmem>> -> memref<1x128xf32, #tpu.memory_space<vmem>>
      %dma_wait3A_406 = tpu.memref_squeeze %dma_wait3A_405 : memref<1x128xf32, #tpu.memory_space<vmem>> -> memref<128xf32, #tpu.memory_space<vmem>>
      %dma_wait3A_407 = arith.constant 0 : i32
      %dma_wait3A_408 = tpu.memref_slice %arg7[%dma_wait3A, %dma_wait3A_407] : memref<40x128xi32, #tpu.memory_space<vmem>> -> memref<1x128xi32, #tpu.memory_space<vmem>>
      %dma_wait3A_409 = tpu.memref_squeeze %dma_wait3A_408 : memref<1x128xi32, #tpu.memory_space<vmem>> -> memref<128xi32, #tpu.memory_space<vmem>>
      %dma_wait3A_410 = arith.constant 0 : i32
      %dma_wait3A_411 = tpu.memref_slice %arg2[%dma_wait3A_410] : memref<10000xf32, #tpu.memory_space<hbm>> -> memref<10000xf32, #tpu.memory_space<hbm>>
      tpu.wait_indirect_dma semaphore(%arg11 : memref<!tpu.dma_semaphore, #tpu.memory_space<semaphore_mem>>) src(%dma_wait3A_411 : memref<10000xf32, #tpu.memory_space<hbm>>) dst(%dma_wait3A_406 : memref<128xf32, #tpu.memory_space<vmem>>)
      %dma_wait3A_412 = arith.constant 1 : i32
      %dma_wait3A_413 = arith.constant 1 : i32
      %dma_wait3A_414 = arith.constant 0 : i32
      %dma_wait3A_415 = tpu.memref_slice %arg8[%dma_wait3A_413, %dma_wait3A_414] : memref<40x128xf32, #tpu.memory_space<vmem>> -> memref<1x128xf32, #tpu.memory_space<vmem>>
      %dma_wait3A_416 = tpu.memref_squeeze %dma_wait3A_415 : memref<1x128xf32, #tpu.memory_space<vmem>> -> memref<128xf32, #tpu.memory_space<vmem>>
      %dma_wait3A_417 = arith.constant 0 : i32
      %dma_wait3A_418 = tpu.memref_slice %arg7[%dma_wait3A_412, %dma_wait3A_417] : memref<40x128xi32, #tpu.memory_space<vmem>> -> memref<1x128xi32, #tpu.memory_space<vmem>>
      %dma_wait3A_419 = tpu.memref_squeeze %dma_wait3A_418 : memref<1x128xi32, #tpu.memory_space<vmem>> -> memref<128xi32, #tpu.memory_space<vmem>>
      %dma_wait3A_420 = arith.constant 0 : i32
      %dma_wait3A_421 = tpu.memref_slice %arg2[%dma_wait3A_420] : memref<10000xf32, #tpu.memory_space<hbm>> -> memref<10000xf32, #tpu.memory_space<hbm>>
      tpu.wait_indirect_dma semaphore(%arg11 : memref<!tpu.dma_semaphore, #tpu.memory_space<semaphore_mem>>) src(%dma_wait3A_421 : memref<10000xf32, #tpu.memory_space<hbm>>) dst(%dma_wait3A_416 : memref<128xf32, #tpu.memory_space<vmem>>)
      %dma_wait3A_422 = arith.constant 2 : i32
      %dma_wait3A_423 = arith.constant 2 : i32
      %dma_wait3A_424 = arith.constant 0 : i32
      %dma_wait3A_425 = tpu.memref_slice %arg8[%dma_wait3A_423, %dma_wait3A_424] : memref<40x128xf32, #tpu.memory_space<vmem>> -> memref<1x128xf32, #tpu.memory_space<vmem>>
      %dma_wait3A_426 = tpu.memref_squeeze %dma_wait3A_425 : memref<1x128xf32, #tpu.memory_space<vmem>> -> memref<128xf32, #tpu.memory_space<vmem>>
      %dma_wait3A_427 = arith.constant 0 : i32
      %dma_wait3A_428 = tpu.memref_slice %arg7[%dma_wait3A_422, %dma_wait3A_427] : memref<40x128xi32, #tpu.memory_space<vmem>> -> memref<1x128xi32, #tpu.memory_space<vmem>>
      %dma_wait3A_429 = tpu.memref_squeeze %dma_wait3A_428 : memref<1x128xi32, #tpu.memory_space<vmem>> -> memref<128xi32, #tpu.memory_space<vmem>>
      %dma_wait3A_430 = arith.constant 0 : i32
      %dma_wait3A_431 = tpu.memref_slice %arg2[%dma_wait3A_430] : memref<10000xf32, #tpu.memory_space<hbm>> -> memref<10000xf32, #tpu.memory_space<hbm>>
      tpu.wait_indirect_dma semaphore(%arg11 : memref<!tpu.dma_semaphore, #tpu.memory_space<semaphore_mem>>) src(%dma_wait3A_431 : memref<10000xf32, #tpu.memory_space<hbm>>) dst(%dma_wait3A_426 : memref<128xf32, #tpu.memory_space<vmem>>)
      %dma_wait3A_432 = arith.constant 3 : i32
      %dma_wait3A_433 = arith.constant 3 : i32
      %dma_wait3A_434 = arith.constant 0 : i32
      %dma_wait3A_435 = tpu.memref_slice %arg8[%dma_wait3A_433, %dma_wait3A_434] : memref<40x128xf32, #tpu.memory_space<vmem>> -> memref<1x128xf32, #tpu.memory_space<vmem>>
      %dma_wait3A_436 = tpu.memref_squeeze %dma_wait3A_435 : memref<1x128xf32, #tpu.memory_space<vmem>> -> memref<128xf32, #tpu.memory_space<vmem>>
      %dma_wait3A_437 = arith.constant 0 : i32
      %dma_wait3A_438 = tpu.memref_slice %arg7[%dma_wait3A_432, %dma_wait3A_437] : memref<40x128xi32, #tpu.memory_space<vmem>> -> memref<1x128xi32, #tpu.memory_space<vmem>>
      %dma_wait3A_439 = tpu.memref_squeeze %dma_wait3A_438 : memref<1x128xi32, #tpu.memory_space<vmem>> -> memref<128xi32, #tpu.memory_space<vmem>>
      %dma_wait3A_440 = arith.constant 0 : i32
      %dma_wait3A_441 = tpu.memref_slice %arg2[%dma_wait3A_440] : memref<10000xf32, #tpu.memory_space<hbm>> -> memref<10000xf32, #tpu.memory_space<hbm>>
      tpu.wait_indirect_dma semaphore(%arg11 : memref<!tpu.dma_semaphore, #tpu.memory_space<semaphore_mem>>) src(%dma_wait3A_441 : memref<10000xf32, #tpu.memory_space<hbm>>) dst(%dma_wait3A_436 : memref<128xf32, #tpu.memory_space<vmem>>)
      %dma_wait3A_442 = arith.constant 4 : i32
      %dma_wait3A_443 = arith.constant 4 : i32
      %dma_wait3A_444 = arith.constant 0 : i32
      %dma_wait3A_445 = tpu.memref_slice %arg8[%dma_wait3A_443, %dma_wait3A_444] : memref<40x128xf32, #tpu.memory_space<vmem>> -> memref<1x128xf32, #tpu.memory_space<vmem>>
      %dma_wait3A_446 = tpu.memref_squeeze %dma_wait3A_445 : memref<1x128xf32, #tpu.memory_space<vmem>> -> memref<128xf32, #tpu.memory_space<vmem>>
      %dma_wait3A_447 = arith.constant 0 : i32
      %dma_wait3A_448 = tpu.memref_slice %arg7[%dma_wait3A_442, %dma_wait3A_447] : memref<40x128xi32, #tpu.memory_space<vmem>> -> memref<1x128xi32, #tpu.memory_space<vmem>>
      %dma_wait3A_449 = tpu.memref_squeeze %dma_wait3A_448 : memref<1x128xi32, #tpu.memory_space<vmem>> -> memref<128xi32, #tpu.memory_space<vmem>>
      %dma_wait3A_450 = arith.constant 0 : i32
      %dma_wait3A_451 = tpu.memref_slice %arg2[%dma_wait3A_450] : memref<10000xf32, #tpu.memory_space<hbm>> -> memref<10000xf32, #tpu.memory_space<hbm>>
      tpu.wait_indirect_dma semaphore(%arg11 : memref<!tpu.dma_semaphore, #tpu.memory_space<semaphore_mem>>) src(%dma_wait3A_451 : memref<10000xf32, #tpu.memory_space<hbm>>) dst(%dma_wait3A_446 : memref<128xf32, #tpu.memory_space<vmem>>)
      %dma_wait3A_452 = arith.constant 5 : i32
      %dma_wait3A_453 = arith.constant 5 : i32
      %dma_wait3A_454 = arith.constant 0 : i32
      %dma_wait3A_455 = tpu.memref_slice %arg8[%dma_wait3A_453, %dma_wait3A_454] : memref<40x128xf32, #tpu.memory_space<vmem>> -> memref<1x128xf32, #tpu.memory_space<vmem>>
      %dma_wait3A_456 = tpu.memref_squeeze %dma_wait3A_455 : memref<1x128xf32, #tpu.memory_space<vmem>> -> memref<128xf32, #tpu.memory_space<vmem>>
      %dma_wait3A_457 = arith.constant 0 : i32
      %dma_wait3A_458 = tpu.memref_slice %arg7[%dma_wait3A_452, %dma_wait3A_457] : memref<40x128xi32, #tpu.memory_space<vmem>> -> memref<1x128xi32, #tpu.memory_space<vmem>>
      %dma_wait3A_459 = tpu.memref_squeeze %dma_wait3A_458 : memref<1x128xi32, #tpu.memory_space<vmem>> -> memref<128xi32, #tpu.memory_space<vmem>>
      %dma_wait3A_460 = arith.constant 0 : i32
      %dma_wait3A_461 = tpu.memref_slice %arg2[%dma_wait3A_460] : memref<10000xf32, #tpu.memory_space<hbm>> -> memref<10000xf32, #tpu.memory_space<hbm>>
      tpu.wait_indirect_dma semaphore(%arg11 : memref<!tpu.dma_semaphore, #tpu.memory_space<semaphore_mem>>) src(%dma_wait3A_461 : memref<10000xf32, #tpu.memory_space<hbm>>) dst(%dma_wait3A_456 : memref<128xf32, #tpu.memory_space<vmem>>)
      %dma_wait3A_462 = arith.constant 6 : i32
      %dma_wait3A_463 = arith.constant 6 : i32
      %dma_wait3A_464 = arith.constant 0 : i32
      %dma_wait3A_465 = tpu.memref_slice %arg8[%dma_wait3A_463, %dma_wait3A_464] : memref<40x128xf32, #tpu.memory_space<vmem>> -> memref<1x128xf32, #tpu.memory_space<vmem>>
      %dma_wait3A_466 = tpu.memref_squeeze %dma_wait3A_465 : memref<1x128xf32, #tpu.memory_space<vmem>> -> memref<128xf32, #tpu.memory_space<vmem>>
      %dma_wait3A_467 = arith.constant 0 : i32
      %dma_wait3A_468 = tpu.memref_slice %arg7[%dma_wait3A_462, %dma_wait3A_467] : memref<40x128xi32, #tpu.memory_space<vmem>> -> memref<1x128xi32, #tpu.memory_space<vmem>>
      %dma_wait3A_469 = tpu.memref_squeeze %dma_wait3A_468 : memref<1x128xi32, #tpu.memory_space<vmem>> -> memref<128xi32, #tpu.memory_space<vmem>>
      %dma_wait3A_470 = arith.constant 0 : i32
      %dma_wait3A_471 = tpu.memref_slice %arg2[%dma_wait3A_470] : memref<10000xf32, #tpu.memory_space<hbm>> -> memref<10000xf32, #tpu.memory_space<hbm>>
      tpu.wait_indirect_dma semaphore(%arg11 : memref<!tpu.dma_semaphore, #tpu.memory_space<semaphore_mem>>) src(%dma_wait3A_471 : memref<10000xf32, #tpu.memory_space<hbm>>) dst(%dma_wait3A_466 : memref<128xf32, #tpu.memory_space<vmem>>)
      %dma_wait3A_472 = arith.constant 7 : i32
      %dma_wait3A_473 = arith.constant 7 : i32
      %dma_wait3A_474 = arith.constant 0 : i32
      %dma_wait3A_475 = tpu.memref_slice %arg8[%dma_wait3A_473, %dma_wait3A_474] : memref<40x128xf32, #tpu.memory_space<vmem>> -> memref<1x128xf32, #tpu.memory_space<vmem>>
      %dma_wait3A_476 = tpu.memref_squeeze %dma_wait3A_475 : memref<1x128xf32, #tpu.memory_space<vmem>> -> memref<128xf32, #tpu.memory_space<vmem>>
      %dma_wait3A_477 = arith.constant 0 : i32
      %dma_wait3A_478 = tpu.memref_slice %arg7[%dma_wait3A_472, %dma_wait3A_477] : memref<40x128xi32, #tpu.memory_space<vmem>> -> memref<1x128xi32, #tpu.memory_space<vmem>>
      %dma_wait3A_479 = tpu.memref_squeeze %dma_wait3A_478 : memref<1x128xi32, #tpu.memory_space<vmem>> -> memref<128xi32, #tpu.memory_space<vmem>>
      %dma_wait3A_480 = arith.constant 0 : i32
      %dma_wait3A_481 = tpu.memref_slice %arg2[%dma_wait3A_480] : memref<10000xf32, #tpu.memory_space<hbm>> -> memref<10000xf32, #tpu.memory_space<hbm>>
      tpu.wait_indirect_dma semaphore(%arg11 : memref<!tpu.dma_semaphore, #tpu.memory_space<semaphore_mem>>) src(%dma_wait3A_481 : memref<10000xf32, #tpu.memory_space<hbm>>) dst(%dma_wait3A_476 : memref<128xf32, #tpu.memory_space<vmem>>)
      %dma_wait3A_482 = arith.constant 8 : i32
      %dma_wait3A_483 = arith.constant 8 : i32
      %dma_wait3A_484 = arith.constant 0 : i32
      %dma_wait3A_485 = tpu.memref_slice %arg8[%dma_wait3A_483, %dma_wait3A_484] : memref<40x128xf32, #tpu.memory_space<vmem>> -> memref<1x128xf32, #tpu.memory_space<vmem>>
      %dma_wait3A_486 = tpu.memref_squeeze %dma_wait3A_485 : memref<1x128xf32, #tpu.memory_space<vmem>> -> memref<128xf32, #tpu.memory_space<vmem>>
      %dma_wait3A_487 = arith.constant 0 : i32
      %dma_wait3A_488 = tpu.memref_slice %arg7[%dma_wait3A_482, %dma_wait3A_487] : memref<40x128xi32, #tpu.memory_space<vmem>> -> memref<1x128xi32, #tpu.memory_space<vmem>>
      %dma_wait3A_489 = tpu.memref_squeeze %dma_wait3A_488 : memref<1x128xi32, #tpu.memory_space<vmem>> -> memref<128xi32, #tpu.memory_space<vmem>>
      %dma_wait3A_490 = arith.constant 0 : i32
      %dma_wait3A_491 = tpu.memref_slice %arg2[%dma_wait3A_490] : memref<10000xf32, #tpu.memory_space<hbm>> -> memref<10000xf32, #tpu.memory_space<hbm>>
      tpu.wait_indirect_dma semaphore(%arg11 : memref<!tpu.dma_semaphore, #tpu.memory_space<semaphore_mem>>) src(%dma_wait3A_491 : memref<10000xf32, #tpu.memory_space<hbm>>) dst(%dma_wait3A_486 : memref<128xf32, #tpu.memory_space<vmem>>)
      %dma_wait3A_492 = arith.constant 9 : i32
      %dma_wait3A_493 = arith.constant 9 : i32
      %dma_wait3A_494 = arith.constant 0 : i32
      %dma_wait3A_495 = tpu.memref_slice %arg8[%dma_wait3A_493, %dma_wait3A_494] : memref<40x128xf32, #tpu.memory_space<vmem>> -> memref<1x128xf32, #tpu.memory_space<vmem>>
      %dma_wait3A_496 = tpu.memref_squeeze %dma_wait3A_495 : memref<1x128xf32, #tpu.memory_space<vmem>> -> memref<128xf32, #tpu.memory_space<vmem>>
      %dma_wait3A_497 = arith.constant 0 : i32
      %dma_wait3A_498 = tpu.memref_slice %arg7[%dma_wait3A_492, %dma_wait3A_497] : memref<40x128xi32, #tpu.memory_space<vmem>> -> memref<1x128xi32, #tpu.memory_space<vmem>>
      %dma_wait3A_499 = tpu.memref_squeeze %dma_wait3A_498 : memref<1x128xi32, #tpu.memory_space<vmem>> -> memref<128xi32, #tpu.memory_space<vmem>>
      %dma_wait3A_500 = arith.constant 0 : i32
      %dma_wait3A_501 = tpu.memref_slice %arg2[%dma_wait3A_500] : memref<10000xf32, #tpu.memory_space<hbm>> -> memref<10000xf32, #tpu.memory_space<hbm>>
      tpu.wait_indirect_dma semaphore(%arg11 : memref<!tpu.dma_semaphore, #tpu.memory_space<semaphore_mem>>) src(%dma_wait3A_501 : memref<10000xf32, #tpu.memory_space<hbm>>) dst(%dma_wait3A_496 : memref<128xf32, #tpu.memory_space<vmem>>)
      %dma_wait3A_502 = arith.constant 10 : i32
      %dma_wait3A_503 = arith.constant 10 : i32
      %dma_wait3A_504 = arith.constant 0 : i32
      %dma_wait3A_505 = tpu.memref_slice %arg8[%dma_wait3A_503, %dma_wait3A_504] : memref<40x128xf32, #tpu.memory_space<vmem>> -> memref<1x128xf32, #tpu.memory_space<vmem>>
      %dma_wait3A_506 = tpu.memref_squeeze %dma_wait3A_505 : memref<1x128xf32, #tpu.memory_space<vmem>> -> memref<128xf32, #tpu.memory_space<vmem>>
      %dma_wait3A_507 = arith.constant 0 : i32
      %dma_wait3A_508 = tpu.memref_slice %arg7[%dma_wait3A_502, %dma_wait3A_507] : memref<40x128xi32, #tpu.memory_space<vmem>> -> memref<1x128xi32, #tpu.memory_space<vmem>>
      %dma_wait3A_509 = tpu.memref_squeeze %dma_wait3A_508 : memref<1x128xi32, #tpu.memory_space<vmem>> -> memref<128xi32, #tpu.memory_space<vmem>>
      %dma_wait3A_510 = arith.constant 0 : i32
      %dma_wait3A_511 = tpu.memref_slice %arg2[%dma_wait3A_510] : memref<10000xf32, #tpu.memory_space<hbm>> -> memref<10000xf32, #tpu.memory_space<hbm>>
      tpu.wait_indirect_dma semaphore(%arg11 : memref<!tpu.dma_semaphore, #tpu.memory_space<semaphore_mem>>) src(%dma_wait3A_511 : memref<10000xf32, #tpu.memory_space<hbm>>) dst(%dma_wait3A_506 : memref<128xf32, #tpu.memory_space<vmem>>)
      %dma_wait3A_512 = arith.constant 11 : i32
      %dma_wait3A_513 = arith.constant 11 : i32
      %dma_wait3A_514 = arith.constant 0 : i32
      %dma_wait3A_515 = tpu.memref_slice %arg8[%dma_wait3A_513, %dma_wait3A_514] : memref<40x128xf32, #tpu.memory_space<vmem>> -> memref<1x128xf32, #tpu.memory_space<vmem>>
      %dma_wait3A_516 = tpu.memref_squeeze %dma_wait3A_515 : memref<1x128xf32, #tpu.memory_space<vmem>> -> memref<128xf32, #tpu.memory_space<vmem>>
      %dma_wait3A_517 = arith.constant 0 : i32
      %dma_wait3A_518 = tpu.memref_slice %arg7[%dma_wait3A_512, %dma_wait3A_517] : memref<40x128xi32, #tpu.memory_space<vmem>> -> memref<1x128xi32, #tpu.memory_space<vmem>>
      %dma_wait3A_519 = tpu.memref_squeeze %dma_wait3A_518 : memref<1x128xi32, #tpu.memory_space<vmem>> -> memref<128xi32, #tpu.memory_space<vmem>>
      %dma_wait3A_520 = arith.constant 0 : i32
      %dma_wait3A_521 = tpu.memref_slice %arg2[%dma_wait3A_520] : memref<10000xf32, #tpu.memory_space<hbm>> -> memref<10000xf32, #tpu.memory_space<hbm>>
      tpu.wait_indirect_dma semaphore(%arg11 : memref<!tpu.dma_semaphore, #tpu.memory_space<semaphore_mem>>) src(%dma_wait3A_521 : memref<10000xf32, #tpu.memory_space<hbm>>) dst(%dma_wait3A_516 : memref<128xf32, #tpu.memory_space<vmem>>)
      %dma_wait3A_522 = arith.constant 12 : i32
      %dma_wait3A_523 = arith.constant 12 : i32
      %dma_wait3A_524 = arith.constant 0 : i32
      %dma_wait3A_525 = tpu.memref_slice %arg8[%dma_wait3A_523, %dma_wait3A_524] : memref<40x128xf32, #tpu.memory_space<vmem>> -> memref<1x128xf32, #tpu.memory_space<vmem>>
      %dma_wait3A_526 = tpu.memref_squeeze %dma_wait3A_525 : memref<1x128xf32, #tpu.memory_space<vmem>> -> memref<128xf32, #tpu.memory_space<vmem>>
      %dma_wait3A_527 = arith.constant 0 : i32
      %dma_wait3A_528 = tpu.memref_slice %arg7[%dma_wait3A_522, %dma_wait3A_527] : memref<40x128xi32, #tpu.memory_space<vmem>> -> memref<1x128xi32, #tpu.memory_space<vmem>>
      %dma_wait3A_529 = tpu.memref_squeeze %dma_wait3A_528 : memref<1x128xi32, #tpu.memory_space<vmem>> -> memref<128xi32, #tpu.memory_space<vmem>>
      %dma_wait3A_530 = arith.constant 0 : i32
      %dma_wait3A_531 = tpu.memref_slice %arg2[%dma_wait3A_530] : memref<10000xf32, #tpu.memory_space<hbm>> -> memref<10000xf32, #tpu.memory_space<hbm>>
      tpu.wait_indirect_dma semaphore(%arg11 : memref<!tpu.dma_semaphore, #tpu.memory_space<semaphore_mem>>) src(%dma_wait3A_531 : memref<10000xf32, #tpu.memory_space<hbm>>) dst(%dma_wait3A_526 : memref<128xf32, #tpu.memory_space<vmem>>)
      %dma_wait3A_532 = arith.constant 13 : i32
      %dma_wait3A_533 = arith.constant 13 : i32
      %dma_wait3A_534 = arith.constant 0 : i32
      %dma_wait3A_535 = tpu.memref_slice %arg8[%dma_wait3A_533, %dma_wait3A_534] : memref<40x128xf32, #tpu.memory_space<vmem>> -> memref<1x128xf32, #tpu.memory_space<vmem>>
      %dma_wait3A_536 = tpu.memref_squeeze %dma_wait3A_535 : memref<1x128xf32, #tpu.memory_space<vmem>> -> memref<128xf32, #tpu.memory_space<vmem>>
      %dma_wait3A_537 = arith.constant 0 : i32
      %dma_wait3A_538 = tpu.memref_slice %arg7[%dma_wait3A_532, %dma_wait3A_537] : memref<40x128xi32, #tpu.memory_space<vmem>> -> memref<1x128xi32, #tpu.memory_space<vmem>>
      %dma_wait3A_539 = tpu.memref_squeeze %dma_wait3A_538 : memref<1x128xi32, #tpu.memory_space<vmem>> -> memref<128xi32, #tpu.memory_space<vmem>>
      %dma_wait3A_540 = arith.constant 0 : i32
      %dma_wait3A_541 = tpu.memref_slice %arg2[%dma_wait3A_540] : memref<10000xf32, #tpu.memory_space<hbm>> -> memref<10000xf32, #tpu.memory_space<hbm>>
      tpu.wait_indirect_dma semaphore(%arg11 : memref<!tpu.dma_semaphore, #tpu.memory_space<semaphore_mem>>) src(%dma_wait3A_541 : memref<10000xf32, #tpu.memory_space<hbm>>) dst(%dma_wait3A_536 : memref<128xf32, #tpu.memory_space<vmem>>)
      %dma_wait3A_542 = arith.constant 14 : i32
      %dma_wait3A_543 = arith.constant 14 : i32
      %dma_wait3A_544 = arith.constant 0 : i32
      %dma_wait3A_545 = tpu.memref_slice %arg8[%dma_wait3A_543, %dma_wait3A_544] : memref<40x128xf32, #tpu.memory_space<vmem>> -> memref<1x128xf32, #tpu.memory_space<vmem>>
      %dma_wait3A_546 = tpu.memref_squeeze %dma_wait3A_545 : memref<1x128xf32, #tpu.memory_space<vmem>> -> memref<128xf32, #tpu.memory_space<vmem>>
      %dma_wait3A_547 = arith.constant 0 : i32
      %dma_wait3A_548 = tpu.memref_slice %arg7[%dma_wait3A_542, %dma_wait3A_547] : memref<40x128xi32, #tpu.memory_space<vmem>> -> memref<1x128xi32, #tpu.memory_space<vmem>>
      %dma_wait3A_549 = tpu.memref_squeeze %dma_wait3A_548 : memref<1x128xi32, #tpu.memory_space<vmem>> -> memref<128xi32, #tpu.memory_space<vmem>>
      %dma_wait3A_550 = arith.constant 0 : i32
      %dma_wait3A_551 = tpu.memref_slice %arg2[%dma_wait3A_550] : memref<10000xf32, #tpu.memory_space<hbm>> -> memref<10000xf32, #tpu.memory_space<hbm>>
      tpu.wait_indirect_dma semaphore(%arg11 : memref<!tpu.dma_semaphore, #tpu.memory_space<semaphore_mem>>) src(%dma_wait3A_551 : memref<10000xf32, #tpu.memory_space<hbm>>) dst(%dma_wait3A_546 : memref<128xf32, #tpu.memory_space<vmem>>)
      %dma_wait3A_552 = arith.constant 15 : i32
      %dma_wait3A_553 = arith.constant 15 : i32
      %dma_wait3A_554 = arith.constant 0 : i32
      %dma_wait3A_555 = tpu.memref_slice %arg8[%dma_wait3A_553, %dma_wait3A_554] : memref<40x128xf32, #tpu.memory_space<vmem>> -> memref<1x128xf32, #tpu.memory_space<vmem>>
      %dma_wait3A_556 = tpu.memref_squeeze %dma_wait3A_555 : memref<1x128xf32, #tpu.memory_space<vmem>> -> memref<128xf32, #tpu.memory_space<vmem>>
      %dma_wait3A_557 = arith.constant 0 : i32
      %dma_wait3A_558 = tpu.memref_slice %arg7[%dma_wait3A_552, %dma_wait3A_557] : memref<40x128xi32, #tpu.memory_space<vmem>> -> memref<1x128xi32, #tpu.memory_space<vmem>>
      %dma_wait3A_559 = tpu.memref_squeeze %dma_wait3A_558 : memref<1x128xi32, #tpu.memory_space<vmem>> -> memref<128xi32, #tpu.memory_space<vmem>>
      %dma_wait3A_560 = arith.constant 0 : i32
      %dma_wait3A_561 = tpu.memref_slice %arg2[%dma_wait3A_560] : memref<10000xf32, #tpu.memory_space<hbm>> -> memref<10000xf32, #tpu.memory_space<hbm>>
      tpu.wait_indirect_dma semaphore(%arg11 : memref<!tpu.dma_semaphore, #tpu.memory_space<semaphore_mem>>) src(%dma_wait3A_561 : memref<10000xf32, #tpu.memory_space<hbm>>) dst(%dma_wait3A_556 : memref<128xf32, #tpu.memory_space<vmem>>)
      %dma_wait3A_562 = arith.constant 16 : i32
      %dma_wait3A_563 = arith.constant 16 : i32
      %dma_wait3A_564 = arith.constant 0 : i32
      %dma_wait3A_565 = tpu.memref_slice %arg8[%dma_wait3A_563, %dma_wait3A_564] : memref<40x128xf32, #tpu.memory_space<vmem>> -> memref<1x128xf32, #tpu.memory_space<vmem>>
      %dma_wait3A_566 = tpu.memref_squeeze %dma_wait3A_565 : memref<1x128xf32, #tpu.memory_space<vmem>> -> memref<128xf32, #tpu.memory_space<vmem>>
      %dma_wait3A_567 = arith.constant 0 : i32
      %dma_wait3A_568 = tpu.memref_slice %arg7[%dma_wait3A_562, %dma_wait3A_567] : memref<40x128xi32, #tpu.memory_space<vmem>> -> memref<1x128xi32, #tpu.memory_space<vmem>>
      %dma_wait3A_569 = tpu.memref_squeeze %dma_wait3A_568 : memref<1x128xi32, #tpu.memory_space<vmem>> -> memref<128xi32, #tpu.memory_space<vmem>>
      %dma_wait3A_570 = arith.constant 0 : i32
      %dma_wait3A_571 = tpu.memref_slice %arg2[%dma_wait3A_570] : memref<10000xf32, #tpu.memory_space<hbm>> -> memref<10000xf32, #tpu.memory_space<hbm>>
      tpu.wait_indirect_dma semaphore(%arg11 : memref<!tpu.dma_semaphore, #tpu.memory_space<semaphore_mem>>) src(%dma_wait3A_571 : memref<10000xf32, #tpu.memory_space<hbm>>) dst(%dma_wait3A_566 : memref<128xf32, #tpu.memory_space<vmem>>)
      %dma_wait3A_572 = arith.constant 17 : i32
      %dma_wait3A_573 = arith.constant 17 : i32
      %dma_wait3A_574 = arith.constant 0 : i32
      %dma_wait3A_575 = tpu.memref_slice %arg8[%dma_wait3A_573, %dma_wait3A_574] : memref<40x128xf32, #tpu.memory_space<vmem>> -> memref<1x128xf32, #tpu.memory_space<vmem>>
      %dma_wait3A_576 = tpu.memref_squeeze %dma_wait3A_575 : memref<1x128xf32, #tpu.memory_space<vmem>> -> memref<128xf32, #tpu.memory_space<vmem>>
      %dma_wait3A_577 = arith.constant 0 : i32
      %dma_wait3A_578 = tpu.memref_slice %arg7[%dma_wait3A_572, %dma_wait3A_577] : memref<40x128xi32, #tpu.memory_space<vmem>> -> memref<1x128xi32, #tpu.memory_space<vmem>>
      %dma_wait3A_579 = tpu.memref_squeeze %dma_wait3A_578 : memref<1x128xi32, #tpu.memory_space<vmem>> -> memref<128xi32, #tpu.memory_space<vmem>>
      %dma_wait3A_580 = arith.constant 0 : i32
      %dma_wait3A_581 = tpu.memref_slice %arg2[%dma_wait3A_580] : memref<10000xf32, #tpu.memory_space<hbm>> -> memref<10000xf32, #tpu.memory_space<hbm>>
      tpu.wait_indirect_dma semaphore(%arg11 : memref<!tpu.dma_semaphore, #tpu.memory_space<semaphore_mem>>) src(%dma_wait3A_581 : memref<10000xf32, #tpu.memory_space<hbm>>) dst(%dma_wait3A_576 : memref<128xf32, #tpu.memory_space<vmem>>)
      %dma_wait3A_582 = arith.constant 18 : i32
      %dma_wait3A_583 = arith.constant 18 : i32
      %dma_wait3A_584 = arith.constant 0 : i32
      %dma_wait3A_585 = tpu.memref_slice %arg8[%dma_wait3A_583, %dma_wait3A_584] : memref<40x128xf32, #tpu.memory_space<vmem>> -> memref<1x128xf32, #tpu.memory_space<vmem>>
      %dma_wait3A_586 = tpu.memref_squeeze %dma_wait3A_585 : memref<1x128xf32, #tpu.memory_space<vmem>> -> memref<128xf32, #tpu.memory_space<vmem>>
      %dma_wait3A_587 = arith.constant 0 : i32
      %dma_wait3A_588 = tpu.memref_slice %arg7[%dma_wait3A_582, %dma_wait3A_587] : memref<40x128xi32, #tpu.memory_space<vmem>> -> memref<1x128xi32, #tpu.memory_space<vmem>>
      %dma_wait3A_589 = tpu.memref_squeeze %dma_wait3A_588 : memref<1x128xi32, #tpu.memory_space<vmem>> -> memref<128xi32, #tpu.memory_space<vmem>>
      %dma_wait3A_590 = arith.constant 0 : i32
      %dma_wait3A_591 = tpu.memref_slice %arg2[%dma_wait3A_590] : memref<10000xf32, #tpu.memory_space<hbm>> -> memref<10000xf32, #tpu.memory_space<hbm>>
      tpu.wait_indirect_dma semaphore(%arg11 : memref<!tpu.dma_semaphore, #tpu.memory_space<semaphore_mem>>) src(%dma_wait3A_591 : memref<10000xf32, #tpu.memory_space<hbm>>) dst(%dma_wait3A_586 : memref<128xf32, #tpu.memory_space<vmem>>)
      %dma_wait3A_592 = arith.constant 19 : i32
      %dma_wait3A_593 = arith.constant 19 : i32
      %dma_wait3A_594 = arith.constant 0 : i32
      %dma_wait3A_595 = tpu.memref_slice %arg8[%dma_wait3A_593, %dma_wait3A_594] : memref<40x128xf32, #tpu.memory_space<vmem>> -> memref<1x128xf32, #tpu.memory_space<vmem>>
      %dma_wait3A_596 = tpu.memref_squeeze %dma_wait3A_595 : memref<1x128xf32, #tpu.memory_space<vmem>> -> memref<128xf32, #tpu.memory_space<vmem>>
      %dma_wait3A_597 = arith.constant 0 : i32
      %dma_wait3A_598 = tpu.memref_slice %arg7[%dma_wait3A_592, %dma_wait3A_597] : memref<40x128xi32, #tpu.memory_space<vmem>> -> memref<1x128xi32, #tpu.memory_space<vmem>>
      %dma_wait3A_599 = tpu.memref_squeeze %dma_wait3A_598 : memref<1x128xi32, #tpu.memory_space<vmem>> -> memref<128xi32, #tpu.memory_space<vmem>>
      %dma_wait3A_600 = arith.constant 0 : i32
      %dma_wait3A_601 = tpu.memref_slice %arg2[%dma_wait3A_600] : memref<10000xf32, #tpu.memory_space<hbm>> -> memref<10000xf32, #tpu.memory_space<hbm>>
      tpu.wait_indirect_dma semaphore(%arg11 : memref<!tpu.dma_semaphore, #tpu.memory_space<semaphore_mem>>) src(%dma_wait3A_601 : memref<10000xf32, #tpu.memory_space<hbm>>) dst(%dma_wait3A_596 : memref<128xf32, #tpu.memory_space<vmem>>)
      %dma_wait3A_602 = arith.constant 20 : i32
      %dma_wait3A_603 = arith.constant 20 : i32
      %dma_wait3A_604 = arith.constant 0 : i32
      %dma_wait3A_605 = tpu.memref_slice %arg8[%dma_wait3A_603, %dma_wait3A_604] : memref<40x128xf32, #tpu.memory_space<vmem>> -> memref<1x128xf32, #tpu.memory_space<vmem>>
      %dma_wait3A_606 = tpu.memref_squeeze %dma_wait3A_605 : memref<1x128xf32, #tpu.memory_space<vmem>> -> memref<128xf32, #tpu.memory_space<vmem>>
      %dma_wait3A_607 = arith.constant 0 : i32
      %dma_wait3A_608 = tpu.memref_slice %arg7[%dma_wait3A_602, %dma_wait3A_607] : memref<40x128xi32, #tpu.memory_space<vmem>> -> memref<1x128xi32, #tpu.memory_space<vmem>>
      %dma_wait3A_609 = tpu.memref_squeeze %dma_wait3A_608 : memref<1x128xi32, #tpu.memory_space<vmem>> -> memref<128xi32, #tpu.memory_space<vmem>>
      %dma_wait3A_610 = arith.constant 0 : i32
      %dma_wait3A_611 = tpu.memref_slice %arg2[%dma_wait3A_610] : memref<10000xf32, #tpu.memory_space<hbm>> -> memref<10000xf32, #tpu.memory_space<hbm>>
      tpu.wait_indirect_dma semaphore(%arg11 : memref<!tpu.dma_semaphore, #tpu.memory_space<semaphore_mem>>) src(%dma_wait3A_611 : memref<10000xf32, #tpu.memory_space<hbm>>) dst(%dma_wait3A_606 : memref<128xf32, #tpu.memory_space<vmem>>)
      %dma_wait3A_612 = arith.constant 21 : i32
      %dma_wait3A_613 = arith.constant 21 : i32
      %dma_wait3A_614 = arith.constant 0 : i32
      %dma_wait3A_615 = tpu.memref_slice %arg8[%dma_wait3A_613, %dma_wait3A_614] : memref<40x128xf32, #tpu.memory_space<vmem>> -> memref<1x128xf32, #tpu.memory_space<vmem>>
      %dma_wait3A_616 = tpu.memref_squeeze %dma_wait3A_615 : memref<1x128xf32, #tpu.memory_space<vmem>> -> memref<128xf32, #tpu.memory_space<vmem>>
      %dma_wait3A_617 = arith.constant 0 : i32
      %dma_wait3A_618 = tpu.memref_slice %arg7[%dma_wait3A_612, %dma_wait3A_617] : memref<40x128xi32, #tpu.memory_space<vmem>> -> memref<1x128xi32, #tpu.memory_space<vmem>>
      %dma_wait3A_619 = tpu.memref_squeeze %dma_wait3A_618 : memref<1x128xi32, #tpu.memory_space<vmem>> -> memref<128xi32, #tpu.memory_space<vmem>>
      %dma_wait3A_620 = arith.constant 0 : i32
      %dma_wait3A_621 = tpu.memref_slice %arg2[%dma_wait3A_620] : memref<10000xf32, #tpu.memory_space<hbm>> -> memref<10000xf32, #tpu.memory_space<hbm>>
      tpu.wait_indirect_dma semaphore(%arg11 : memref<!tpu.dma_semaphore, #tpu.memory_space<semaphore_mem>>) src(%dma_wait3A_621 : memref<10000xf32, #tpu.memory_space<hbm>>) dst(%dma_wait3A_616 : memref<128xf32, #tpu.memory_space<vmem>>)
      %dma_wait3A_622 = arith.constant 22 : i32
      %dma_wait3A_623 = arith.constant 22 : i32
      %dma_wait3A_624 = arith.constant 0 : i32
      %dma_wait3A_625 = tpu.memref_slice %arg8[%dma_wait3A_623, %dma_wait3A_624] : memref<40x128xf32, #tpu.memory_space<vmem>> -> memref<1x128xf32, #tpu.memory_space<vmem>>
      %dma_wait3A_626 = tpu.memref_squeeze %dma_wait3A_625 : memref<1x128xf32, #tpu.memory_space<vmem>> -> memref<128xf32, #tpu.memory_space<vmem>>
      %dma_wait3A_627 = arith.constant 0 : i32
      %dma_wait3A_628 = tpu.memref_slice %arg7[%dma_wait3A_622, %dma_wait3A_627] : memref<40x128xi32, #tpu.memory_space<vmem>> -> memref<1x128xi32, #tpu.memory_space<vmem>>
      %dma_wait3A_629 = tpu.memref_squeeze %dma_wait3A_628 : memref<1x128xi32, #tpu.memory_space<vmem>> -> memref<128xi32, #tpu.memory_space<vmem>>
      %dma_wait3A_630 = arith.constant 0 : i32
      %dma_wait3A_631 = tpu.memref_slice %arg2[%dma_wait3A_630] : memref<10000xf32, #tpu.memory_space<hbm>> -> memref<10000xf32, #tpu.memory_space<hbm>>
      tpu.wait_indirect_dma semaphore(%arg11 : memref<!tpu.dma_semaphore, #tpu.memory_space<semaphore_mem>>) src(%dma_wait3A_631 : memref<10000xf32, #tpu.memory_space<hbm>>) dst(%dma_wait3A_626 : memref<128xf32, #tpu.memory_space<vmem>>)
      %dma_wait3A_632 = arith.constant 23 : i32
      %dma_wait3A_633 = arith.constant 23 : i32
      %dma_wait3A_634 = arith.constant 0 : i32
      %dma_wait3A_635 = tpu.memref_slice %arg8[%dma_wait3A_633, %dma_wait3A_634] : memref<40x128xf32, #tpu.memory_space<vmem>> -> memref<1x128xf32, #tpu.memory_space<vmem>>
      %dma_wait3A_636 = tpu.memref_squeeze %dma_wait3A_635 : memref<1x128xf32, #tpu.memory_space<vmem>> -> memref<128xf32, #tpu.memory_space<vmem>>
      %dma_wait3A_637 = arith.constant 0 : i32
      %dma_wait3A_638 = tpu.memref_slice %arg7[%dma_wait3A_632, %dma_wait3A_637] : memref<40x128xi32, #tpu.memory_space<vmem>> -> memref<1x128xi32, #tpu.memory_space<vmem>>
      %dma_wait3A_639 = tpu.memref_squeeze %dma_wait3A_638 : memref<1x128xi32, #tpu.memory_space<vmem>> -> memref<128xi32, #tpu.memory_space<vmem>>
      %dma_wait3A_640 = arith.constant 0 : i32
      %dma_wait3A_641 = tpu.memref_slice %arg2[%dma_wait3A_640] : memref<10000xf32, #tpu.memory_space<hbm>> -> memref<10000xf32, #tpu.memory_space<hbm>>
      tpu.wait_indirect_dma semaphore(%arg11 : memref<!tpu.dma_semaphore, #tpu.memory_space<semaphore_mem>>) src(%dma_wait3A_641 : memref<10000xf32, #tpu.memory_space<hbm>>) dst(%dma_wait3A_636 : memref<128xf32, #tpu.memory_space<vmem>>)
      %dma_wait3A_642 = arith.constant 24 : i32
      %dma_wait3A_643 = arith.constant 24 : i32
      %dma_wait3A_644 = arith.constant 0 : i32
      %dma_wait3A_645 = tpu.memref_slice %arg8[%dma_wait3A_643, %dma_wait3A_644] : memref<40x128xf32, #tpu.memory_space<vmem>> -> memref<1x128xf32, #tpu.memory_space<vmem>>
      %dma_wait3A_646 = tpu.memref_squeeze %dma_wait3A_645 : memref<1x128xf32, #tpu.memory_space<vmem>> -> memref<128xf32, #tpu.memory_space<vmem>>
      %dma_wait3A_647 = arith.constant 0 : i32
      %dma_wait3A_648 = tpu.memref_slice %arg7[%dma_wait3A_642, %dma_wait3A_647] : memref<40x128xi32, #tpu.memory_space<vmem>> -> memref<1x128xi32, #tpu.memory_space<vmem>>
      %dma_wait3A_649 = tpu.memref_squeeze %dma_wait3A_648 : memref<1x128xi32, #tpu.memory_space<vmem>> -> memref<128xi32, #tpu.memory_space<vmem>>
      %dma_wait3A_650 = arith.constant 0 : i32
      %dma_wait3A_651 = tpu.memref_slice %arg2[%dma_wait3A_650] : memref<10000xf32, #tpu.memory_space<hbm>> -> memref<10000xf32, #tpu.memory_space<hbm>>
      tpu.wait_indirect_dma semaphore(%arg11 : memref<!tpu.dma_semaphore, #tpu.memory_space<semaphore_mem>>) src(%dma_wait3A_651 : memref<10000xf32, #tpu.memory_space<hbm>>) dst(%dma_wait3A_646 : memref<128xf32, #tpu.memory_space<vmem>>)
      %dma_wait3A_652 = arith.constant 25 : i32
      %dma_wait3A_653 = arith.constant 25 : i32
      %dma_wait3A_654 = arith.constant 0 : i32
      %dma_wait3A_655 = tpu.memref_slice %arg8[%dma_wait3A_653, %dma_wait3A_654] : memref<40x128xf32, #tpu.memory_space<vmem>> -> memref<1x128xf32, #tpu.memory_space<vmem>>
      %dma_wait3A_656 = tpu.memref_squeeze %dma_wait3A_655 : memref<1x128xf32, #tpu.memory_space<vmem>> -> memref<128xf32, #tpu.memory_space<vmem>>
      %dma_wait3A_657 = arith.constant 0 : i32
      %dma_wait3A_658 = tpu.memref_slice %arg7[%dma_wait3A_652, %dma_wait3A_657] : memref<40x128xi32, #tpu.memory_space<vmem>> -> memref<1x128xi32, #tpu.memory_space<vmem>>
      %dma_wait3A_659 = tpu.memref_squeeze %dma_wait3A_658 : memref<1x128xi32, #tpu.memory_space<vmem>> -> memref<128xi32, #tpu.memory_space<vmem>>
      %dma_wait3A_660 = arith.constant 0 : i32
      %dma_wait3A_661 = tpu.memref_slice %arg2[%dma_wait3A_660] : memref<10000xf32, #tpu.memory_space<hbm>> -> memref<10000xf32, #tpu.memory_space<hbm>>
      tpu.wait_indirect_dma semaphore(%arg11 : memref<!tpu.dma_semaphore, #tpu.memory_space<semaphore_mem>>) src(%dma_wait3A_661 : memref<10000xf32, #tpu.memory_space<hbm>>) dst(%dma_wait3A_656 : memref<128xf32, #tpu.memory_space<vmem>>)
      %dma_wait3A_662 = arith.constant 26 : i32
      %dma_wait3A_663 = arith.constant 26 : i32
      %dma_wait3A_664 = arith.constant 0 : i32
      %dma_wait3A_665 = tpu.memref_slice %arg8[%dma_wait3A_663, %dma_wait3A_664] : memref<40x128xf32, #tpu.memory_space<vmem>> -> memref<1x128xf32, #tpu.memory_space<vmem>>
      %dma_wait3A_666 = tpu.memref_squeeze %dma_wait3A_665 : memref<1x128xf32, #tpu.memory_space<vmem>> -> memref<128xf32, #tpu.memory_space<vmem>>
      %dma_wait3A_667 = arith.constant 0 : i32
      %dma_wait3A_668 = tpu.memref_slice %arg7[%dma_wait3A_662, %dma_wait3A_667] : memref<40x128xi32, #tpu.memory_space<vmem>> -> memref<1x128xi32, #tpu.memory_space<vmem>>
      %dma_wait3A_669 = tpu.memref_squeeze %dma_wait3A_668 : memref<1x128xi32, #tpu.memory_space<vmem>> -> memref<128xi32, #tpu.memory_space<vmem>>
      %dma_wait3A_670 = arith.constant 0 : i32
      %dma_wait3A_671 = tpu.memref_slice %arg2[%dma_wait3A_670] : memref<10000xf32, #tpu.memory_space<hbm>> -> memref<10000xf32, #tpu.memory_space<hbm>>
      tpu.wait_indirect_dma semaphore(%arg11 : memref<!tpu.dma_semaphore, #tpu.memory_space<semaphore_mem>>) src(%dma_wait3A_671 : memref<10000xf32, #tpu.memory_space<hbm>>) dst(%dma_wait3A_666 : memref<128xf32, #tpu.memory_space<vmem>>)
      %dma_wait3A_672 = arith.constant 27 : i32
      %dma_wait3A_673 = arith.constant 27 : i32
      %dma_wait3A_674 = arith.constant 0 : i32
      %dma_wait3A_675 = tpu.memref_slice %arg8[%dma_wait3A_673, %dma_wait3A_674] : memref<40x128xf32, #tpu.memory_space<vmem>> -> memref<1x128xf32, #tpu.memory_space<vmem>>
      %dma_wait3A_676 = tpu.memref_squeeze %dma_wait3A_675 : memref<1x128xf32, #tpu.memory_space<vmem>> -> memref<128xf32, #tpu.memory_space<vmem>>
      %dma_wait3A_677 = arith.constant 0 : i32
      %dma_wait3A_678 = tpu.memref_slice %arg7[%dma_wait3A_672, %dma_wait3A_677] : memref<40x128xi32, #tpu.memory_space<vmem>> -> memref<1x128xi32, #tpu.memory_space<vmem>>
      %dma_wait3A_679 = tpu.memref_squeeze %dma_wait3A_678 : memref<1x128xi32, #tpu.memory_space<vmem>> -> memref<128xi32, #tpu.memory_space<vmem>>
      %dma_wait3A_680 = arith.constant 0 : i32
      %dma_wait3A_681 = tpu.memref_slice %arg2[%dma_wait3A_680] : memref<10000xf32, #tpu.memory_space<hbm>> -> memref<10000xf32, #tpu.memory_space<hbm>>
      tpu.wait_indirect_dma semaphore(%arg11 : memref<!tpu.dma_semaphore, #tpu.memory_space<semaphore_mem>>) src(%dma_wait3A_681 : memref<10000xf32, #tpu.memory_space<hbm>>) dst(%dma_wait3A_676 : memref<128xf32, #tpu.memory_space<vmem>>)
      %dma_wait3A_682 = arith.constant 28 : i32
      %dma_wait3A_683 = arith.constant 28 : i32
      %dma_wait3A_684 = arith.constant 0 : i32
      %dma_wait3A_685 = tpu.memref_slice %arg8[%dma_wait3A_683, %dma_wait3A_684] : memref<40x128xf32, #tpu.memory_space<vmem>> -> memref<1x128xf32, #tpu.memory_space<vmem>>
      %dma_wait3A_686 = tpu.memref_squeeze %dma_wait3A_685 : memref<1x128xf32, #tpu.memory_space<vmem>> -> memref<128xf32, #tpu.memory_space<vmem>>
      %dma_wait3A_687 = arith.constant 0 : i32
      %dma_wait3A_688 = tpu.memref_slice %arg7[%dma_wait3A_682, %dma_wait3A_687] : memref<40x128xi32, #tpu.memory_space<vmem>> -> memref<1x128xi32, #tpu.memory_space<vmem>>
      %dma_wait3A_689 = tpu.memref_squeeze %dma_wait3A_688 : memref<1x128xi32, #tpu.memory_space<vmem>> -> memref<128xi32, #tpu.memory_space<vmem>>
      %dma_wait3A_690 = arith.constant 0 : i32
      %dma_wait3A_691 = tpu.memref_slice %arg2[%dma_wait3A_690] : memref<10000xf32, #tpu.memory_space<hbm>> -> memref<10000xf32, #tpu.memory_space<hbm>>
      tpu.wait_indirect_dma semaphore(%arg11 : memref<!tpu.dma_semaphore, #tpu.memory_space<semaphore_mem>>) src(%dma_wait3A_691 : memref<10000xf32, #tpu.memory_space<hbm>>) dst(%dma_wait3A_686 : memref<128xf32, #tpu.memory_space<vmem>>)
      %dma_wait3A_692 = arith.constant 29 : i32
      %dma_wait3A_693 = arith.constant 29 : i32
      %dma_wait3A_694 = arith.constant 0 : i32
      %dma_wait3A_695 = tpu.memref_slice %arg8[%dma_wait3A_693, %dma_wait3A_694] : memref<40x128xf32, #tpu.memory_space<vmem>> -> memref<1x128xf32, #tpu.memory_space<vmem>>
      %dma_wait3A_696 = tpu.memref_squeeze %dma_wait3A_695 : memref<1x128xf32, #tpu.memory_space<vmem>> -> memref<128xf32, #tpu.memory_space<vmem>>
      %dma_wait3A_697 = arith.constant 0 : i32
      %dma_wait3A_698 = tpu.memref_slice %arg7[%dma_wait3A_692, %dma_wait3A_697] : memref<40x128xi32, #tpu.memory_space<vmem>> -> memref<1x128xi32, #tpu.memory_space<vmem>>
      %dma_wait3A_699 = tpu.memref_squeeze %dma_wait3A_698 : memref<1x128xi32, #tpu.memory_space<vmem>> -> memref<128xi32, #tpu.memory_space<vmem>>
      %dma_wait3A_700 = arith.constant 0 : i32
      %dma_wait3A_701 = tpu.memref_slice %arg2[%dma_wait3A_700] : memref<10000xf32, #tpu.memory_space<hbm>> -> memref<10000xf32, #tpu.memory_space<hbm>>
      tpu.wait_indirect_dma semaphore(%arg11 : memref<!tpu.dma_semaphore, #tpu.memory_space<semaphore_mem>>) src(%dma_wait3A_701 : memref<10000xf32, #tpu.memory_space<hbm>>) dst(%dma_wait3A_696 : memref<128xf32, #tpu.memory_space<vmem>>)
      %dma_wait3A_702 = arith.constant 30 : i32
      %dma_wait3A_703 = arith.constant 30 : i32
      %dma_wait3A_704 = arith.constant 0 : i32
      %dma_wait3A_705 = tpu.memref_slice %arg8[%dma_wait3A_703, %dma_wait3A_704] : memref<40x128xf32, #tpu.memory_space<vmem>> -> memref<1x128xf32, #tpu.memory_space<vmem>>
      %dma_wait3A_706 = tpu.memref_squeeze %dma_wait3A_705 : memref<1x128xf32, #tpu.memory_space<vmem>> -> memref<128xf32, #tpu.memory_space<vmem>>
      %dma_wait3A_707 = arith.constant 0 : i32
      %dma_wait3A_708 = tpu.memref_slice %arg7[%dma_wait3A_702, %dma_wait3A_707] : memref<40x128xi32, #tpu.memory_space<vmem>> -> memref<1x128xi32, #tpu.memory_space<vmem>>
      %dma_wait3A_709 = tpu.memref_squeeze %dma_wait3A_708 : memref<1x128xi32, #tpu.memory_space<vmem>> -> memref<128xi32, #tpu.memory_space<vmem>>
      %dma_wait3A_710 = arith.constant 0 : i32
      %dma_wait3A_711 = tpu.memref_slice %arg2[%dma_wait3A_710] : memref<10000xf32, #tpu.memory_space<hbm>> -> memref<10000xf32, #tpu.memory_space<hbm>>
      tpu.wait_indirect_dma semaphore(%arg11 : memref<!tpu.dma_semaphore, #tpu.memory_space<semaphore_mem>>) src(%dma_wait3A_711 : memref<10000xf32, #tpu.memory_space<hbm>>) dst(%dma_wait3A_706 : memref<128xf32, #tpu.memory_space<vmem>>)
      %dma_wait3A_712 = arith.constant 31 : i32
      %dma_wait3A_713 = arith.constant 31 : i32
      %dma_wait3A_714 = arith.constant 0 : i32
      %dma_wait3A_715 = tpu.memref_slice %arg8[%dma_wait3A_713, %dma_wait3A_714] : memref<40x128xf32, #tpu.memory_space<vmem>> -> memref<1x128xf32, #tpu.memory_space<vmem>>
      %dma_wait3A_716 = tpu.memref_squeeze %dma_wait3A_715 : memref<1x128xf32, #tpu.memory_space<vmem>> -> memref<128xf32, #tpu.memory_space<vmem>>
      %dma_wait3A_717 = arith.constant 0 : i32
      %dma_wait3A_718 = tpu.memref_slice %arg7[%dma_wait3A_712, %dma_wait3A_717] : memref<40x128xi32, #tpu.memory_space<vmem>> -> memref<1x128xi32, #tpu.memory_space<vmem>>
      %dma_wait3A_719 = tpu.memref_squeeze %dma_wait3A_718 : memref<1x128xi32, #tpu.memory_space<vmem>> -> memref<128xi32, #tpu.memory_space<vmem>>
      %dma_wait3A_720 = arith.constant 0 : i32
      %dma_wait3A_721 = tpu.memref_slice %arg2[%dma_wait3A_720] : memref<10000xf32, #tpu.memory_space<hbm>> -> memref<10000xf32, #tpu.memory_space<hbm>>
      tpu.wait_indirect_dma semaphore(%arg11 : memref<!tpu.dma_semaphore, #tpu.memory_space<semaphore_mem>>) src(%dma_wait3A_721 : memref<10000xf32, #tpu.memory_space<hbm>>) dst(%dma_wait3A_716 : memref<128xf32, #tpu.memory_space<vmem>>)
      %dma_wait3A_722 = arith.constant 32 : i32
      %dma_wait3A_723 = arith.constant 32 : i32
      %dma_wait3A_724 = arith.constant 0 : i32
      %dma_wait3A_725 = tpu.memref_slice %arg8[%dma_wait3A_723, %dma_wait3A_724] : memref<40x128xf32, #tpu.memory_space<vmem>> -> memref<1x128xf32, #tpu.memory_space<vmem>>
      %dma_wait3A_726 = tpu.memref_squeeze %dma_wait3A_725 : memref<1x128xf32, #tpu.memory_space<vmem>> -> memref<128xf32, #tpu.memory_space<vmem>>
      %dma_wait3A_727 = arith.constant 0 : i32
      %dma_wait3A_728 = tpu.memref_slice %arg7[%dma_wait3A_722, %dma_wait3A_727] : memref<40x128xi32, #tpu.memory_space<vmem>> -> memref<1x128xi32, #tpu.memory_space<vmem>>
      %dma_wait3A_729 = tpu.memref_squeeze %dma_wait3A_728 : memref<1x128xi32, #tpu.memory_space<vmem>> -> memref<128xi32, #tpu.memory_space<vmem>>
      %dma_wait3A_730 = arith.constant 0 : i32
      %dma_wait3A_731 = tpu.memref_slice %arg2[%dma_wait3A_730] : memref<10000xf32, #tpu.memory_space<hbm>> -> memref<10000xf32, #tpu.memory_space<hbm>>
      tpu.wait_indirect_dma semaphore(%arg11 : memref<!tpu.dma_semaphore, #tpu.memory_space<semaphore_mem>>) src(%dma_wait3A_731 : memref<10000xf32, #tpu.memory_space<hbm>>) dst(%dma_wait3A_726 : memref<128xf32, #tpu.memory_space<vmem>>)
      %dma_wait3A_732 = arith.constant 33 : i32
      %dma_wait3A_733 = arith.constant 33 : i32
      %dma_wait3A_734 = arith.constant 0 : i32
      %dma_wait3A_735 = tpu.memref_slice %arg8[%dma_wait3A_733, %dma_wait3A_734] : memref<40x128xf32, #tpu.memory_space<vmem>> -> memref<1x128xf32, #tpu.memory_space<vmem>>
      %dma_wait3A_736 = tpu.memref_squeeze %dma_wait3A_735 : memref<1x128xf32, #tpu.memory_space<vmem>> -> memref<128xf32, #tpu.memory_space<vmem>>
      %dma_wait3A_737 = arith.constant 0 : i32
      %dma_wait3A_738 = tpu.memref_slice %arg7[%dma_wait3A_732, %dma_wait3A_737] : memref<40x128xi32, #tpu.memory_space<vmem>> -> memref<1x128xi32, #tpu.memory_space<vmem>>
      %dma_wait3A_739 = tpu.memref_squeeze %dma_wait3A_738 : memref<1x128xi32, #tpu.memory_space<vmem>> -> memref<128xi32, #tpu.memory_space<vmem>>
      %dma_wait3A_740 = arith.constant 0 : i32
      %dma_wait3A_741 = tpu.memref_slice %arg2[%dma_wait3A_740] : memref<10000xf32, #tpu.memory_space<hbm>> -> memref<10000xf32, #tpu.memory_space<hbm>>
      tpu.wait_indirect_dma semaphore(%arg11 : memref<!tpu.dma_semaphore, #tpu.memory_space<semaphore_mem>>) src(%dma_wait3A_741 : memref<10000xf32, #tpu.memory_space<hbm>>) dst(%dma_wait3A_736 : memref<128xf32, #tpu.memory_space<vmem>>)
      %dma_wait3A_742 = arith.constant 34 : i32
      %dma_wait3A_743 = arith.constant 34 : i32
      %dma_wait3A_744 = arith.constant 0 : i32
      %dma_wait3A_745 = tpu.memref_slice %arg8[%dma_wait3A_743, %dma_wait3A_744] : memref<40x128xf32, #tpu.memory_space<vmem>> -> memref<1x128xf32, #tpu.memory_space<vmem>>
      %dma_wait3A_746 = tpu.memref_squeeze %dma_wait3A_745 : memref<1x128xf32, #tpu.memory_space<vmem>> -> memref<128xf32, #tpu.memory_space<vmem>>
      %dma_wait3A_747 = arith.constant 0 : i32
      %dma_wait3A_748 = tpu.memref_slice %arg7[%dma_wait3A_742, %dma_wait3A_747] : memref<40x128xi32, #tpu.memory_space<vmem>> -> memref<1x128xi32, #tpu.memory_space<vmem>>
      %dma_wait3A_749 = tpu.memref_squeeze %dma_wait3A_748 : memref<1x128xi32, #tpu.memory_space<vmem>> -> memref<128xi32, #tpu.memory_space<vmem>>
      %dma_wait3A_750 = arith.constant 0 : i32
      %dma_wait3A_751 = tpu.memref_slice %arg2[%dma_wait3A_750] : memref<10000xf32, #tpu.memory_space<hbm>> -> memref<10000xf32, #tpu.memory_space<hbm>>
      tpu.wait_indirect_dma semaphore(%arg11 : memref<!tpu.dma_semaphore, #tpu.memory_space<semaphore_mem>>) src(%dma_wait3A_751 : memref<10000xf32, #tpu.memory_space<hbm>>) dst(%dma_wait3A_746 : memref<128xf32, #tpu.memory_space<vmem>>)
      %dma_wait3A_752 = arith.constant 35 : i32
      %dma_wait3A_753 = arith.constant 35 : i32
      %dma_wait3A_754 = arith.constant 0 : i32
      %dma_wait3A_755 = tpu.memref_slice %arg8[%dma_wait3A_753, %dma_wait3A_754] : memref<40x128xf32, #tpu.memory_space<vmem>> -> memref<1x128xf32, #tpu.memory_space<vmem>>
      %dma_wait3A_756 = tpu.memref_squeeze %dma_wait3A_755 : memref<1x128xf32, #tpu.memory_space<vmem>> -> memref<128xf32, #tpu.memory_space<vmem>>
      %dma_wait3A_757 = arith.constant 0 : i32
      %dma_wait3A_758 = tpu.memref_slice %arg7[%dma_wait3A_752, %dma_wait3A_757] : memref<40x128xi32, #tpu.memory_space<vmem>> -> memref<1x128xi32, #tpu.memory_space<vmem>>
      %dma_wait3A_759 = tpu.memref_squeeze %dma_wait3A_758 : memref<1x128xi32, #tpu.memory_space<vmem>> -> memref<128xi32, #tpu.memory_space<vmem>>
      %dma_wait3A_760 = arith.constant 0 : i32
      %dma_wait3A_761 = tpu.memref_slice %arg2[%dma_wait3A_760] : memref<10000xf32, #tpu.memory_space<hbm>> -> memref<10000xf32, #tpu.memory_space<hbm>>
      tpu.wait_indirect_dma semaphore(%arg11 : memref<!tpu.dma_semaphore, #tpu.memory_space<semaphore_mem>>) src(%dma_wait3A_761 : memref<10000xf32, #tpu.memory_space<hbm>>) dst(%dma_wait3A_756 : memref<128xf32, #tpu.memory_space<vmem>>)
      %dma_wait3A_762 = arith.constant 36 : i32
      %dma_wait3A_763 = arith.constant 36 : i32
      %dma_wait3A_764 = arith.constant 0 : i32
      %dma_wait3A_765 = tpu.memref_slice %arg8[%dma_wait3A_763, %dma_wait3A_764] : memref<40x128xf32, #tpu.memory_space<vmem>> -> memref<1x128xf32, #tpu.memory_space<vmem>>
      %dma_wait3A_766 = tpu.memref_squeeze %dma_wait3A_765 : memref<1x128xf32, #tpu.memory_space<vmem>> -> memref<128xf32, #tpu.memory_space<vmem>>
      %dma_wait3A_767 = arith.constant 0 : i32
      %dma_wait3A_768 = tpu.memref_slice %arg7[%dma_wait3A_762, %dma_wait3A_767] : memref<40x128xi32, #tpu.memory_space<vmem>> -> memref<1x128xi32, #tpu.memory_space<vmem>>
      %dma_wait3A_769 = tpu.memref_squeeze %dma_wait3A_768 : memref<1x128xi32, #tpu.memory_space<vmem>> -> memref<128xi32, #tpu.memory_space<vmem>>
      %dma_wait3A_770 = arith.constant 0 : i32
      %dma_wait3A_771 = tpu.memref_slice %arg2[%dma_wait3A_770] : memref<10000xf32, #tpu.memory_space<hbm>> -> memref<10000xf32, #tpu.memory_space<hbm>>
      tpu.wait_indirect_dma semaphore(%arg11 : memref<!tpu.dma_semaphore, #tpu.memory_space<semaphore_mem>>) src(%dma_wait3A_771 : memref<10000xf32, #tpu.memory_space<hbm>>) dst(%dma_wait3A_766 : memref<128xf32, #tpu.memory_space<vmem>>)
      %dma_wait3A_772 = arith.constant 37 : i32
      %dma_wait3A_773 = arith.constant 37 : i32
      %dma_wait3A_774 = arith.constant 0 : i32
      %dma_wait3A_775 = tpu.memref_slice %arg8[%dma_wait3A_773, %dma_wait3A_774] : memref<40x128xf32, #tpu.memory_space<vmem>> -> memref<1x128xf32, #tpu.memory_space<vmem>>
      %dma_wait3A_776 = tpu.memref_squeeze %dma_wait3A_775 : memref<1x128xf32, #tpu.memory_space<vmem>> -> memref<128xf32, #tpu.memory_space<vmem>>
      %dma_wait3A_777 = arith.constant 0 : i32
      %dma_wait3A_778 = tpu.memref_slice %arg7[%dma_wait3A_772, %dma_wait3A_777] : memref<40x128xi32, #tpu.memory_space<vmem>> -> memref<1x128xi32, #tpu.memory_space<vmem>>
      %dma_wait3A_779 = tpu.memref_squeeze %dma_wait3A_778 : memref<1x128xi32, #tpu.memory_space<vmem>> -> memref<128xi32, #tpu.memory_space<vmem>>
      %dma_wait3A_780 = arith.constant 0 : i32
      %dma_wait3A_781 = tpu.memref_slice %arg2[%dma_wait3A_780] : memref<10000xf32, #tpu.memory_space<hbm>> -> memref<10000xf32, #tpu.memory_space<hbm>>
      tpu.wait_indirect_dma semaphore(%arg11 : memref<!tpu.dma_semaphore, #tpu.memory_space<semaphore_mem>>) src(%dma_wait3A_781 : memref<10000xf32, #tpu.memory_space<hbm>>) dst(%dma_wait3A_776 : memref<128xf32, #tpu.memory_space<vmem>>)
      %dma_wait3A_782 = arith.constant 38 : i32
      %dma_wait3A_783 = arith.constant 38 : i32
      %dma_wait3A_784 = arith.constant 0 : i32
      %dma_wait3A_785 = tpu.memref_slice %arg8[%dma_wait3A_783, %dma_wait3A_784] : memref<40x128xf32, #tpu.memory_space<vmem>> -> memref<1x128xf32, #tpu.memory_space<vmem>>
      %dma_wait3A_786 = tpu.memref_squeeze %dma_wait3A_785 : memref<1x128xf32, #tpu.memory_space<vmem>> -> memref<128xf32, #tpu.memory_space<vmem>>
      %dma_wait3A_787 = arith.constant 0 : i32
      %dma_wait3A_788 = tpu.memref_slice %arg7[%dma_wait3A_782, %dma_wait3A_787] : memref<40x128xi32, #tpu.memory_space<vmem>> -> memref<1x128xi32, #tpu.memory_space<vmem>>
      %dma_wait3A_789 = tpu.memref_squeeze %dma_wait3A_788 : memref<1x128xi32, #tpu.memory_space<vmem>> -> memref<128xi32, #tpu.memory_space<vmem>>
      %dma_wait3A_790 = arith.constant 0 : i32
      %dma_wait3A_791 = tpu.memref_slice %arg2[%dma_wait3A_790] : memref<10000xf32, #tpu.memory_space<hbm>> -> memref<10000xf32, #tpu.memory_space<hbm>>
      tpu.wait_indirect_dma semaphore(%arg11 : memref<!tpu.dma_semaphore, #tpu.memory_space<semaphore_mem>>) src(%dma_wait3A_791 : memref<10000xf32, #tpu.memory_space<hbm>>) dst(%dma_wait3A_786 : memref<128xf32, #tpu.memory_space<vmem>>)
      %dma_wait3A_792 = arith.constant 39 : i32
      %dma_wait3A_793 = arith.constant 39 : i32
      %dma_wait3A_794 = arith.constant 0 : i32
      %dma_wait3A_795 = tpu.memref_slice %arg8[%dma_wait3A_793, %dma_wait3A_794] : memref<40x128xf32, #tpu.memory_space<vmem>> -> memref<1x128xf32, #tpu.memory_space<vmem>>
      %dma_wait3A_796 = tpu.memref_squeeze %dma_wait3A_795 : memref<1x128xf32, #tpu.memory_space<vmem>> -> memref<128xf32, #tpu.memory_space<vmem>>
      %dma_wait3A_797 = arith.constant 0 : i32
      %dma_wait3A_798 = tpu.memref_slice %arg7[%dma_wait3A_792, %dma_wait3A_797] : memref<40x128xi32, #tpu.memory_space<vmem>> -> memref<1x128xi32, #tpu.memory_space<vmem>>
      %dma_wait3A_799 = tpu.memref_squeeze %dma_wait3A_798 : memref<1x128xi32, #tpu.memory_space<vmem>> -> memref<128xi32, #tpu.memory_space<vmem>>
      %dma_wait3A_800 = arith.constant 0 : i32
      %dma_wait3A_801 = tpu.memref_slice %arg2[%dma_wait3A_800] : memref<10000xf32, #tpu.memory_space<hbm>> -> memref<10000xf32, #tpu.memory_space<hbm>>
      tpu.wait_indirect_dma semaphore(%arg11 : memref<!tpu.dma_semaphore, #tpu.memory_space<semaphore_mem>>) src(%dma_wait3A_801 : memref<10000xf32, #tpu.memory_space<hbm>>) dst(%dma_wait3A_796 : memref<128xf32, #tpu.memory_space<vmem>>)
      %broadcast_in_dim3A = arith.constant -3.000000e+38 : f32
      %broadcast_in_dim3A_802 = vector.broadcast %broadcast_in_dim3A : f32 to vector<16xf32>
      %iota3A = tpu.iota {dimensions = array<i32: 0>} : vector<16xi32>
      %broadcast_in_dim3A_803 = arith.constant 0 : i32
      %broadcast_in_dim3A_804 = vector.broadcast %broadcast_in_dim3A_803 : i32 to vector<16xi32>
      %broadcast_in_dim3A_805 = arith.constant 0 : i32
      %broadcast_in_dim3A_806 = vector.broadcast %broadcast_in_dim3A_805 : i32 to vector<16xi32>
      %scan3A = arith.constant 0 : i32
      %scan3A_807 = arith.constant 312 : i32
      %scan3A_808 = arith.addi %scan3A, %scan3A_807 : i32
      %scan3A_809 = arith.constant 1 : i32
      %scan3A_810:3 = scf.for %scan3A_861 = %scan3A to %scan3A_808 step %scan3A_809 iter_args(%scan3A_862 = %broadcast_in_dim3A_802, %scan3A_863 = %broadcast_in_dim3A_804, %scan3A_864 = %broadcast_in_dim3A_806) -> (vector<16xf32>, vector<16xi32>, vector<16xi32>)  : i32 {
        %jit3A_865 = arith.constant 8 : i32
        %div3A = arith.divsi %scan3A_861, %jit3A_865 : i32
        %sign3A = arith.constant 0 : i32
        %sign3A_866 = arith.cmpi sgt, %scan3A_861, %sign3A : i32
        %sign3A_867 = arith.extui %sign3A_866 : i1 to i32
        %sign3A_868 = arith.constant 0 : i32
        %sign3A_869 = arith.cmpi slt, %scan3A_861, %sign3A_868 : i32
        %sign3A_870 = arith.extui %sign3A_869 : i1 to i32
        %sign3A_871 = arith.subi %sign3A_867, %sign3A_870 : i32
        %sign3A_872 = arith.constant 0 : i32
        %sign3A_873 = arith.cmpi sgt, %jit3A_865, %sign3A_872 : i32
        %sign3A_874 = arith.extui %sign3A_873 : i1 to i32
        %sign3A_875 = arith.constant 0 : i32
        %sign3A_876 = arith.cmpi slt, %jit3A_865, %sign3A_875 : i32
        %sign3A_877 = arith.extui %sign3A_876 : i1 to i32
        %sign3A_878 = arith.subi %sign3A_874, %sign3A_877 : i32
        %ne3A = arith.cmpi ne, %sign3A_871, %sign3A_878 : i32
        %rem3A = arith.remsi %scan3A_861, %jit3A_865 : i32
        %ne3A_879 = arith.constant 0 : i32
        %ne3A_880 = arith.cmpi ne, %rem3A, %ne3A_879 : i32
        %and3A_881 = arith.andi %ne3A, %ne3A_880 : i1
        %sub3A = arith.constant 1 : i32
        %sub3A_882 = arith.subi %div3A, %sub3A : i32
        %select_n3A_883 = arith.select %and3A_881, %sub3A_882, %div3A : i32
        %jit3A_884 = arith.constant 8 : i32
        %eq3A_885 = arith.constant 0 : i32
        %eq3A_886 = arith.cmpi eq, %jit3A_884, %eq3A_885 : i32
        %jit3A_887 = arith.constant 1 : i32
        %select_n3A_888 = arith.select %eq3A_886, %jit3A_887, %jit3A_884 : i32
        %rem3A_889 = arith.remsi %scan3A_861, %select_n3A_888 : i32
        %ne3A_890 = arith.constant 0 : i32
        %ne3A_891 = arith.cmpi ne, %rem3A_889, %ne3A_890 : i32
        %lt3A_892 = arith.constant 0 : i32
        %lt3A_893 = arith.cmpi slt, %rem3A_889, %lt3A_892 : i32
        %lt3A_894 = arith.constant 0 : i32
        %lt3A_895 = arith.cmpi slt, %select_n3A_888, %lt3A_894 : i32
        %ne3A_896 = arith.xori %lt3A_893, %lt3A_895 : i1
        %and3A_897 = arith.andi %ne3A_896, %ne3A_891 : i1
        %add3A_898 = arith.addi %rem3A_889, %select_n3A_888 : i32
        %select_n3A_899 = arith.select %and3A_897, %add3A_898, %rem3A_889 : i32
        %mul3A = arith.constant 16 : i32
        %mul3A_900 = arith.muli %select_n3A_899, %mul3A : i32
        %get3A_901 = arith.index_cast %select_n3A_883 : i32 to index
        %get3A_902 = arith.index_cast %mul3A_900 : i32 to index
        %get3A_903 = tpu.vector_load %arg8[%get3A_901, %get3A_902] {strides = array<i32>} : memref<40x128xf32, #tpu.memory_space<vmem>>, vector<16xf32>,
        %get3A_904 = arith.index_cast %select_n3A_883 : i32 to index
        %get3A_905 = arith.index_cast %mul3A_900 : i32 to index
        %get3A_906 = tpu.vector_load %arg7[%get3A_904, %get3A_905] {strides = array<i32>} : memref<40x128xi32, #tpu.memory_space<vmem>>, vector<16xi32>,
        %mul3A_907 = arith.constant 16 : i32
        %mul3A_908 = arith.muli %scan3A_861, %mul3A_907 : i32
        %add3A_909 = vector.broadcast %mul3A_908 : i32 to vector<16xi32>
        %add3A_910 = arith.addi %add3A_909, %iota3A : vector<16xi32>
        %gt3A_911 = arith.cmpf ogt, %get3A_903, %scan3A_862 : vector<16xf32>
        %select_n3A_912 = arith.select %gt3A_911, %get3A_903, %scan3A_862 : vector<16xi1>, vector<16xf32>
        %select_n3A_913 = arith.select %gt3A_911, %add3A_910, %scan3A_863 : vector<16xi1>, vector<16xi32>
        %select_n3A_914 = arith.select %gt3A_911, %get3A_906, %scan3A_864 : vector<16xi1>, vector<16xi32>
        scf.yield %select_n3A_912, %select_n3A_913, %select_n3A_914 : vector<16xf32>, vector<16xi32>, vector<16xi32>
      }
      %scan3A_811 = arith.constant 312 : i32
      %lt3A = arith.constant 8 : i32
      %lt3A_812 = vector.broadcast %lt3A : i32 to vector<16xi32>
      %lt3A_813 = arith.cmpi slt, %iota3A, %lt3A_812 : vector<16xi32>
      %get3A = arith.constant 39 : i32
      %get3A_814 = arith.index_cast %get3A : i32 to index
      %get3A_815 = arith.constant 0 : index
      %get3A_816 = tpu.vector_load %arg8[%get3A_814, %get3A_815] {strides = array<i32>} : memref<40x128xf32, #tpu.memory_space<vmem>>, vector<16xf32>,
      %select_n3A = arith.select %lt3A_813, %get3A_816, %broadcast_in_dim3A_802 : vector<16xi1>, vector<16xf32>
      %get3A_817 = arith.constant 39 : i32
      %get3A_818 = arith.index_cast %get3A_817 : i32 to index
      %get3A_819 = arith.constant 0 : index
      %get3A_820 = tpu.vector_load %arg7[%get3A_818, %get3A_819] {strides = array<i32>} : memref<40x128xi32, #tpu.memory_space<vmem>>, vector<16xi32>,
      %add3A = arith.constant 4992 : i32
      %add3A_821 = vector.broadcast %add3A : i32 to vector<16xi32>
      %add3A_822 = arith.addi %add3A_821, %iota3A : vector<16xi32>
      %gt3A = arith.cmpf ogt, %select_n3A, %scan3A_810#0 : vector<16xf32>
      %select_n3A_823 = arith.select %gt3A, %select_n3A, %scan3A_810#0 : vector<16xi1>, vector<16xf32>
      %select_n3A_824 = arith.select %gt3A, %add3A_822, %scan3A_810#1 : vector<16xi1>, vector<16xi32>
      %select_n3A_825 = arith.select %gt3A, %get3A_820, %scan3A_810#2 : vector<16xi1>, vector<16xi32>
      %reduce_max3A = arith.constant true
      %reduce_max3A_826 = vector.broadcast %reduce_max3A : i1 to vector<16xi1>
      %reduce_max3A_827 = tpu.scan <max>, %select_n3A_823 masked %reduce_max3A_826 : vector<16xf32>, vector<16xi1> -> vector<16xf32>
      %reduce_max3A_828 = vector.extract %reduce_max3A_827[15] : f32 from vector<16xf32>
      %eq3A_829 = vector.broadcast %reduce_max3A_828 : f32 to vector<16xf32>
      %eq3A_830 = arith.cmpf oeq, %select_n3A_823, %eq3A_829 : vector<16xf32>
      %jit3A = arith.constant 2147483647 : i32
      %broadcast_in_dim3A_831 = vector.broadcast %jit3A : i32 to vector<16xi32>
      %select_n3A_832 = arith.select %eq3A_830, %select_n3A_824, %broadcast_in_dim3A_831 : vector<16xi1>, vector<16xi32>
      %reduce_min3A = arith.constant true
      %reduce_min3A_833 = vector.broadcast %reduce_min3A : i1 to vector<16xi1>
      %reduce_min3A_834 = arith.constant -2147483648 : i32
      %reduce_min3A_835 = vector.broadcast %reduce_min3A_834 : i32 to vector<16xi32>
      %reduce_min3A_836 = arith.xori %select_n3A_832, %reduce_min3A_835 : vector<16xi32>
      %reduce_min3A_837 = tpu.scan <min>, %reduce_min3A_836 masked %reduce_min3A_833 : vector<16xi32>, vector<16xi1> -> vector<16xi32>
      %reduce_min3A_838 = arith.xori %reduce_min3A_837, %reduce_min3A_835 : vector<16xi32>
      %reduce_min3A_839 = vector.extract %reduce_min3A_838[15] : i32 from vector<16xi32>
      %eq3A_840 = vector.broadcast %reduce_min3A_839 : i32 to vector<16xi32>
      %eq3A_841 = arith.cmpi eq, %select_n3A_824, %eq3A_840 : vector<16xi32>
      %jit3A_842 = arith.constant 2147483647 : i32
      %broadcast_in_dim3A_843 = vector.broadcast %jit3A_842 : i32 to vector<16xi32>
      %select_n3A_844 = arith.select %eq3A_841, %select_n3A_825, %broadcast_in_dim3A_843 : vector<16xi1>, vector<16xi32>
      %reduce_min3A_845 = arith.constant true
      %reduce_min3A_846 = vector.broadcast %reduce_min3A_845 : i1 to vector<16xi1>
      %reduce_min3A_847 = arith.constant -2147483648 : i32
      %reduce_min3A_848 = vector.broadcast %reduce_min3A_847 : i32 to vector<16xi32>
      %reduce_min3A_849 = arith.xori %select_n3A_844, %reduce_min3A_848 : vector<16xi32>
      %reduce_min3A_850 = tpu.scan <min>, %reduce_min3A_849 masked %reduce_min3A_846 : vector<16xi32>, vector<16xi1> -> vector<16xi32>
      %reduce_min3A_851 = arith.xori %reduce_min3A_850, %reduce_min3A_848 : vector<16xi32>
      %reduce_min3A_852 = vector.extract %reduce_min3A_851[15] : i32 from vector<16xi32>
      %broadcast_in_dim3A_853 = vector.broadcast %reduce_min3A_852 : i32 to vector<16xi32>
      %swap3A = arith.constant 0 : index
      %swap3A_854 = tpu.vector_load %arg9[%swap3A] {strides = array<i32>} : memref<16xi32, #tpu.memory_space<vmem>>, vector<16xi32>,
      tpu.vector_store %arg9[%swap3A], %broadcast_in_dim3A_853 {strides = array<i32>} : memref<16xi32, #tpu.memory_space<vmem>>, vector<16xi32>,
      "tpu.region"() ({
        %run_scoped3A = tpu.sem_alloc : memref<!tpu.dma_semaphore, #tpu.memory_space<semaphore_mem>>
        tpu.enqueue_dma source(%arg9 : memref<16xi32, #tpu.memory_space<vmem>>) target(%arg5 : memref<16xi32, #tpu.memory_space<hbm>>) target_semaphore(%run_scoped3A : memref<!tpu.dma_semaphore, #tpu.memory_space<semaphore_mem>>)
        tpu.wait_dma2 semaphore(%run_scoped3A : memref<!tpu.dma_semaphore, #tpu.memory_space<semaphore_mem>>) src(%arg9 : memref<16xi32, #tpu.memory_space<vmem>>) dst(%arg5 : memref<16xi32, #tpu.memory_space<hbm>>)
        tpu.yield
      }) : () -> ()
      %dma_start3A_855 = arith.constant 0 : i32
      %dma_start3A_856 = arith.constant 0 : i32
      %dma_start3A_857 = tpu.memref_slice %arg4[%dma_start3A_855, %dma_start3A_856] : memref<10000x128xf32, #tpu.memory_space<hbm>> -> memref<10000x128xf32, #tpu.memory_space<hbm>>
      tpu.enqueue_indirect_dma source(%dma_start3A_857 : memref<10000x128xf32, #tpu.memory_space<hbm>>) target(%arg10 : memref<16x128xf32, #tpu.memory_space<vmem>>) offsets(%arg9 : memref<16xi32, #tpu.memory_space<vmem>>) semaphore(%arg11 : memref<!tpu.dma_semaphore, #tpu.memory_space<semaphore_mem>>)
      %dma_wait3A_858 = arith.constant 0 : i32
      %dma_wait3A_859 = arith.constant 0 : i32
      %dma_wait3A_860 = tpu.memref_slice %arg4[%dma_wait3A_858, %dma_wait3A_859] : memref<10000x128xf32, #tpu.memory_space<hbm>> -> memref<10000x128xf32, #tpu.memory_space<hbm>>
      tpu.wait_indirect_dma semaphore(%arg11 : memref<!tpu.dma_semaphore, #tpu.memory_space<semaphore_mem>>) src(%dma_wait3A_860 : memref<10000x128xf32, #tpu.memory_space<hbm>>) dst(%arg10 : memref<16x128xf32, #tpu.memory_space<vmem>>)
      "tpu.region"() ({
        %run_scoped3A = tpu.sem_alloc : memref<!tpu.dma_semaphore, #tpu.memory_space<semaphore_mem>>
        tpu.enqueue_dma source(%arg10 : memref<16x128xf32, #tpu.memory_space<vmem>>) target(%arg6 : memref<16x128xf32, #tpu.memory_space<hbm>>) target_semaphore(%run_scoped3A : memref<!tpu.dma_semaphore, #tpu.memory_space<semaphore_mem>>)
        tpu.wait_dma2 semaphore(%run_scoped3A : memref<!tpu.dma_semaphore, #tpu.memory_space<semaphore_mem>>) src(%arg10 : memref<16x128xf32, #tpu.memory_space<vmem>>) dst(%arg6 : memref<16x128xf32, #tpu.memory_space<hbm>>)
        tpu.yield
      }) : () -> ()
    } else {
    }
    return
  }
}

module attributes {stable_mosaic.version = 14 : i64} {
  func.func @_stage_a_body(%arg0: i32, %arg1: memref<5000x128xf32, #tpu.memory_space<vmem>>, %arg2: memref<5000x128xf32, #tpu.memory_space<vmem>>, %arg3: memref<128x128xf32, #tpu.memory_space<vmem>>, %arg4: memref<1x128xf32, #tpu.memory_space<vmem>>, %arg5: memref<128x384xf32, #tpu.memory_space<vmem>>, %arg6: memref<1x384xf32, #tpu.memory_space<vmem>>, %arg7: memref<5000x128xf32, #tpu.memory_space<vmem>>, %arg8: memref<5000x128xf32, #tpu.memory_space<vmem>>, %arg9: memref<5000x384xf32, #tpu.memory_space<vmem>>) attributes {dimension_semantics = [#tpu.dimension_semantics<arbitrary>], iteration_bounds = array<i64: 2>, scalar_prefetch = 0 : i64, scratch_operands = 0 : i64, tpu.core_type = #tpu.core_type<tc>, window_params = [{transform_indices = @transform_0, window_bounds = array<i64: 5000, 128>}, {transform_indices = @transform_1, window_bounds = array<i64: 5000, 128>}, {pipeline_mode = #tpu.pipeline_mode<synchronous>, transform_indices = @transform_2, window_bounds = array<i64: 128, 128>}, {pipeline_mode = #tpu.pipeline_mode<synchronous>, transform_indices = @transform_3, window_bounds = array<i64: 1, 128>}, {pipeline_mode = #tpu.pipeline_mode<synchronous>, transform_indices = @transform_4, window_bounds = array<i64: 128, 384>}, {pipeline_mode = #tpu.pipeline_mode<synchronous>, transform_indices = @transform_5, window_bounds = array<i64: 1, 384>}, {transform_indices = @transform_6, window_bounds = array<i64: 5000, 128>}, {transform_indices = @transform_7, window_bounds = array<i64: 5000, 128>}, {transform_indices = @transform_8, window_bounds = array<i64: 5000, 384>}]} {
    %get3A = arith.constant 0 : index
    %get3A_0 = arith.constant 0 : index
    %get3A_1 = vector.load %arg1[%get3A, %get3A_0] : memref<5000x128xf32, #tpu.memory_space<vmem>>, vector<5000x128xf32>
    %get3A_2 = arith.constant 0 : index
    %get3A_3 = arith.constant 0 : index
    %get3A_4 = vector.load %arg2[%get3A_2, %get3A_3] : memref<5000x128xf32, #tpu.memory_space<vmem>>, vector<5000x128xf32>
    %add3A = arith.addf %get3A_1, %get3A_4 : vector<5000x128xf32>
    %swap3A = arith.constant 0 : index
    %swap3A_5 = arith.constant 0 : index
    %swap3A_6 = vector.load %arg7[%swap3A, %swap3A_5] : memref<5000x128xf32, #tpu.memory_space<vmem>>, vector<5000x128xf32>
    tpu.vector_store %arg7[%swap3A, %swap3A_5], %add3A {strides = array<i32>} : memref<5000x128xf32, #tpu.memory_space<vmem>>, vector<5000x128xf32>,
    %get3A_7 = arith.constant 0 : index
    %get3A_8 = arith.constant 0 : index
    %get3A_9 = vector.load %arg3[%get3A_7, %get3A_8] : memref<128x128xf32, #tpu.memory_space<vmem>>, vector<128x128xf32>
    %dot_general3A = arith.constant dense<0.000000e+00> : vector<5000x128xf32>
    %dot_general3A_10 = tpu.matmul %add3A, %get3A_9, %dot_general3A {dimension_numbers = #tpu.dot_dimension_numbers<[1], [0], [0], [1], [0, 0, 1, 1], [], []>, transpose_lhs_hint = false} : vector<5000x128xf32>, vector<128x128xf32>, vector<5000x128xf32> -> vector<5000x128xf32>
    %get3A_11 = arith.constant 0 : index
    %get3A_12 = arith.constant 0 : index
    %get3A_13 = vector.load %arg4[%get3A_11, %get3A_12] : memref<1x128xf32, #tpu.memory_space<vmem>>, vector<1x128xf32>
    %add3A_14 = vector.broadcast %get3A_13 : vector<1x128xf32> to vector<5000x128xf32>
    %add3A_15 = arith.addf %dot_general3A_10, %add3A_14 : vector<5000x128xf32>
    %swap3A_16 = arith.constant 0 : index
    %swap3A_17 = arith.constant 0 : index
    %swap3A_18 = vector.load %arg8[%swap3A_16, %swap3A_17] : memref<5000x128xf32, #tpu.memory_space<vmem>>, vector<5000x128xf32>
    tpu.vector_store %arg8[%swap3A_16, %swap3A_17], %add3A_15 {strides = array<i32>} : memref<5000x128xf32, #tpu.memory_space<vmem>>, vector<5000x128xf32>,
    %get3A_19 = arith.constant 0 : index
    %get3A_20 = arith.constant 0 : index
    %get3A_21 = vector.load %arg5[%get3A_19, %get3A_20] : memref<128x384xf32, #tpu.memory_space<vmem>>, vector<128x384xf32>
    %dot_general3A_22 = arith.constant dense<0.000000e+00> : vector<5000x384xf32>
    %dot_general3A_23 = tpu.matmul %add3A, %get3A_21, %dot_general3A_22 {dimension_numbers = #tpu.dot_dimension_numbers<[1], [0], [0], [1], [0, 0, 1, 1], [], []>, transpose_lhs_hint = false} : vector<5000x128xf32>, vector<128x384xf32>, vector<5000x384xf32> -> vector<5000x384xf32>
    %get3A_24 = arith.constant 0 : index
    %get3A_25 = arith.constant 0 : index
    %get3A_26 = vector.load %arg6[%get3A_24, %get3A_25] : memref<1x384xf32, #tpu.memory_space<vmem>>, vector<1x384xf32>
    %add3A_27 = vector.broadcast %get3A_26 : vector<1x384xf32> to vector<5000x384xf32>
    %add3A_28 = arith.addf %dot_general3A_23, %add3A_27 : vector<5000x384xf32>
    %swap3A_29 = arith.constant 0 : index
    %swap3A_30 = arith.constant 0 : index
    %swap3A_31 = vector.load %arg9[%swap3A_29, %swap3A_30] : memref<5000x384xf32, #tpu.memory_space<vmem>>, vector<5000x384xf32>
    tpu.vector_store %arg9[%swap3A_29, %swap3A_30], %add3A_28 {strides = array<i32>} : memref<5000x384xf32, #tpu.memory_space<vmem>>, vector<5000x384xf32>,
    return
  }
  func.func @transform_0(%arg0: i32) -> (i32, i32) {
    %c0_i32 = arith.constant 0 : i32
    %c0_i32_0 = arith.constant 0 : i32
    return %arg0, %c0_i32 : i32, i32
  }
  func.func @transform_1(%arg0: i32) -> (i32, i32) {
    %c0_i32 = arith.constant 0 : i32
    %c0_i32_0 = arith.constant 0 : i32
    return %arg0, %c0_i32 : i32, i32
  }
  func.func @transform_2(%arg0: i32) -> (i32, i32) {
    %c0_i32 = arith.constant 0 : i32
    %c0_i32_0 = arith.constant 0 : i32
    %c0_i32_1 = arith.constant 0 : i32
    return %c0_i32, %c0_i32_0 : i32, i32
  }
  func.func @transform_3(%arg0: i32) -> (i32, i32) {
    %c0_i32 = arith.constant 0 : i32
    %c0_i32_0 = arith.constant 0 : i32
    %c0_i32_1 = arith.constant 0 : i32
    return %c0_i32, %c0_i32_0 : i32, i32
  }
  func.func @transform_4(%arg0: i32) -> (i32, i32) {
    %c0_i32 = arith.constant 0 : i32
    %c0_i32_0 = arith.constant 0 : i32
    %c0_i32_1 = arith.constant 0 : i32
    return %c0_i32, %c0_i32_0 : i32, i32
  }
  func.func @transform_5(%arg0: i32) -> (i32, i32) {
    %c0_i32 = arith.constant 0 : i32
    %c0_i32_0 = arith.constant 0 : i32
    %c0_i32_1 = arith.constant 0 : i32
    return %c0_i32, %c0_i32_0 : i32, i32
  }
  func.func @transform_6(%arg0: i32) -> (i32, i32) {
    %c0_i32 = arith.constant 0 : i32
    %c0_i32_0 = arith.constant 0 : i32
    return %arg0, %c0_i32 : i32, i32
  }
  func.func @transform_7(%arg0: i32) -> (i32, i32) {
    %c0_i32 = arith.constant 0 : i32
    %c0_i32_0 = arith.constant 0 : i32
    return %arg0, %c0_i32 : i32, i32
  }
  func.func @transform_8(%arg0: i32) -> (i32, i32) {
    %c0_i32 = arith.constant 0 : i32
    %c0_i32_0 = arith.constant 0 : i32
    return %arg0, %c0_i32 : i32, i32
  }
}

module attributes {stable_mosaic.version = 14 : i64} {
  func.func @_stage_c_body(%arg0: i32, %arg1: memref<5000x128xf32, #tpu.memory_space<vmem>>, %arg2: memref<5000x128xf32, #tpu.memory_space<vmem>>, %arg3: memref<5000x128xf32, #tpu.memory_space<vmem>>, %arg4: memref<5000x384xf32, #tpu.memory_space<vmem>>, %arg5: memref<128x384xf32, #tpu.memory_space<vmem>>, %arg6: memref<1x384xf32, #tpu.memory_space<vmem>>, %arg7: memref<128x64xf32, #tpu.memory_space<vmem>>, %arg8: memref<1x64xf32, #tpu.memory_space<vmem>>, %arg9: memref<64x64xf32, #tpu.memory_space<vmem>>, %arg10: memref<1x64xf32, #tpu.memory_space<vmem>>, %arg11: memref<1x64xf32, #tpu.memory_space<vmem>>, %arg12: memref<1x1xf32, #tpu.memory_space<vmem>>, %arg13: memref<5000x128xf32, #tpu.memory_space<vmem>>, %arg14: memref<5000x1xf32, #tpu.memory_space<vmem>>) attributes {dimension_semantics = [#tpu.dimension_semantics<arbitrary>], iteration_bounds = array<i64: 2>, scalar_prefetch = 0 : i64, scratch_operands = 0 : i64, tpu.core_type = #tpu.core_type<tc>, window_params = [{transform_indices = @transform_0, window_bounds = array<i64: 5000, 128>}, {transform_indices = @transform_1, window_bounds = array<i64: 5000, 128>}, {transform_indices = @transform_2, window_bounds = array<i64: 5000, 128>}, {transform_indices = @transform_3, window_bounds = array<i64: 5000, 384>}, {pipeline_mode = #tpu.pipeline_mode<synchronous>, transform_indices = @transform_4, window_bounds = array<i64: 128, 384>}, {pipeline_mode = #tpu.pipeline_mode<synchronous>, transform_indices = @transform_5, window_bounds = array<i64: 1, 384>}, {pipeline_mode = #tpu.pipeline_mode<synchronous>, transform_indices = @transform_6, window_bounds = array<i64: 128, 64>}, {pipeline_mode = #tpu.pipeline_mode<synchronous>, transform_indices = @transform_7, window_bounds = array<i64: 1, 64>}, {pipeline_mode = #tpu.pipeline_mode<synchronous>, transform_indices = @transform_8, window_bounds = array<i64: 64, 64>}, {pipeline_mode = #tpu.pipeline_mode<synchronous>, transform_indices = @transform_9, window_bounds = array<i64: 1, 64>}, {pipeline_mode = #tpu.pipeline_mode<synchronous>, transform_indices = @transform_10, window_bounds = array<i64: 1, 64>}, {pipeline_mode = #tpu.pipeline_mode<synchronous>, transform_indices = @transform_11, window_bounds = array<i64: 1, 1>}, {transform_indices = @transform_12, window_bounds = array<i64: 5000, 128>}, {transform_indices = @transform_13, window_bounds = array<i64: 5000, 1>}]} {
    %get3A = arith.constant 0 : index
    %get3A_0 = arith.constant 0 : index
    %get3A_1 = vector.load %arg1[%get3A, %get3A_0] : memref<5000x128xf32, #tpu.memory_space<vmem>>, vector<5000x128xf32>
    %get3A_2 = arith.constant 0 : index
    %get3A_3 = arith.constant 0 : index
    %get3A_4 = vector.load %arg2[%get3A_2, %get3A_3] : memref<5000x128xf32, #tpu.memory_space<vmem>>, vector<5000x128xf32>
    %add3A = arith.addf %get3A_1, %get3A_4 : vector<5000x128xf32>
    %get3A_5 = arith.constant 0 : index
    %get3A_6 = arith.constant 0 : index
    %get3A_7 = vector.load %arg5[%get3A_5, %get3A_6] : memref<128x384xf32, #tpu.memory_space<vmem>>, vector<128x384xf32>
    %dot_general3A = arith.constant dense<0.000000e+00> : vector<5000x384xf32>
    %dot_general3A_8 = tpu.matmul %add3A, %get3A_7, %dot_general3A {dimension_numbers = #tpu.dot_dimension_numbers<[1], [0], [0], [1], [0, 0, 1, 1], [], []>, transpose_lhs_hint = false} : vector<5000x128xf32>, vector<128x384xf32>, vector<5000x384xf32> -> vector<5000x384xf32>
    %get3A_9 = arith.constant 0 : index
    %get3A_10 = arith.constant 0 : index
    %get3A_11 = vector.load %arg6[%get3A_9, %get3A_10] : memref<1x384xf32, #tpu.memory_space<vmem>>, vector<1x384xf32>
    %add3A_12 = vector.broadcast %get3A_11 : vector<1x384xf32> to vector<5000x384xf32>
    %add3A_13 = arith.addf %dot_general3A_8, %add3A_12 : vector<5000x384xf32>
    %get3A_14 = arith.constant 0 : index
    %get3A_15 = arith.constant 0 : index
    %get3A_16 = vector.load %arg4[%get3A_14, %get3A_15] : memref<5000x384xf32, #tpu.memory_space<vmem>>, vector<5000x384xf32>
    %get3A_17 = arith.constant 0 : index
    %get3A_18 = arith.constant 0 : index
    %get3A_19 = vector.load %arg3[%get3A_17, %get3A_18] : memref<5000x128xf32, #tpu.memory_space<vmem>>, vector<5000x128xf32>
    %slice3A = vector.extract_strided_slice %add3A_13 {offsets = [0, 0], sizes = [5000, 128], strides = [1, 1]} : vector<5000x384xf32> to vector<5000x128xf32>
    %slice3A_20 = vector.extract_strided_slice %get3A_16 {offsets = [0, 0], sizes = [5000, 128], strides = [1, 1]} : vector<5000x384xf32> to vector<5000x128xf32>
    %add3A_21 = arith.addf %slice3A, %slice3A_20 : vector<5000x128xf32>
    %logistic3A = arith.negf %add3A_21 : vector<5000x128xf32>
    %logistic3A_22 = math.exp %logistic3A : vector<5000x128xf32>
    %logistic3A_23 = arith.constant 1.000000e+00 : f32
    %logistic3A_24 = vector.broadcast %logistic3A_23 : f32 to vector<5000x128xf32>
    %logistic3A_25 = arith.addf %logistic3A_24, %logistic3A_22 : vector<5000x128xf32>
    %logistic3A_26 = arith.divf %logistic3A_24, %logistic3A_25 : vector<5000x128xf32>
    %slice3A_27 = vector.extract_strided_slice %add3A_13 {offsets = [0, 128], sizes = [5000, 128], strides = [1, 1]} : vector<5000x384xf32> to vector<5000x128xf32>
    %slice3A_28 = vector.extract_strided_slice %get3A_16 {offsets = [0, 128], sizes = [5000, 128], strides = [1, 1]} : vector<5000x384xf32> to vector<5000x128xf32>
    %add3A_29 = arith.addf %slice3A_27, %slice3A_28 : vector<5000x128xf32>
    %logistic3A_30 = arith.negf %add3A_29 : vector<5000x128xf32>
    %logistic3A_31 = math.exp %logistic3A_30 : vector<5000x128xf32>
    %logistic3A_32 = arith.constant 1.000000e+00 : f32
    %logistic3A_33 = vector.broadcast %logistic3A_32 : f32 to vector<5000x128xf32>
    %logistic3A_34 = arith.addf %logistic3A_33, %logistic3A_31 : vector<5000x128xf32>
    %logistic3A_35 = arith.divf %logistic3A_33, %logistic3A_34 : vector<5000x128xf32>
    %slice3A_36 = vector.extract_strided_slice %add3A_13 {offsets = [0, 256], sizes = [5000, 128], strides = [1, 1]} : vector<5000x384xf32> to vector<5000x128xf32>
    %slice3A_37 = vector.extract_strided_slice %get3A_16 {offsets = [0, 256], sizes = [5000, 128], strides = [1, 1]} : vector<5000x384xf32> to vector<5000x128xf32>
    %mul3A = arith.mulf %logistic3A_26, %slice3A_37 : vector<5000x128xf32>
    %add3A_38 = arith.addf %slice3A_36, %mul3A : vector<5000x128xf32>
    %tanh3A = math.tanh %add3A_38 : vector<5000x128xf32>
    %sub3A = arith.constant 1.000000e+00 : f32
    %sub3A_39 = vector.broadcast %sub3A : f32 to vector<5000x128xf32>
    %sub3A_40 = arith.subf %sub3A_39, %logistic3A_35 : vector<5000x128xf32>
    %mul3A_41 = arith.mulf %sub3A_40, %tanh3A : vector<5000x128xf32>
    %mul3A_42 = arith.mulf %logistic3A_35, %get3A_19 : vector<5000x128xf32>
    %add3A_43 = arith.addf %mul3A_41, %mul3A_42 : vector<5000x128xf32>
    %swap3A = arith.constant 0 : index
    %swap3A_44 = arith.constant 0 : index
    %swap3A_45 = vector.load %arg13[%swap3A, %swap3A_44] : memref<5000x128xf32, #tpu.memory_space<vmem>>, vector<5000x128xf32>
    tpu.vector_store %arg13[%swap3A, %swap3A_44], %add3A_43 {strides = array<i32>} : memref<5000x128xf32, #tpu.memory_space<vmem>>, vector<5000x128xf32>,
    %get3A_46 = arith.constant 0 : index
    %get3A_47 = arith.constant 0 : index
    %get3A_48 = vector.load %arg7[%get3A_46, %get3A_47] : memref<128x64xf32, #tpu.memory_space<vmem>>, vector<128x64xf32>
    %dot_general3A_49 = arith.constant dense<0.000000e+00> : vector<5000x64xf32>
    %dot_general3A_50 = tpu.matmul %add3A_43, %get3A_48, %dot_general3A_49 {dimension_numbers = #tpu.dot_dimension_numbers<[1], [0], [0], [1], [0, 0, 1, 1], [], []>, transpose_lhs_hint = false} : vector<5000x128xf32>, vector<128x64xf32>, vector<5000x64xf32> -> vector<5000x64xf32>
    %get3A_51 = arith.constant 0 : index
    %get3A_52 = arith.constant 0 : index
    %get3A_53 = vector.load %arg8[%get3A_51, %get3A_52] : memref<1x64xf32, #tpu.memory_space<vmem>>, vector<1x64xf32>
    %add3A_54 = vector.broadcast %get3A_53 : vector<1x64xf32> to vector<5000x64xf32>
    %add3A_55 = arith.addf %dot_general3A_50, %add3A_54 : vector<5000x64xf32>
    %max3A = arith.constant 0.000000e+00 : f32
    %max3A_56 = vector.broadcast %max3A : f32 to vector<5000x64xf32>
    %max3A_57 = arith.maximumf %add3A_55, %max3A_56 : vector<5000x64xf32>
    %get3A_58 = arith.constant 0 : index
    %get3A_59 = arith.constant 0 : index
    %get3A_60 = vector.load %arg9[%get3A_58, %get3A_59] : memref<64x64xf32, #tpu.memory_space<vmem>>, vector<64x64xf32>
    %dot_general3A_61 = arith.constant dense<0.000000e+00> : vector<5000x64xf32>
    %dot_general3A_62 = tpu.matmul %max3A_57, %get3A_60, %dot_general3A_61 {dimension_numbers = #tpu.dot_dimension_numbers<[1], [0], [0], [1], [0, 0, 1, 1], [], []>, transpose_lhs_hint = false} : vector<5000x64xf32>, vector<64x64xf32>, vector<5000x64xf32> -> vector<5000x64xf32>
    %get3A_63 = arith.constant 0 : index
    %get3A_64 = arith.constant 0 : index
    %get3A_65 = vector.load %arg10[%get3A_63, %get3A_64] : memref<1x64xf32, #tpu.memory_space<vmem>>, vector<1x64xf32>
    %add3A_66 = vector.broadcast %get3A_65 : vector<1x64xf32> to vector<5000x64xf32>
    %add3A_67 = arith.addf %dot_general3A_62, %add3A_66 : vector<5000x64xf32>
    %max3A_68 = arith.constant 0.000000e+00 : f32
    %max3A_69 = vector.broadcast %max3A_68 : f32 to vector<5000x64xf32>
    %max3A_70 = arith.maximumf %add3A_67, %max3A_69 : vector<5000x64xf32>
    %get3A_71 = arith.constant 0 : index
    %get3A_72 = arith.constant 0 : index
    %get3A_73 = vector.load %arg11[%get3A_71, %get3A_72] : memref<1x64xf32, #tpu.memory_space<vmem>>, vector<1x64xf32>
    %mul3A_74 = vector.broadcast %get3A_73 : vector<1x64xf32> to vector<5000x64xf32>
    %mul3A_75 = arith.mulf %max3A_70, %mul3A_74 : vector<5000x64xf32>
    %reduce_sum3A = arith.constant dense<0.000000e+00> : vector<5000xf32>
    %reduce_sum3A_76 = vector.multi_reduction <add>, %mul3A_75, %reduce_sum3A [1] : vector<5000x64xf32> to vector<5000xf32>
    %broadcast_in_dim3A = vector.shape_cast %reduce_sum3A_76 : vector<5000xf32> to vector<5000x1xf32>
    %get3A_77 = arith.constant 0 : index
    %get3A_78 = arith.constant 0 : index
    %get3A_79 = vector.load %arg12[%get3A_77, %get3A_78] : memref<1x1xf32, #tpu.memory_space<vmem>>, vector<1x1xf32>
    %add3A_80 = vector.broadcast %get3A_79 : vector<1x1xf32> to vector<5000x1xf32>
    %add3A_81 = arith.addf %broadcast_in_dim3A, %add3A_80 : vector<5000x1xf32>
    %swap3A_82 = arith.constant 0 : index
    %swap3A_83 = arith.constant 0 : index
    %swap3A_84 = vector.load %arg14[%swap3A_82, %swap3A_83] : memref<5000x1xf32, #tpu.memory_space<vmem>>, vector<5000x1xf32>
    tpu.vector_store %arg14[%swap3A_82, %swap3A_83], %add3A_81 {strides = array<i32>} : memref<5000x1xf32, #tpu.memory_space<vmem>>, vector<5000x1xf32>,
    return
  }
  func.func @transform_0(%arg0: i32) -> (i32, i32) {
    %c0_i32 = arith.constant 0 : i32
    %c0_i32_0 = arith.constant 0 : i32
    return %arg0, %c0_i32 : i32, i32
  }
  func.func @transform_1(%arg0: i32) -> (i32, i32) {
    %c0_i32 = arith.constant 0 : i32
    %c0_i32_0 = arith.constant 0 : i32
    return %arg0, %c0_i32 : i32, i32
  }
  func.func @transform_2(%arg0: i32) -> (i32, i32) {
    %c0_i32 = arith.constant 0 : i32
    %c0_i32_0 = arith.constant 0 : i32
    return %arg0, %c0_i32 : i32, i32
  }
  func.func @transform_3(%arg0: i32) -> (i32, i32) {
    %c0_i32 = arith.constant 0 : i32
    %c0_i32_0 = arith.constant 0 : i32
    return %arg0, %c0_i32 : i32, i32
  }
  func.func @transform_4(%arg0: i32) -> (i32, i32) {
    %c0_i32 = arith.constant 0 : i32
    %c0_i32_0 = arith.constant 0 : i32
    %c0_i32_1 = arith.constant 0 : i32
    return %c0_i32, %c0_i32_0 : i32, i32
  }
  func.func @transform_5(%arg0: i32) -> (i32, i32) {
    %c0_i32 = arith.constant 0 : i32
    %c0_i32_0 = arith.constant 0 : i32
    %c0_i32_1 = arith.constant 0 : i32
    return %c0_i32, %c0_i32_0 : i32, i32
  }
  func.func @transform_6(%arg0: i32) -> (i32, i32) {
    %c0_i32 = arith.constant 0 : i32
    %c0_i32_0 = arith.constant 0 : i32
    %c0_i32_1 = arith.constant 0 : i32
    return %c0_i32, %c0_i32_0 : i32, i32
  }
  func.func @transform_7(%arg0: i32) -> (i32, i32) {
    %c0_i32 = arith.constant 0 : i32
    %c0_i32_0 = arith.constant 0 : i32
    %c0_i32_1 = arith.constant 0 : i32
    return %c0_i32, %c0_i32_0 : i32, i32
  }
  func.func @transform_8(%arg0: i32) -> (i32, i32) {
    %c0_i32 = arith.constant 0 : i32
    %c0_i32_0 = arith.constant 0 : i32
    %c0_i32_1 = arith.constant 0 : i32
    return %c0_i32, %c0_i32_0 : i32, i32
  }
  func.func @transform_9(%arg0: i32) -> (i32, i32) {
    %c0_i32 = arith.constant 0 : i32
    %c0_i32_0 = arith.constant 0 : i32
    %c0_i32_1 = arith.constant 0 : i32
    return %c0_i32, %c0_i32_0 : i32, i32
  }
  func.func @transform_10(%arg0: i32) -> (i32, i32) {
    %c0_i32 = arith.constant 0 : i32
    %c0_i32_0 = arith.constant 0 : i32
    %c0_i32_1 = arith.constant 0 : i32
    return %c0_i32, %c0_i32_0 : i32, i32
  }
  func.func @transform_11(%arg0: i32) -> (i32, i32) {
    %c0_i32 = arith.constant 0 : i32
    %c0_i32_0 = arith.constant 0 : i32
    %c0_i32_1 = arith.constant 0 : i32
    return %c0_i32, %c0_i32_0 : i32, i32
  }
  func.func @transform_12(%arg0: i32) -> (i32, i32) {
    %c0_i32 = arith.constant 0 : i32
    %c0_i32_0 = arith.constant 0 : i32
    return %arg0, %c0_i32 : i32, i32
  }
  func.func @transform_13(%arg0: i32) -> (i32, i32) {
    %c0_i32 = arith.constant 0 : i32
    %c0_i32_0 = arith.constant 0 : i32
    return %arg0, %c0_i32 : i32, i32
  }
}

module attributes {stable_mosaic.version = 14 : i64} {
  func.func @_stage_e_body(%arg0: memref<8x128xf32, #tpu.memory_space<vmem>>, %arg1: memref<128x64xf32, #tpu.memory_space<vmem>>, %arg2: memref<1x64xf32, #tpu.memory_space<vmem>>, %arg3: memref<64x64xf32, #tpu.memory_space<vmem>>, %arg4: memref<1x64xf32, #tpu.memory_space<vmem>>, %arg5: memref<64x32xf32, #tpu.memory_space<vmem>>, %arg6: memref<1x32xf32, #tpu.memory_space<vmem>>, %arg7: memref<8x32xf32, #tpu.memory_space<vmem>>) attributes {dimension_semantics = [], scalar_prefetch = 0 : i64, scratch_operands = 0 : i64, tpu.core_type = #tpu.core_type<tc>} {
    %get3A = arith.constant 0 : index
    %get3A_0 = arith.constant 0 : index
    %get3A_1 = vector.load %arg0[%get3A, %get3A_0] : memref<8x128xf32, #tpu.memory_space<vmem>>, vector<8x128xf32>
    %get3A_2 = arith.constant 0 : index
    %get3A_3 = arith.constant 0 : index
    %get3A_4 = vector.load %arg1[%get3A_2, %get3A_3] : memref<128x64xf32, #tpu.memory_space<vmem>>, vector<128x64xf32>
    %dot_general3A = arith.constant dense<0.000000e+00> : vector<8x64xf32>
    %dot_general3A_5 = tpu.matmul %get3A_1, %get3A_4, %dot_general3A {dimension_numbers = #tpu.dot_dimension_numbers<[1], [0], [0], [1], [0, 0, 1, 1], [], []>, transpose_lhs_hint = false} : vector<8x128xf32>, vector<128x64xf32>, vector<8x64xf32> -> vector<8x64xf32>
    %get3A_6 = arith.constant 0 : index
    %get3A_7 = arith.constant 0 : index
    %get3A_8 = vector.load %arg2[%get3A_6, %get3A_7] : memref<1x64xf32, #tpu.memory_space<vmem>>, vector<1x64xf32>
    %add3A = vector.broadcast %get3A_8 : vector<1x64xf32> to vector<8x64xf32>
    %add3A_9 = arith.addf %dot_general3A_5, %add3A : vector<8x64xf32>
    %max3A = arith.constant 0.000000e+00 : f32
    %max3A_10 = vector.broadcast %max3A : f32 to vector<8x64xf32>
    %max3A_11 = arith.maximumf %add3A_9, %max3A_10 : vector<8x64xf32>
    %get3A_12 = arith.constant 0 : index
    %get3A_13 = arith.constant 0 : index
    %get3A_14 = vector.load %arg3[%get3A_12, %get3A_13] : memref<64x64xf32, #tpu.memory_space<vmem>>, vector<64x64xf32>
    %dot_general3A_15 = arith.constant dense<0.000000e+00> : vector<8x64xf32>
    %dot_general3A_16 = tpu.matmul %max3A_11, %get3A_14, %dot_general3A_15 {dimension_numbers = #tpu.dot_dimension_numbers<[1], [0], [0], [1], [0, 0, 1, 1], [], []>, transpose_lhs_hint = false} : vector<8x64xf32>, vector<64x64xf32>, vector<8x64xf32> -> vector<8x64xf32>
    %get3A_17 = arith.constant 0 : index
    %get3A_18 = arith.constant 0 : index
    %get3A_19 = vector.load %arg4[%get3A_17, %get3A_18] : memref<1x64xf32, #tpu.memory_space<vmem>>, vector<1x64xf32>
    %add3A_20 = vector.broadcast %get3A_19 : vector<1x64xf32> to vector<8x64xf32>
    %add3A_21 = arith.addf %dot_general3A_16, %add3A_20 : vector<8x64xf32>
    %max3A_22 = arith.constant 0.000000e+00 : f32
    %max3A_23 = vector.broadcast %max3A_22 : f32 to vector<8x64xf32>
    %max3A_24 = arith.maximumf %add3A_21, %max3A_23 : vector<8x64xf32>
    %get3A_25 = arith.constant 0 : index
    %get3A_26 = arith.constant 0 : index
    %get3A_27 = vector.load %arg5[%get3A_25, %get3A_26] : memref<64x32xf32, #tpu.memory_space<vmem>>, vector<64x32xf32>
    %dot_general3A_28 = arith.constant dense<0.000000e+00> : vector<8x32xf32>
    %dot_general3A_29 = tpu.matmul %max3A_24, %get3A_27, %dot_general3A_28 {dimension_numbers = #tpu.dot_dimension_numbers<[1], [0], [0], [1], [0, 0, 1, 1], [], []>, transpose_lhs_hint = false} : vector<8x64xf32>, vector<64x32xf32>, vector<8x32xf32> -> vector<8x32xf32>
    %get3A_30 = arith.constant 0 : index
    %get3A_31 = arith.constant 0 : index
    %get3A_32 = vector.load %arg6[%get3A_30, %get3A_31] : memref<1x32xf32, #tpu.memory_space<vmem>>, vector<1x32xf32>
    %add3A_33 = vector.broadcast %get3A_32 : vector<1x32xf32> to vector<8x32xf32>
    %add3A_34 = arith.addf %dot_general3A_29, %add3A_33 : vector<8x32xf32>
    %swap3A = arith.constant 0 : index
    %swap3A_35 = arith.constant 0 : index
    %swap3A_36 = vector.load %arg7[%swap3A, %swap3A_35] : memref<8x32xf32, #tpu.memory_space<vmem>>, vector<8x32xf32>
    tpu.vector_store %arg7[%swap3A, %swap3A_35], %add3A_34 {strides = array<i32>} : memref<8x32xf32, #tpu.memory_space<vmem>>, vector<8x32xf32>,
    return
  }
}

</mosaic_0001>

<sc_bundles>
// kernel: kernel.10.cloned.1.call-start
scs
__scs_entry_jumppad:
0x0: {  	(pc) =	sbr.rel $0x88, $3  }
0x1: {  	(tag) =	ssettag $0x0;
	lr =	simm.s32 $0x1  }
0x2: {  	[smem:$0x3F8B] =	sst lr;
	_ =	strace $0xD0000000  }
0x3: {  	_ = 	snop  }
0x4: {  	_ = 	snop  }
0x5: {  	_ = 	snop  }
0x6: {  	_ = 	snop  }
0x7: {  	_ = 	snop  }
__scs_overlays_trampoline_lowered:
0x8: {  	[smem:$0x3F9A] =	sst s0  }
0x9: {  	[smem:$0x3F9B] =	sst s1  }
0xa: {  	[smem:$0x3F9C] =	sst s2  }
0xb: {  	[smem:$0x3F9D] =	sst s3  }
0xc: {  	[smem:$0x3F9E] =	sst s4  }
0xd: {  	[smem:$0x3F9F] =	sst s5  }
0xe: {  	[smem:$0x3FA0] =	sst s6  }
0xf: {  	[smem:$0x3FA1] =	sst s7  }
0x10: {  	[smem:$0x3FA2] =	sst s8  }
0x11: {  	[smem:$0x3FA3] =	sst s9;
	s0 =	simm.s32 @!p0 $0x0  }
0x12: {  	s1 =	sld [smem:$0x3F89];
	s0 =	simm.s32 @p0 $0x1  }
0x13: {  	[smem:$0x3FA4] =	sst s0;
	s0 =	simm.s32 @!p1 $0x0  }
0x14: {  	s2 =	sld [smem:$0x3F88];
	s0 =	simm.s32 @p1 $0x1  }
0x15: {  	[smem:$0x3FA5] =	sst s0;
	s0 =	simm.s32 @!p2 $0x0  }
0x16: {  	s3 =	sld [smem:$0x3FDB];
	s0 =	simm.s32 @p2 $0x1  }
0x17: {  	s4 =	simm.s32 $0x1BF5;
	[smem:$0x3FA7] =	sst s0  }
0x18: {  	s0 =	sld [smem:$0x3F8A];
	_ =	swait.ge [sflag:s4], $0x0  }
0x19: {  	s7 =	sld [smem:$0x3F8B]  }
0x1a: {  	s8 =	sadd.s32 $0xFFFFE003, lr  }
0x1b: {  	s9 =	sadd.s32 $0xFFFFFEF7, lr;
	s5 =	simm.s32 $0xFFFFFFFF;
	p2 =	slt.u32 s8, $0xFFFFF086  }
0x1c: {  	p1 =	slt.u32 s9, $0xF7A;
	s5 =	simm.s32 @!p2 $0x0  }
0x1d: {  	s5 =	simm.s32 @p1 $0x1;
	p0 =	seq.s32 s7, s2  }
0x1e: {  	s7 =	smul.u32 @!p0 $0xF7A, s2;
	p2 =	seq.s32 @!p0 s5, $0x0  }
0x1f: {  	s9 =	smul.u32 $0xF7A, s1;
	s8 =	simm.s32 @!p0 $0x1BF5;
	p2 =	por !p2, p0  }
0x20: {  	[sflag:s8] =	ssyncset.s32 @!p0 $0xFFFFF086;
	s6 =	sadd.s32 @!p0 s3, s7;
	s7 =	simm.s32 @!p0 $0x108  }
0x21: {  	s3 =	sadd.s32 s3, s9;
	s6 =	sadd.s32 @!p0 $0x88, s6;
	s7 =	simm.s32 @p2 $0x1082  }
0x22: {  	[simem:s7], [sflag:s8] =	dma.local @!p0 [hbm:s6], $0xF7A  }
0x23: {  	s9 =	sor.u32 $0xD0000000, s2;
	s6 =	simm.s32 $0x108;
	_ =	swait.ge @!p0 [sflag:s8], $0x0  }
0x24: {  	s3 =	sadd.s32 $0x88, s3;
	s6 =	simm.s32 @!p1 $0x1082;
	[sflag:s4] =	ssyncset.s32 $0xFFFFF086  }
0x25: {  	[simem:s6], [sflag:s4] =	dma.local [hbm:s3], $0xF7A  }
0x26: {  	[smem:$0x3F8B] =	sst s1;
	(tag) =	ssettag s2;
	_ =	strace s9  }
0x27: {  	s1 =	sld [smem:$0x3F9B]  }
0x28: {  	s2 =	sld [smem:$0x3F9C]  }
0x29: {  	s4 =	sld [smem:$0x3F9E]  }
0x2a: {  	p0 =	seq.s32 s5, $0x0;
	s5 =	sld [smem:$0x3F9F]  }
0x2b: {  	s6 =	sld [smem:$0x3FA0]  }
0x2c: {  	s7 =	sld [smem:$0x3FA1]  }
0x2d: {  	s3 =	simm.s32 $0x108;
	s8 =	sld [smem:$0x3FA2]  }
0x2e: {  	s3 =	simm.s32 @!p0 $0x1082;
	s9 =	sld [smem:$0x3FA3]  }
0x2f: {  	lr =	sadd.s32 s0, s3;
	s0 =	sld [smem:$0x3F9A]  }
0x30: {  	s3 =	sld [smem:$0x3F9D]  }
0x31: {  	[smem:$0x3FA6] =	sst s10  }
0x32: {  	s10 =	sld [smem:$0x3FA4];
	_ =	sdelay $0x3  }
0x33: {  	p0 =	seq.s32 s10, $0x1;
	s10 =	sld [smem:$0x3FA6];
	_ =	sdelay $0x3  }
0x34: {  	[smem:$0x3FA6] =	sst s10  }
0x35: {  	s10 =	sld [smem:$0x3FA5];
	_ =	sdelay $0x3  }
0x36: {  	p1 =	seq.s32 s10, $0x1;
	s10 =	sld [smem:$0x3FA6];
	_ =	sdelay $0x3  }
0x37: {  	[smem:$0x3FA6] =	sst s10  }
0x38: {  	s10 =	sld [smem:$0x3FA7]  }
0x39: {  	_ = 	snop;
	(pc) =	sbr.ind lr, $3  }
0x3a: {  	_ = 	snop  }
0x3b: {  	_ = 	snop  }
0x3c: {  	p2 =	seq.s32 s10, $0x1;
	s10 =	sld [smem:$0x3FA6]  }
0x3d: {  	_ =	shalt  }
0x3e: {  	_ =	shalt  }
0x3f: {  	_ =	shalt  }
0x40: {  	_ =	shalt  }
0x41: {  	_ =	shalt  }
0x42: {  	_ =	shalt  }
0x43: {  	_ =	shalt  }
0x44: {  	_ =	shalt  }
0x45: {  	_ =	shalt  }
0x46: {  	_ =	shalt  }
0x47: {  	_ =	shalt  }
0x48: {  	_ =	shalt  }
0x49: {  	_ =	shalt  }
0x4a: {  	_ =	shalt  }
0x4b: {  	_ =	shalt  }
0x4c: {  	_ =	shalt  }
0x4d: {  	_ =	shalt  }
0x4e: {  	_ =	shalt  }
0x4f: {  	_ =	shalt  }
0x50: {  	_ =	shalt  }
0x51: {  	_ =	shalt  }
0x52: {  	_ =	shalt  }
0x53: {  	_ =	shalt  }
0x54: {  	_ =	shalt  }
0x55: {  	_ =	shalt  }
0x56: {  	_ =	shalt  }
0x57: {  	_ =	shalt  }
0x58: {  	_ =	shalt  }
0x59: {  	_ =	shalt  }
0x5a: {  	_ =	shalt  }
0x5b: {  	_ =	shalt  }
0x5c: {  	_ =	shalt  }
0x5d: {  	_ =	shalt  }
0x5e: {  	_ =	shalt  }
0x5f: {  	_ =	shalt  }
0x60: {  	_ =	shalt  }
0x61: {  	_ =	shalt  }
0x62: {  	_ =	shalt  }
0x63: {  	_ =	shalt  }
0x64: {  	_ =	shalt  }
0x65: {  	_ =	shalt  }
0x66: {  	_ =	shalt  }
0x67: {  	_ =	shalt  }
0x68: {  	_ =	shalt  }
0x69: {  	_ =	shalt  }
0x6a: {  	_ =	shalt  }
0x6b: {  	_ =	shalt  }
0x6c: {  	_ =	shalt  }
0x6d: {  	_ =	shalt  }
0x6e: {  	_ =	shalt  }
0x6f: {  	_ =	shalt  }
0x70: {  	_ =	shalt  }
0x71: {  	_ =	shalt  }
0x72: {  	_ =	shalt  }
0x73: {  	_ =	shalt  }
0x74: {  	_ =	shalt  }
0x75: {  	_ =	shalt  }
0x76: {  	_ =	shalt  }
0x77: {  	_ =	shalt  }
0x78: {  	_ =	shalt  }
0x79: {  	_ =	shalt  }
0x7a: {  	_ =	shalt  }
0x7b: {  	_ =	shalt  }
0x7c: {  	_ =	shalt  }
0x7d: {  	_ =	shalt  }
0x7e: {  	_ =	shalt  }
0x7f: {  	_ =	shalt  }
0x80: {  	_ =	shalt  }
0x81: {  	_ =	shalt  }
0x82: {  	_ =	shalt  }
0x83: {  	_ =	shalt  }
0x84: {  	_ =	shalt  }
0x85: {  	_ =	shalt  }
0x86: {  	_ =	shalt  }
0x87: {  	_ =	shalt  }
.Lfunc_end0:
.L_simem_size_0:
called_computation.1_lowered:
.L_overlay_start_0:
0x88: {  	s2 =	sld [smem:$0x3FD9]  }
0x89: {  	s3 =	sld [smem:$0x3FFE];
	_ =	sdelay $0x1  }
0x8a: {  	s1 =	srdreg.scid  }
0x8b: {  	s0 =	sand.u32 $0x1, s1  }
0x8c: {  	s14 =	sshll.u32 s0, $0xA;
	s2 =	sadd.s32 s3, s2  }
0x8d: {  	s2 =	sadd.s32 s2, s14  }
0x8e: {  	[smem:$0x3FB2] =	sst s2  }
0x8f: {  	_ = 	snop  }
0x90: {  	s2 =	sld [smem:$0x3FD0];
	_ =	sdelay $0x2  }
0x91: {  	s15 =	simm.s32 $0xA;
	s4 =	simm.s32 $0x10  }
0x92: {  	[smem:s4], [sflag:s15] =	dma.local [hbm:s2], $0x1  }
0x93: {  	_ =	swait.eq [sflag:s15], $0x1  }
0x94: {  	[sflag:s15] =	ssyncset.done $0x0  }
0x95: {  	[sflag:s15] =	ssyncadd.s32 $0xFFFFFFFF  }
0x96: {  	s16 =	sld [smem:$0x11];
	(tm) =	ssettm $0x1  }
0x97: {  	s17 =	sld [smem:$0x3FFB];
	_ =	sdelay $0x3  }
0x98: {  	_ =	strace s17  }
0x99: {  	s3 =	sld [smem:$0x3FFC];
	_ =	sdelay $0x3  }
0x9a: {  	_ =	strace s3  }
0x9b: {  	s3 =	sld [smem:$0x3FFD];
	_ =	sdelay $0x3  }
0x9c: {  	_ =	strace s3  }
0x9d: {  	_ =	strace $0x8FFFFFFF  }
0x9e: {  	s18 =	sld [smem:$0x3FDB];
	_ =	sdelay $0x1  }
0x9f: {  	s19 =	simm.s32 $_scs_section_size  }
0xa0: {  	s5 =	simm.s32 $_size__tile_overlayer_lowered;
	s6 =	simm.s32 $_tile_overlayer_lowered  }
0xa1: {  	s22 =	simm.s32 $0x1BFF;
	s21 =	sshll.u32 s6, $0x1;
	s3 =	sadd.s32 s19, s18  }
0xa2: {  	s7 =	simm.s32 $0x0;
	s20 =	sshll.u32 s5, $0x1;
	s5 =	sadd.s32 s21, s3  }
0xa3: {  	[timem:s7], [sflag:s22] =	dma.local [hbm:s5], s20  }
0xa4: {  	_ =	swait.ge [sflag:s22], s20  }
0xa5: {  	s4 =	ssub.s32 $0x0, s20;
	[sflag:s22] =	ssyncset.done $0x0  }
0xa6: {  	[sflag:s22] =	ssyncadd.s32 s4;
	_ =	sdelay $0x1  }
0xa7: {  	s23 =	simm.s32 $0x1B8B  }
0xa8: {  	_ =	swait.ge [sflag:s23], $0x1  }
0xa9: {  	[sflag:s23] =	ssyncset.done $0x0  }
0xaa: {  	s25 =	simm.s32 $0x1B8E;
	s24 =	sld [smem:$0x3FFE];
	[sflag:s23] =	ssyncadd.s32 $0xFFFFFFFF  }
0xab: {  	s26 =	simm.s32 $execute0_lowered;
	[smem:$0x3FD2] =	sst s25  }
0xac: {  	s5 =	sshll.u32 s26, $0x1;
	_ =	strace $0x80000049;
	[dreg:$0x1] =	wrdreg $0xFFFFFFFF  }
0xad: {  	s28 =	simm.s32 $_size_execute0_lowered;
	s3 =	sadd.s32 s3, s5;
	[dreg:$0x0] =	wrdreg $0x0  }
0xae: {  	s5 =	sshll.u32 s28, $0x1;
	[dreg:$0x2] =	wrdreg s3  }
0xaf: {  	[dreg:$0x3] =	wrdreg s5  }
0xb0: {  	[dreg:$0x4] =	wrdreg $0xC0  }
0xb1: {  	_ =	task [dreg:s7], $0x5FFFF  }
0xb2: {  	[dreg:$0x1] =	wrdreg $0xFFFFFFFF  }
0xb3: {  	[dreg:$0x0] =	wrdreg $0x60  }
0xb4: {  	[dreg:$0x2] =	wrdreg s24  }
0xb5: {  	[dreg:$0x3] =	wrdreg s16  }
0xb6: {  	[dreg:$0x4] =	wrdreg $0x9  }
0xb7: {  	_ =	task.clear_ibuf [dreg:s7], $0x5FFFF;
	_ =	strace $0x90000049  }
0xb8: {  	s29 =	simm.s32 $0x9;
	_ =	strace $0x8000004B  }
0xb9: {  	_ =	swait.ge [sflag:s29], $0x1  }
0xba: {  	[sflag:s29] =	ssyncadd.s32 $0xFFFFFFFF  }
0xbb: {  	_ =	strace $0x9000004B  }
0xbc: {  	_ =	sfence  }
0xbd: {  	s30 =	sld [smem:$0x0];
	_ =	sdelay $0x2  }
0xbe: {  	s31 =	sshll.u32 s1, $0xD;
	s1 =	sshrl.u32 s1, $0x2  }
0xbf: {  	s3 =	sand.u32 $0x4000, s31;
	s1 =	sadd.s32 s1, s30  }
0xc0: {  	s0 =	sor.u32 s3, s0;
	s1 =	sshll.u32 s1, $0x11  }
0xc1: {  	s0 =	sor.u32 s1, s0  }
0xc2: {  	s0 =	sadd.s32 $0x8F2B, s0  }
0xc3: {  	[sflag:s0] =	ssyncadd.remote.s32 $0x1  }
0xc4: {  	_ =	sfence.sel $0xFFFF  }
0xc5: {  	[dreg:$0x0] =	wrdreg $0xFFFFFFFF;
	(pc) =	sbr.abs _section_cstart, $3  }
0xc6: {  	[dreg:$0x1] =	wrdreg $0xFFFFFFFF  }
0xc7: {  	_ =	task.clear_ibuf [dreg:s7], $0x2FFFF;
	_ =	strace $0x9FFFFFFF  }
0xc8: {  	(tm) =	ssettm $0x7FFFFFFF  }
0xc9: {  	_ =	shalt  }
tec
execute0_lowered:
.L_overlay_start_1:
0x0: {  	(tag) =	ssettag $0x1  }
0x1: {  	s1 =	srdreg.scid  }
0x2: {  	s2 =	stileid.u32;
	s1 =	sand.u32 $0x1, s1  }
0x3: {  	s2 =	sor.u32 s2, s1  }
0x4: {  	p0 =	sne.s32 s2, $0x0  }
.Ltmp0:
0x5: {  	_ = 	snop;
	(pc) =	sbr.rel @p0 .LBB2_5-.Ltmp0, $2  }
0x6: {  	_ =	sdelay $0x2  }
0x7: {  	s0 =	rddreg [dreg:$0x0];
	_ =	strace $0x8000004A  }
0x8: {  	s3 =	sadd.s32 $0x2AA00, s0;
	s1 =	ssub.s32 $0x2, s1  }
0x9: {  	s4 =	sadd.s32 $0x12BA00, s0;
	s5 =	sadd.s32 $0x3800, s0;
	s6 =	sadd.s32 $0x2B000, s0  }
0xa: {  	s8 =	simm.s32 $0x0;
	s9 =	simm.s32 $0x2;
	s10 =	simm.s32 $0x80  }
0xb: {  	s29 =	simm.s32 $0x1080;
	s30 =	simm.s32 $0x2480;
	s31 =	simm.s32 $0x1100  }
0xc: {  	s0 =	simm.s32 $0x1180;
	s11 =	simm.s32 $0x1200;
	s12 =	simm.s32 $0x2600  }
0xd: {  	s13 =	simm.s32 $0x1280;
	s14 =	simm.s32 $0x2680;
	s15 =	simm.s32 $0x1300  }
0xe: {  	s16 =	simm.s32 $0x2700;
	s17 =	simm.s32 $0x1380;
	s18 =	simm.s32 $0x2780  }
0xf: {  	s19 =	simm.s32 $0x1;
	s20 =	simm.s32 $0x2800;
	s21 =	simm.s32 $0x10  }
0x10: {  	v0 =	vlaneseq.u32;
	s22 =	simm.s32 $0x2880;
	s23 =	simm.s32 $0x0;
	s2 =	sshrl.u32 s1, $0x1  }
0x11: {  	vm0 =	vmmov $0xff;
	v1 =	vor.u32 $0x1380, v0;
	s7 =	ssub.s32 s1, s2;
	s1 =	simm.s32 $0x2500;
	s2 =	simm.s32 $0x2580  }
.LBB2_2:
0x12: {  	[tilespmem:s8], [sflag:$0x2] =	stream.linear.gather [hbm4b:s4+s8], $0x1400, $0x38;
	[tilespmem:$0x3080] =	vst v63  }
0x13: {  	_ =	swait.ge [sflag:s9], $0x1400  }
0x14: {  	[sflag:s9] =	ssyncset.done $0x0  }
0x15: {  	s24 =	simm.s32 $0x1400;
	[sflag:s9] =	ssyncadd.s32 $0xFFFFEC00  }
0x16: {  	[tilespmem:s24], [sflag:$0x1] =	stream.indirect.gather [hbm4b:s3+s10], $0x1, s8, s10, $0xb8;
	[tilespmem:$0x3080] =	vst v63  }
0x17: {  	s25 =	simm.s32 $0x1480  }
0x18: {  	[tilespmem:s25], [sflag:$0x1] =	stream.indirect.gather [hbm4b:s3+s10], $0x1, s10, s10, $0xb8;
	[tilespmem:$0x3080] =	vst v63  }
0x19: {  	s28 =	simm.s32 $0x100;
	s26 =	simm.s32 $0x1500  }
0x1a: {  	[tilespmem:s26], [sflag:$0x1] =	stream.indirect.gather [hbm4b:s3+s10], $0x1, s28, s10, $0xb8;
	[tilespmem:$0x3080] =	vst v63  }
0x1b: {  	s26 =	simm.s32 $0x180;
	s28 =	simm.s32 $0x1580  }
0x1c: {  	[tilespmem:s28], [sflag:$0x1] =	stream.indirect.gather [hbm4b:s3+s10], $0x1, s26, s10, $0xb8;
	[tilespmem:$0x3080] =	vst v63  }
0x1d: {  	s26 =	simm.s32 $0x200;
	s28 =	simm.s32 $0x1600  }
0x1e: {  	[tilespmem:s28], [sflag:$0x1] =	stream.indirect.gather [hbm4b:s3+s10], $0x1, s26, s10, $0xb8;
	[tilespmem:$0x3080] =	vst v63  }
0x1f: {  	s26 =	simm.s32 $0x280;
	s28 =	simm.s32 $0x1680  }
0x20: {  	[tilespmem:s28], [sflag:$0x1] =	stream.indirect.gather [hbm4b:s3+s10], $0x1, s26, s10, $0xb8;
	[tilespmem:$0x3080] =	vst v63  }
0x21: {  	s26 =	simm.s32 $0x300;
	s28 =	simm.s32 $0x1700  }
0x22: {  	[tilespmem:s28], [sflag:$0x1] =	stream.indirect.gather [hbm4b:s3+s10], $0x1, s26, s10, $0xb8;
	[tilespmem:$0x3080] =	vst v63  }
0x23: {  	s26 =	simm.s32 $0x380;
	s28 =	simm.s32 $0x1780  }
0x24: {  	[tilespmem:s28], [sflag:$0x1] =	stream.indirect.gather [hbm4b:s3+s10], $0x1, s26, s10, $0xb8;
	[tilespmem:$0x3080] =	vst v63  }
0x25: {  	s26 =	simm.s32 $0x400;
	s28 =	simm.s32 $0x1800  }
0x26: {  	[tilespmem:s28], [sflag:$0x1] =	stream.indirect.gather [hbm4b:s3+s10], $0x1, s26, s10, $0xb8;
	[tilespmem:$0x3080] =	vst v63  }
0x27: {  	s26 =	simm.s32 $0x480;
	s28 =	simm.s32 $0x1880  }
0x28: {  	[tilespmem:s28], [sflag:$0x1] =	stream.indirect.gather [hbm4b:s3+s10], $0x1, s26, s10, $0xb8;
	[tilespmem:$0x3080] =	vst v63  }
0x29: {  	s26 =	simm.s32 $0x500;
	s28 =	simm.s32 $0x1900  }
0x2a: {  	[tilespmem:s28], [sflag:$0x1] =	stream.indirect.gather [hbm4b:s3+s10], $0x1, s26, s10, $0xb8;
	[tilespmem:$0x3080] =	vst v63  }
0x2b: {  	s26 =	simm.s32 $0x580;
	s28 =	simm.s32 $0x1980  }
0x2c: {  	[tilespmem:s28], [sflag:$0x1] =	stream.indirect.gather [hbm4b:s3+s10], $0x1, s26, s10, $0xb8;
	[tilespmem:$0x3080] =	vst v63  }
0x2d: {  	s26 =	simm.s32 $0x600;
	s28 =	simm.s32 $0x1A00  }
0x2e: {  	[tilespmem:s28], [sflag:$0x1] =	stream.indirect.gather [hbm4b:s3+s10], $0x1, s26, s10, $0xb8;
	[tilespmem:$0x3080] =	vst v63  }
0x2f: {  	s26 =	simm.s32 $0x680;
	s28 =	simm.s32 $0x1A80  }
0x30: {  	[tilespmem:s28], [sflag:$0x1] =	stream.indirect.gather [hbm4b:s3+s10], $0x1, s26, s10, $0xb8;
	[tilespmem:$0x3080] =	vst v63  }
0x31: {  	s26 =	simm.s32 $0x700;
	s28 =	simm.s32 $0x1B00  }
0x32: {  	[tilespmem:s28], [sflag:$0x1] =	stream.indirect.gather [hbm4b:s3+s10], $0x1, s26, s10, $0xb8;
	[tilespmem:$0x3080] =	vst v63  }
0x33: {  	s26 =	simm.s32 $0x780;
	s28 =	simm.s32 $0x1B80  }
0x34: {  	[tilespmem:s28], [sflag:$0x1] =	stream.indirect.gather [hbm4b:s3+s10], $0x1, s26, s10, $0xb8;
	[tilespmem:$0x3080] =	vst v63  }
0x35: {  	s26 =	simm.s32 $0x800;
	s28 =	simm.s32 $0x1C00  }
0x36: {  	[tilespmem:s28], [sflag:$0x1] =	stream.indirect.gather [hbm4b:s3+s10], $0x1, s26, s10, $0xb8;
	[tilespmem:$0x3080] =	vst v63  }
0x37: {  	s26 =	simm.s32 $0x880;
	s28 =	simm.s32 $0x1C80  }
0x38: {  	[tilespmem:s28], [sflag:$0x1] =	stream.indirect.gather [hbm4b:s3+s10], $0x1, s26, s10, $0xb8;
	[tilespmem:$0x3080] =	vst v63  }
0x39: {  	s26 =	simm.s32 $0x900;
	s28 =	simm.s32 $0x1D00  }
0x3a: {  	[tilespmem:s28], [sflag:$0x1] =	stream.indirect.gather [hbm4b:s3+s10], $0x1, s26, s10, $0xb8;
	[tilespmem:$0x3080] =	vst v63  }
0x3b: {  	s26 =	simm.s32 $0x980;
	s28 =	simm.s32 $0x1D80  }
0x3c: {  	[tilespmem:s28], [sflag:$0x1] =	stream.indirect.gather [hbm4b:s3+s10], $0x1, s26, s10, $0xb8;
	[tilespmem:$0x3080] =	vst v63  }
0x3d: {  	s26 =	simm.s32 $0xA00;
	s28 =	simm.s32 $0x1E00  }
0x3e: {  	[tilespmem:s28], [sflag:$0x1] =	stream.indirect.gather [hbm4b:s3+s10], $0x1, s26, s10, $0xb8;
	[tilespmem:$0x3080] =	vst v63  }
0x3f: {  	s26 =	simm.s32 $0xA80;
	s28 =	simm.s32 $0x1E80  }
0x40: {  	[tilespmem:s28], [sflag:$0x1] =	stream.indirect.gather [hbm4b:s3+s10], $0x1, s26, s10, $0xb8;
	[tilespmem:$0x3080] =	vst v63  }
0x41: {  	s26 =	simm.s32 $0xB00;
	s28 =	simm.s32 $0x1F00  }
0x42: {  	[tilespmem:s28], [sflag:$0x1] =	stream.indirect.gather [hbm4b:s3+s10], $0x1, s26, s10, $0xb8;
	[tilespmem:$0x3080] =	vst v63  }
0x43: {  	s26 =	simm.s32 $0xB80;
	s28 =	simm.s32 $0x1F80  }
0x44: {  	[tilespmem:s28], [sflag:$0x1] =	stream.indirect.gather [hbm4b:s3+s10], $0x1, s26, s10, $0xb8;
	[tilespmem:$0x3080] =	vst v63  }
0x45: {  	s26 =	simm.s32 $0xC00;
	s28 =	simm.s32 $0x2000  }
0x46: {  	[tilespmem:s28], [sflag:$0x1] =	stream.indirect.gather [hbm4b:s3+s10], $0x1, s26, s10, $0xb8;
	[tilespmem:$0x3080] =	vst v63  }
0x47: {  	s26 =	simm.s32 $0xC80;
	s28 =	simm.s32 $0x2080  }
0x48: {  	[tilespmem:s28], [sflag:$0x1] =	stream.indirect.gather [hbm4b:s3+s10], $0x1, s26, s10, $0xb8;
	[tilespmem:$0x3080] =	vst v63  }
0x49: {  	s26 =	simm.s32 $0xD00;
	s28 =	simm.s32 $0x2100  }
0x4a: {  	[tilespmem:s28], [sflag:$0x1] =	stream.indirect.gather [hbm4b:s3+s10], $0x1, s26, s10, $0xb8;
	[tilespmem:$0x3080] =	vst v63  }
0x4b: {  	s26 =	simm.s32 $0xD80;
	s28 =	simm.s32 $0x2180  }
0x4c: {  	[tilespmem:s28], [sflag:$0x1] =	stream.indirect.gather [hbm4b:s3+s10], $0x1, s26, s10, $0xb8;
	[tilespmem:$0x3080] =	vst v63  }
0x4d: {  	s26 =	simm.s32 $0xE00;
	s28 =	simm.s32 $0x2200  }
0x4e: {  	[tilespmem:s28], [sflag:$0x1] =	stream.indirect.gather [hbm4b:s3+s10], $0x1, s26, s10, $0xb8;
	[tilespmem:$0x3080] =	vst v63  }
0x4f: {  	s26 =	simm.s32 $0xE80;
	s28 =	simm.s32 $0x2280  }
0x50: {  	[tilespmem:s28], [sflag:$0x1] =	stream.indirect.gather [hbm4b:s3+s10], $0x1, s26, s10, $0xb8;
	[tilespmem:$0x3080] =	vst v63  }
0x51: {  	s26 =	simm.s32 $0xF00;
	s28 =	simm.s32 $0x2300  }
0x52: {  	[tilespmem:s28], [sflag:$0x1] =	stream.indirect.gather [hbm4b:s3+s10], $0x1, s26, s10, $0xb8;
	[tilespmem:$0x3080] =	vst v63  }
0x53: {  	s26 =	simm.s32 $0xF80;
	s28 =	simm.s32 $0x2380  }
0x54: {  	[tilespmem:s28], [sflag:$0x1] =	stream.indirect.gather [hbm4b:s3+s10], $0x1, s26, s10, $0xb8;
	[tilespmem:$0x3080] =	vst v63  }
0x55: {  	s26 =	simm.s32 $0x1000;
	s28 =	simm.s32 $0x2400  }
0x56: {  	[tilespmem:s28], [sflag:$0x1] =	stream.indirect.gather [hbm4b:s3+s10], $0x1, s26, s10, $0xb8;
	[tilespmem:$0x3080] =	vst v63  }
0x57: {  	_ = 	snop  }
0x58: {  	[tilespmem:s30], [sflag:$0x1] =	stream.indirect.gather [hbm4b:s3+s10], $0x1, s29, s10, $0xb8;
	[tilespmem:$0x3080] =	vst v63  }
0x59: {  	_ = 	snop  }
0x5a: {  	[tilespmem:s1], [sflag:$0x1] =	stream.indirect.gather [hbm4b:s3+s10], $0x1, s31, s10, $0xb8;
	[tilespmem:$0x3080] =	vst v63  }
0x5b: {  	_ = 	snop  }
0x5c: {  	[tilespmem:s2], [sflag:$0x1] =	stream.indirect.gather [hbm4b:s3+s10], $0x1, s0, s10, $0xb8;
	[tilespmem:$0x3080] =	vst v63  }
0x5d: {  	_ = 	snop  }
0x5e: {  	[tilespmem:s12], [sflag:$0x1] =	stream.indirect.gather [hbm4b:s3+s10], $0x1, s11, s10, $0xb8;
	[tilespmem:$0x3080] =	vst v63  }
0x5f: {  	_ = 	snop  }
0x60: {  	[tilespmem:s14], [sflag:$0x1] =	stream.indirect.gather [hbm4b:s3+s10], $0x1, s13, s10, $0xb8;
	[tilespmem:$0x3080] =	vst v63  }
0x61: {  	_ = 	snop  }
0x62: {  	[tilespmem:s16], [sflag:$0x1] =	stream.indirect.gather [hbm4b:s3+s10], $0x1, s15, s10, $0xb8;
	[tilespmem:$0x3080] =	vst v63  }
0x63: {  	_ = 	snop  }
0x64: {  	[tilespmem:s18], [sflag:$0x1] =	stream.indirect.gather [hbm4b:s3+s10], $0x1, s17, s10, $0xb8;
	[tilespmem:$0x3080] =	vst v63  }
0x65: {  	_ =	swait.ge [sflag:s19], $0x80  }
0x66: {  	[sflag:s19] =	ssyncset.done $0x0  }
0x67: {  	[sflag:s19] =	ssyncadd.s32 $0xFFFFFF80  }
0x68: {  	_ =	swait.ge [sflag:s19], $0x80  }
0x69: {  	[sflag:s19] =	ssyncset.done $0x0  }
0x6a: {  	[sflag:s19] =	ssyncadd.s32 $0xFFFFFF80  }
0x6b: {  	_ =	swait.ge [sflag:s19], $0x80  }
0x6c: {  	[sflag:s19] =	ssyncset.done $0x0  }
0x6d: {  	[sflag:s19] =	ssyncadd.s32 $0xFFFFFF80  }
0x6e: {  	_ =	swait.ge [sflag:s19], $0x80  }
0x6f: {  	[sflag:s19] =	ssyncset.done $0x0  }
0x70: {  	[sflag:s19] =	ssyncadd.s32 $0xFFFFFF80  }
0x71: {  	_ =	swait.ge [sflag:s19], $0x80  }
0x72: {  	[sflag:s19] =	ssyncset.done $0x0  }
0x73: {  	[sflag:s19] =	ssyncadd.s32 $0xFFFFFF80  }
0x74: {  	_ =	swait.ge [sflag:s19], $0x80  }
0x75: {  	[sflag:s19] =	ssyncset.done $0x0  }
0x76: {  	[sflag:s19] =	ssyncadd.s32 $0xFFFFFF80  }
0x77: {  	_ =	swait.ge [sflag:s19], $0x80  }
0x78: {  	[sflag:s19] =	ssyncset.done $0x0  }
0x79: {  	[sflag:s19] =	ssyncadd.s32 $0xFFFFFF80  }
0x7a: {  	_ =	swait.ge [sflag:s19], $0x80  }
0x7b: {  	[sflag:s19] =	ssyncset.done $0x0  }
0x7c: {  	[sflag:s19] =	ssyncadd.s32 $0xFFFFFF80  }
0x7d: {  	_ =	swait.ge [sflag:s19], $0x80  }
0x7e: {  	[sflag:s19] =	ssyncset.done $0x0  }
0x7f: {  	[sflag:s19] =	ssyncadd.s32 $0xFFFFFF80  }
0x80: {  	_ =	swait.ge [sflag:s19], $0x80  }
0x81: {  	[sflag:s19] =	ssyncset.done $0x0  }
0x82: {  	[sflag:s19] =	ssyncadd.s32 $0xFFFFFF80  }
0x83: {  	_ =	swait.ge [sflag:s19], $0x80  }
0x84: {  	[sflag:s19] =	ssyncset.done $0x0  }
0x85: {  	[sflag:s19] =	ssyncadd.s32 $0xFFFFFF80  }
0x86: {  	_ =	swait.ge [sflag:s19], $0x80  }
0x87: {  	[sflag:s19] =	ssyncset.done $0x0  }
0x88: {  	[sflag:s19] =	ssyncadd.s32 $0xFFFFFF80  }
0x89: {  	_ =	swait.ge [sflag:s19], $0x80  }
0x8a: {  	[sflag:s19] =	ssyncset.done $0x0  }
0x8b: {  	[sflag:s19] =	ssyncadd.s32 $0xFFFFFF80  }
0x8c: {  	_ =	swait.ge [sflag:s19], $0x80  }
0x8d: {  	[sflag:s19] =	ssyncset.done $0x0  }
0x8e: {  	[sflag:s19] =	ssyncadd.s32 $0xFFFFFF80  }
0x8f: {  	_ =	swait.ge [sflag:s19], $0x80  }
0x90: {  	[sflag:s19] =	ssyncset.done $0x0  }
0x91: {  	[sflag:s19] =	ssyncadd.s32 $0xFFFFFF80  }
0x92: {  	_ =	swait.ge [sflag:s19], $0x80  }
0x93: {  	[sflag:s19] =	ssyncset.done $0x0  }
0x94: {  	[sflag:s19] =	ssyncadd.s32 $0xFFFFFF80  }
0x95: {  	_ =	swait.ge [sflag:s19], $0x80  }
0x96: {  	[sflag:s19] =	ssyncset.done $0x0  }
0x97: {  	[sflag:s19] =	ssyncadd.s32 $0xFFFFFF80  }
0x98: {  	_ =	swait.ge [sflag:s19], $0x80  }
0x99: {  	[sflag:s19] =	ssyncset.done $0x0  }
0x9a: {  	[sflag:s19] =	ssyncadd.s32 $0xFFFFFF80  }
0x9b: {  	_ =	swait.ge [sflag:s19], $0x80  }
0x9c: {  	[sflag:s19] =	ssyncset.done $0x0  }
0x9d: {  	[sflag:s19] =	ssyncadd.s32 $0xFFFFFF80  }
0x9e: {  	_ =	swait.ge [sflag:s19], $0x80  }
0x9f: {  	[sflag:s19] =	ssyncset.done $0x0  }
0xa0: {  	[sflag:s19] =	ssyncadd.s32 $0xFFFFFF80  }
0xa1: {  	_ =	swait.ge [sflag:s19], $0x80  }
0xa2: {  	[sflag:s19] =	ssyncset.done $0x0  }
0xa3: {  	[sflag:s19] =	ssyncadd.s32 $0xFFFFFF80  }
0xa4: {  	_ =	swait.ge [sflag:s19], $0x80  }
0xa5: {  	[sflag:s19] =	ssyncset.done $0x0  }
0xa6: {  	[sflag:s19] =	ssyncadd.s32 $0xFFFFFF80  }
0xa7: {  	_ =	swait.ge [sflag:s19], $0x80  }
0xa8: {  	[sflag:s19] =	ssyncset.done $0x0  }
0xa9: {  	[sflag:s19] =	ssyncadd.s32 $0xFFFFFF80  }
0xaa: {  	_ =	swait.ge [sflag:s19], $0x80  }
0xab: {  	[sflag:s19] =	ssyncset.done $0x0  }
0xac: {  	[sflag:s19] =	ssyncadd.s32 $0xFFFFFF80  }
0xad: {  	_ =	swait.ge [sflag:s19], $0x80  }
0xae: {  	[sflag:s19] =	ssyncset.done $0x0  }
0xaf: {  	[sflag:s19] =	ssyncadd.s32 $0xFFFFFF80  }
0xb0: {  	_ =	swait.ge [sflag:s19], $0x80  }
0xb1: {  	[sflag:s19] =	ssyncset.done $0x0  }
0xb2: {  	[sflag:s19] =	ssyncadd.s32 $0xFFFFFF80  }
0xb3: {  	_ =	swait.ge [sflag:s19], $0x80  }
0xb4: {  	[sflag:s19] =	ssyncset.done $0x0  }
0xb5: {  	[sflag:s19] =	ssyncadd.s32 $0xFFFFFF80  }
0xb6: {  	_ =	swait.ge [sflag:s19], $0x80  }
0xb7: {  	[sflag:s19] =	ssyncset.done $0x0  }
0xb8: {  	[sflag:s19] =	ssyncadd.s32 $0xFFFFFF80  }
0xb9: {  	_ =	swait.ge [sflag:s19], $0x80  }
0xba: {  	[sflag:s19] =	ssyncset.done $0x0  }
0xbb: {  	[sflag:s19] =	ssyncadd.s32 $0xFFFFFF80  }
0xbc: {  	_ =	swait.ge [sflag:s19], $0x80  }
0xbd: {  	[sflag:s19] =	ssyncset.done $0x0  }
0xbe: {  	[sflag:s19] =	ssyncadd.s32 $0xFFFFFF80  }
0xbf: {  	_ =	swait.ge [sflag:s19], $0x80  }
0xc0: {  	[sflag:s19] =	ssyncset.done $0x0  }
0xc1: {  	[sflag:s19] =	ssyncadd.s32 $0xFFFFFF80  }
0xc2: {  	_ =	swait.ge [sflag:s19], $0x80  }
0xc3: {  	[sflag:s19] =	ssyncset.done $0x0  }
0xc4: {  	[sflag:s19] =	ssyncadd.s32 $0xFFFFFF80  }
0xc5: {  	_ =	swait.ge [sflag:s19], $0x80  }
0xc6: {  	[sflag:s19] =	ssyncset.done $0x0  }
0xc7: {  	[sflag:s19] =	ssyncadd.s32 $0xFFFFFF80  }
0xc8: {  	_ =	swait.ge [sflag:s19], $0x80  }
0xc9: {  	[sflag:s19] =	ssyncset.done $0x0  }
0xca: {  	[sflag:s19] =	ssyncadd.s32 $0xFFFFFF80  }
0xcb: {  	_ =	swait.ge [sflag:s19], $0x80  }
0xcc: {  	[sflag:s19] =	ssyncset.done $0x0  }
0xcd: {  	[sflag:s19] =	ssyncadd.s32 $0xFFFFFF80  }
0xce: {  	_ =	swait.ge [sflag:s19], $0x80  }
0xcf: {  	[sflag:s19] =	ssyncset.done $0x0  }
0xd0: {  	[sflag:s19] =	ssyncadd.s32 $0xFFFFFF80  }
0xd1: {  	_ =	swait.ge [sflag:s19], $0x80  }
0xd2: {  	[sflag:s19] =	ssyncset.done $0x0  }
0xd3: {  	[sflag:s19] =	ssyncadd.s32 $0xFFFFFF80  }
0xd4: {  	_ =	swait.ge [sflag:s19], $0x80  }
0xd5: {  	[sflag:s19] =	ssyncset.done $0x0  }
0xd6: {  	[sflag:s19] =	ssyncadd.s32 $0xFFFFFF80  }
0xd7: {  	_ =	swait.ge [sflag:s19], $0x80  }
0xd8: {  	[sflag:s19] =	ssyncset.done $0x0  }
0xd9: {  	[sflag:s19] =	ssyncadd.s32 $0xFFFFFF80  }
0xda: {  	_ =	swait.ge [sflag:s19], $0x80  }
0xdb: {  	[sflag:s19] =	ssyncset.done $0x0  }
0xdc: {  	[sflag:s19] =	ssyncadd.s32 $0xFFFFFF80  }
0xdd: {  	v5 =	vld [tilespmem:s24+$0x0];
	_ =	sdelay $0x1  }
0xde: {  	v3 =	vld [tilespmem:s8+$0x0];
	_ =	sdelay $0x1  }
0xdf: {  	v6 =	vimm.f32 $-3.000000010e+38;
	v4 =	vimm.s32 $0x0  }
0xe0: {  	v7 =	vor.u32 s8, v0;
	v2 =	vimm.s32 $0x0;
	s25 =	simm.s32 $0x1410;
	s26 =	simm.s32 $0x0;
	s24 =	simm.s32 $0x10;
	vm1 =	vgt.f32 v5, v6  }
.LBB2_3:
0xe1: {  	p0 =	sne.s32 s24, $0x1370  }
0xe2: {  	v6 =	vsel vm1, v5, v6;
	v5 =	vld [tilespmem:s25+$0x0];
	v4 =	vsel vm1, v7, v4;
	v2 =	vsel vm1, v3, v2;
	s26 =	sadd.s32 $0x10, s26;
	s28 =	smov.u32 s24;
	s24 =	sadd.s32 $0x10, s24  }
.Ltmp1:
0xe3: {  	v3 =	vld [tilespmem:s26+$0x0];
	(pc) =	sbr.rel @p0 .LBB2_3-.Ltmp1, $2  }
0xe4: {  	_ =	sdelay $0x2  }
0xe5: {  	s25 =	sadd.s32 $0x10, s25;
	v7 =	vor.u32 s28, v0;
	vm1 =	vgt.f32 v5, v6  }
0xe6: {  	v8 =	vld [tilespmem:$0x2780];
	_ =	sdelay $0x4  }
0xe7: {  	v5 =	vsel vm1, v5, v6;
	v60 =	vnsel vm0, $0xFF61B1E6, v8  }
0xe8: {  	vm2 =	vgt.f32 v60, v5  }
0xe9: {  	v5 =	vsel vm2, v60, v5  }
0xea: {  	(xrf0) =	vmax.scan.msk.f32 $0xffff, v5;
	_ =	sdelay $0x5  }
0xeb: {  	v61, _, _ =	vpop (xrf0)  }
0xec: {  	v4 =	vsel vm1, v7, v4;
	v6 =	vbroadcast v61, $0xF  }
0xed: {  	v4 =	vsel vm2, v1, v4  }
0xee: {  	v62 =	vxor.u32 $0x80000000, v4;
	vm3 =	veq.f32 v5, v6  }
0xef: {  	v5 =	vnsel vm3, $0xFFFFFFFF, v62  }
0xf0: {  	(xrf0) =	vmin.scan.msk.u32 $0xffff, v5;
	_ =	sdelay $0x5  }
0xf1: {  	v5, _, _ =	vpop (xrf0)  }
0xf2: {  	(v2sf) =	vpush v5, $0xF;
	_ =	sdelay $0xa  }
0xf3: {  	v63 =	vld [tilespmem:$0x1380];
	_ =	sdelay $0x3  }
0xf4: {  	v2 =	vsel vm1, v3, v2;
	s24 =	spop (v2sf)  }
0xf5: {  	v2 =	vsel vm2, v63, v2;
	s24 =	sxor.u32 $0x80000000, s24  }
0xf6: {  	v2 =	vxor.u32 $0x80000000, v2;
	vm1 =	veq.s32 v4, s24  }
0xf7: {  	v2 =	vnsel vm1, $0xFFFFFFFF, v2  }
0xf8: {  	(xrf0) =	vmin.scan.msk.u32 $0xffff, v2;
	_ =	sdelay $0x5  }
0xf9: {  	v2, _, _ =	vpop (xrf0)  }
0xfa: {  	(v2sf) =	vpush v2, $0xF;
	_ =	sdelay $0xe  }
0xfb: {  	s26 =	spop (v2sf)  }
0xfc: {  	s24 =	sxor.u32 $0x80000000, s26  }
0xfd: {  	v2 =	vmov s24  }
0xfe: {  	s28 =	rddreg [dreg:$0x1];
	[tilespmem:$0x2800] =	vst v2  }
0xff: {  	[hbm4b:s28+s8] =	stream.linear.scatter [tilespmem:s20], [sflag:$0x2], $0x80, $0x38;
	[tilespmem:$0x3080] =	vst v63  }
0x100: {  	_ =	swait.ge [sflag:s9], $0x80  }
0x101: {  	[sflag:s9] =	ssyncset.done $0x0  }
0x102: {  	[sflag:s9] =	ssyncadd.s32 $0xFFFFFF80  }
0x103: {  	[tilespmem:s22], [sflag:$0x1] =	stream.indirect.gather [hbm4b:s5+s21], $0x80, s20, s21, $0xb8;
	[tilespmem:$0x3080] =	vst v63  }
0x104: {  	s23 =	sadd.s32 $0x1, s23;
	_ =	swait.ge [sflag:s19], $0x800  }
0x105: {  	p0 =	sne.s32 s23, s7;
	[sflag:s19] =	ssyncset.done $0x0  }
.Ltmp2:
0x106: {  	[sflag:s19] =	ssyncadd.s32 $0xFFFFF800;
	(pc) =	sbr.rel @p0 .LBB2_2-.Ltmp2, $4  }
0x107: {  	[hbm4b:s6+s8] =	stream.linear.scatter [tilespmem:s22], [sflag:$0x2], $0x800, $0x38;
	[tilespmem:$0x3080] =	vst v63  }
0x108: {  	_ =	swait.ge [sflag:s9], $0x800  }
0x109: {  	[sflag:s9] =	ssyncset.done $0x0  }
0x10a: {  	[sflag:s9] =	ssyncadd.s32 $0xFFFFF800  }
.LBB2_5:
0x10b: {  	_ =	sfence.sel $0x180000  }
0x10c: {  	[bflag:$0x0] =	sbarrier.arrive $0xFFFF  }
0x10d: {  	_ =	strace $0x9000004A  }
0x10e: {  	s0 =	stileid.u32;
	[bflag:$0x2] =	sbarrier.arrive $0xFFFF  }
0x10f: {  	p0 =	sne.s32 s0, $0x0;
	s0 =	rddreg [dreg:$0x2]  }
0x110: {  	s0 =	sadd.s32 @!p0 $0x100000, s0  }
0x111: {  	[sflag:s0] =	ssyncadd.tile.s32 @!p0 $0x1;
	_ =	shalt  }
.Lfunc_end2:
_tile_overlayer_lowered:
.L_overlay_start_2:
0x112: {  	(tag) =	ssettag $0x2  }
0x113: {  	s0 =	rddreg [dreg:$0x0];
	s2 =	stileid.u32  }
0x114: {  	s1 =	rddreg [dreg:$0x1];
	p0 =	sne.s32 s2, $0x0  }
0x115: {  	s3 =	rddreg [dreg:$0x2];
	[bflag:$0x3] =	sbarrier.arrive $0xFFFF;
	s2 =	simm.s32 @!p0 $0x1C02  }
0x116: {  	[timem:s3], [sflag:s2] =	dma.local @!p0 [hbm:s0], s1  }
0x117: {  	s0 =	simm.s32 @!p0 $0x2  }
0x118: {  	_ =	swait.ge @!p0 [sflag:s0], s1  }
0x119: {  	s1 =	ssub.s32 @!p0 $0x0, s1;
	[sflag:s0] =	ssyncset.done @!p0 $0x0  }
0x11a: {  	[sflag:s0] =	ssyncadd.s32 @!p0 s1  }
0x11b: {  	[bflag:$0x3] =	sbarrier.arrive $0xFFFF  }
0x11c: {  	_ =	shalt  }

// kernel: kernel.7.cloned.1.call-start
scs
__scs_entry_jumppad:
0x0: {  	(pc) =	sbr.rel $0x88, $3  }
0x1: {  	(tag) =	ssettag $0x0;
	lr =	simm.s32 $0x1  }
0x2: {  	[smem:$0x3F8B] =	sst lr;
	_ =	strace $0xD0000000  }
0x3: {  	_ = 	snop  }
0x4: {  	_ = 	snop  }
0x5: {  	_ = 	snop  }
0x6: {  	_ = 	snop  }
0x7: {  	_ = 	snop  }
__scs_overlays_trampoline_lowered:
0x8: {  	[smem:$0x3F9A] =	sst s0  }
0x9: {  	[smem:$0x3F9B] =	sst s1  }
0xa: {  	[smem:$0x3F9C] =	sst s2  }
0xb: {  	[smem:$0x3F9D] =	sst s3  }
0xc: {  	[smem:$0x3F9E] =	sst s4  }
0xd: {  	[smem:$0x3F9F] =	sst s5  }
0xe: {  	[smem:$0x3FA0] =	sst s6  }
0xf: {  	[smem:$0x3FA1] =	sst s7  }
0x10: {  	[smem:$0x3FA2] =	sst s8  }
0x11: {  	[smem:$0x3FA3] =	sst s9;
	s0 =	simm.s32 @!p0 $0x0  }
0x12: {  	s1 =	sld [smem:$0x3F89];
	s0 =	simm.s32 @p0 $0x1  }
0x13: {  	[smem:$0x3FA4] =	sst s0;
	s0 =	simm.s32 @!p1 $0x0  }
0x14: {  	s2 =	sld [smem:$0x3F88];
	s0 =	simm.s32 @p1 $0x1  }
0x15: {  	[smem:$0x3FA5] =	sst s0;
	s0 =	simm.s32 @!p2 $0x0  }
0x16: {  	s3 =	sld [smem:$0x3FDB];
	s0 =	simm.s32 @p2 $0x1  }
0x17: {  	s4 =	simm.s32 $0x1BF5;
	[smem:$0x3FA7] =	sst s0  }
0x18: {  	s0 =	sld [smem:$0x3F8A];
	_ =	swait.ge [sflag:s4], $0x0  }
0x19: {  	s7 =	sld [smem:$0x3F8B]  }
0x1a: {  	s8 =	sadd.s32 $0xFFFFE003, lr  }
0x1b: {  	s9 =	sadd.s32 $0xFFFFFEF7, lr;
	s5 =	simm.s32 $0xFFFFFFFF;
	p2 =	slt.u32 s8, $0xFFFFF086  }
0x1c: {  	p1 =	slt.u32 s9, $0xF7A;
	s5 =	simm.s32 @!p2 $0x0  }
0x1d: {  	s5 =	simm.s32 @p1 $0x1;
	p0 =	seq.s32 s7, s2  }
0x1e: {  	s7 =	smul.u32 @!p0 $0xF7A, s2;
	p2 =	seq.s32 @!p0 s5, $0x0  }
0x1f: {  	s9 =	smul.u32 $0xF7A, s1;
	s8 =	simm.s32 @!p0 $0x1BF5;
	p2 =	por !p2, p0  }
0x20: {  	[sflag:s8] =	ssyncset.s32 @!p0 $0xFFFFF086;
	s6 =	sadd.s32 @!p0 s3, s7;
	s7 =	simm.s32 @!p0 $0x108  }
0x21: {  	s3 =	sadd.s32 s3, s9;
	s6 =	sadd.s32 @!p0 $0x88, s6;
	s7 =	simm.s32 @p2 $0x1082  }
0x22: {  	[simem:s7], [sflag:s8] =	dma.local @!p0 [hbm:s6], $0xF7A  }
0x23: {  	s9 =	sor.u32 $0xD0000000, s2;
	s6 =	simm.s32 $0x108;
	_ =	swait.ge @!p0 [sflag:s8], $0x0  }
0x24: {  	s3 =	sadd.s32 $0x88, s3;
	s6 =	simm.s32 @!p1 $0x1082;
	[sflag:s4] =	ssyncset.s32 $0xFFFFF086  }
0x25: {  	[simem:s6], [sflag:s4] =	dma.local [hbm:s3], $0xF7A  }
0x26: {  	[smem:$0x3F8B] =	sst s1;
	(tag) =	ssettag s2;
	_ =	strace s9  }
0x27: {  	s1 =	sld [smem:$0x3F9B]  }
0x28: {  	s2 =	sld [smem:$0x3F9C]  }
0x29: {  	s4 =	sld [smem:$0x3F9E]  }
0x2a: {  	p0 =	seq.s32 s5, $0x0;
	s5 =	sld [smem:$0x3F9F]  }
0x2b: {  	s6 =	sld [smem:$0x3FA0]  }
0x2c: {  	s7 =	sld [smem:$0x3FA1]  }
0x2d: {  	s3 =	simm.s32 $0x108;
	s8 =	sld [smem:$0x3FA2]  }
0x2e: {  	s3 =	simm.s32 @!p0 $0x1082;
	s9 =	sld [smem:$0x3FA3]  }
0x2f: {  	lr =	sadd.s32 s0, s3;
	s0 =	sld [smem:$0x3F9A]  }
0x30: {  	s3 =	sld [smem:$0x3F9D]  }
0x31: {  	[smem:$0x3FA6] =	sst s10  }
0x32: {  	s10 =	sld [smem:$0x3FA4];
	_ =	sdelay $0x3  }
0x33: {  	p0 =	seq.s32 s10, $0x1;
	s10 =	sld [smem:$0x3FA6];
	_ =	sdelay $0x3  }
0x34: {  	[smem:$0x3FA6] =	sst s10  }
0x35: {  	s10 =	sld [smem:$0x3FA5];
	_ =	sdelay $0x3  }
0x36: {  	p1 =	seq.s32 s10, $0x1;
	s10 =	sld [smem:$0x3FA6];
	_ =	sdelay $0x3  }
0x37: {  	[smem:$0x3FA6] =	sst s10  }
0x38: {  	s10 =	sld [smem:$0x3FA7]  }
0x39: {  	_ = 	snop;
	(pc) =	sbr.ind lr, $3  }
0x3a: {  	_ = 	snop  }
0x3b: {  	_ = 	snop  }
0x3c: {  	p2 =	seq.s32 s10, $0x1;
	s10 =	sld [smem:$0x3FA6]  }
0x3d: {  	_ =	shalt  }
0x3e: {  	_ =	shalt  }
0x3f: {  	_ =	shalt  }
0x40: {  	_ =	shalt  }
0x41: {  	_ =	shalt  }
0x42: {  	_ =	shalt  }
0x43: {  	_ =	shalt  }
0x44: {  	_ =	shalt  }
0x45: {  	_ =	shalt  }
0x46: {  	_ =	shalt  }
0x47: {  	_ =	shalt  }
0x48: {  	_ =	shalt  }
0x49: {  	_ =	shalt  }
0x4a: {  	_ =	shalt  }
0x4b: {  	_ =	shalt  }
0x4c: {  	_ =	shalt  }
0x4d: {  	_ =	shalt  }
0x4e: {  	_ =	shalt  }
0x4f: {  	_ =	shalt  }
0x50: {  	_ =	shalt  }
0x51: {  	_ =	shalt  }
0x52: {  	_ =	shalt  }
0x53: {  	_ =	shalt  }
0x54: {  	_ =	shalt  }
0x55: {  	_ =	shalt  }
0x56: {  	_ =	shalt  }
0x57: {  	_ =	shalt  }
0x58: {  	_ =	shalt  }
0x59: {  	_ =	shalt  }
0x5a: {  	_ =	shalt  }
0x5b: {  	_ =	shalt  }
0x5c: {  	_ =	shalt  }
0x5d: {  	_ =	shalt  }
0x5e: {  	_ =	shalt  }
0x5f: {  	_ =	shalt  }
0x60: {  	_ =	shalt  }
0x61: {  	_ =	shalt  }
0x62: {  	_ =	shalt  }
0x63: {  	_ =	shalt  }
0x64: {  	_ =	shalt  }
0x65: {  	_ =	shalt  }
0x66: {  	_ =	shalt  }
0x67: {  	_ =	shalt  }
0x68: {  	_ =	shalt  }
0x69: {  	_ =	shalt  }
0x6a: {  	_ =	shalt  }
0x6b: {  	_ =	shalt  }
0x6c: {  	_ =	shalt  }
0x6d: {  	_ =	shalt  }
0x6e: {  	_ =	shalt  }
0x6f: {  	_ =	shalt  }
0x70: {  	_ =	shalt  }
0x71: {  	_ =	shalt  }
0x72: {  	_ =	shalt  }
0x73: {  	_ =	shalt  }
0x74: {  	_ =	shalt  }
0x75: {  	_ =	shalt  }
0x76: {  	_ =	shalt  }
0x77: {  	_ =	shalt  }
0x78: {  	_ =	shalt  }
0x79: {  	_ =	shalt  }
0x7a: {  	_ =	shalt  }
0x7b: {  	_ =	shalt  }
0x7c: {  	_ =	shalt  }
0x7d: {  	_ =	shalt  }
0x7e: {  	_ =	shalt  }
0x7f: {  	_ =	shalt  }
0x80: {  	_ =	shalt  }
0x81: {  	_ =	shalt  }
0x82: {  	_ =	shalt  }
0x83: {  	_ =	shalt  }
0x84: {  	_ =	shalt  }
0x85: {  	_ =	shalt  }
0x86: {  	_ =	shalt  }
0x87: {  	_ =	shalt  }
.Lfunc_end0:
.L_simem_size_0:
called_computation_lowered:
.L_overlay_start_0:
0x88: {  	s2 =	sld [smem:$0x3FD9]  }
0x89: {  	s3 =	sld [smem:$0x3FFE];
	_ =	sdelay $0x1  }
0x8a: {  	s1 =	srdreg.scid  }
0x8b: {  	s0 =	sand.u32 $0x1, s1  }
0x8c: {  	s16 =	sshll.u32 s0, $0xA;
	s2 =	sadd.s32 s3, s2  }
0x8d: {  	s2 =	sadd.s32 s2, s16  }
0x8e: {  	[smem:$0x3FB2] =	sst s2  }
0x8f: {  	_ = 	snop  }
0x90: {  	(tm) =	ssettm $0x1  }
0x91: {  	s17 =	sld [smem:$0x3FFB];
	_ =	sdelay $0x3  }
0x92: {  	_ =	strace s17  }
0x93: {  	s2 =	sld [smem:$0x3FFC];
	_ =	sdelay $0x3  }
0x94: {  	_ =	strace s2  }
0x95: {  	s2 =	sld [smem:$0x3FFD];
	_ =	sdelay $0x3  }
0x96: {  	_ =	strace s2  }
0x97: {  	_ =	strace $0x8FFFFFFF  }
0x98: {  	s18 =	sld [smem:$0x3FDB];
	_ =	sdelay $0x1  }
0x99: {  	s19 =	simm.s32 $_scs_section_size  }
0x9a: {  	s4 =	simm.s32 $_size__tile_overlayer_lowered;
	s5 =	simm.s32 $_tile_overlayer_lowered  }
0x9b: {  	s22 =	simm.s32 $0x1BFF;
	s21 =	sshll.u32 s5, $0x1;
	s2 =	sadd.s32 s19, s18  }
0x9c: {  	s6 =	simm.s32 $0x0;
	s20 =	sshll.u32 s4, $0x1;
	s4 =	sadd.s32 s21, s2  }
0x9d: {  	[timem:s6], [sflag:s22] =	dma.local [hbm:s4], s20  }
0x9e: {  	_ =	swait.ge [sflag:s22], s20  }
0x9f: {  	s3 =	ssub.s32 $0x0, s20;
	[sflag:s22] =	ssyncset.done $0x0  }
0xa0: {  	[sflag:s22] =	ssyncadd.s32 s3;
	_ =	sdelay $0x1  }
0xa1: {  	s23 =	simm.s32 $0x1B8B  }
0xa2: {  	_ =	swait.ge [sflag:s23], $0x1  }
0xa3: {  	[sflag:s23] =	ssyncset.done $0x0  }
0xa4: {  	s25 =	simm.s32 $0x1B8E;
	s24 =	sld [smem:$0x3FFE];
	[sflag:s23] =	ssyncadd.s32 $0xFFFFFFFF  }
0xa5: {  	s26 =	simm.s32 $execute0_lowered;
	[smem:$0x3FD2] =	sst s25  }
0xa6: {  	s4 =	sshll.u32 s26, $0x1;
	_ =	strace $0x80000046;
	[dreg:$0x1] =	wrdreg $0xFFFFFFFF  }
0xa7: {  	s28 =	simm.s32 $_size_execute0_lowered;
	s2 =	sadd.s32 s2, s4;
	[dreg:$0x0] =	wrdreg $0x0  }
0xa8: {  	s4 =	sshll.u32 s28, $0x1;
	[dreg:$0x2] =	wrdreg s2  }
0xa9: {  	[dreg:$0x3] =	wrdreg s4  }
0xaa: {  	[dreg:$0x4] =	wrdreg $0xC0  }
0xab: {  	_ =	task [dreg:s6], $0x5FFFF  }
0xac: {  	[dreg:$0x1] =	wrdreg $0xFFFFFFFF  }
0xad: {  	[dreg:$0x0] =	wrdreg $0x60  }
0xae: {  	[dreg:$0x2] =	wrdreg s24  }
0xaf: {  	[dreg:$0x3] =	wrdreg $0x90000  }
0xb0: {  	[dreg:$0x4] =	wrdreg $0x9  }
0xb1: {  	_ =	task.clear_ibuf [dreg:s6], $0x5FFFF;
	_ =	strace $0x90000046  }
0xb2: {  	s29 =	simm.s32 $0x9;
	_ =	strace $0x80000048  }
0xb3: {  	_ =	swait.ge [sflag:s29], $0x1  }
0xb4: {  	[sflag:s29] =	ssyncadd.s32 $0xFFFFFFFF  }
0xb5: {  	_ =	strace $0x90000048  }
0xb6: {  	_ =	sfence  }
0xb7: {  	s30 =	sld [smem:$0x0];
	_ =	sdelay $0x2  }
0xb8: {  	s31 =	sshll.u32 s1, $0xD;
	s1 =	sshrl.u32 s1, $0x2  }
0xb9: {  	s3 =	sand.u32 $0x4000, s31;
	s1 =	sadd.s32 s1, s30  }
0xba: {  	s0 =	sor.u32 s3, s0;
	s1 =	sshll.u32 s1, $0x11  }
0xbb: {  	s0 =	sor.u32 s1, s0  }
0xbc: {  	s0 =	sadd.s32 $0x8F2B, s0  }
0xbd: {  	[sflag:s0] =	ssyncadd.remote.s32 $0x1  }
0xbe: {  	_ =	sfence.sel $0xFFFF  }
0xbf: {  	[dreg:$0x0] =	wrdreg $0xFFFFFFFF;
	(pc) =	sbr.abs _section_cstart, $3  }
0xc0: {  	[dreg:$0x1] =	wrdreg $0xFFFFFFFF  }
0xc1: {  	_ =	task.clear_ibuf [dreg:s6], $0x2FFFF;
	_ =	strace $0x9FFFFFFF  }
0xc2: {  	(tm) =	ssettm $0x7FFFFFFF  }
0xc3: {  	_ =	shalt  }
tec
execute0_lowered:
.L_overlay_start_1:
0x0: {  	(tag) =	ssettag $0x1  }
0x1: {  	s6 =	rddreg [dreg:$0x0];
	s1 =	srdreg.scid  }
0x2: {  	s0 =	stileid.u32;
	s2 =	rddreg [dreg:$0x1]  }
0x3: {  	s3 =	simm.s32 $0x0;
	s13 =	simm.s32 $0x2;
	s14 =	simm.s32 $0x2800  }
0x4: {  	s15 =	simm.s32 $0x80;
	s16 =	simm.s32 $0x5000;
	s17 =	simm.s32 $0x1  }
0x5: {  	s20 =	simm.s32 $0x0;
	s7 =	sand.u32 $0x1, s1;
	s1 =	rddreg [dreg:$0x2]  }
0x6: {  	s4 =	sshll.u32 s0, $0x1;
	[smem:$0x7FF] =	sst s3;
	s9 =	smul.u32 $0x50000, s0  }
0x7: {  	s10 =	sadd.s32 $0xDD800, s6;
	s12 =	smul.u32 $0x14000, s0;
	s29 =	sshll.u32 s0, $0x6  }
0x8: {  	s18 =	sadd.s32 $0x12C000, s2;
	p0 =	seq.s32 s0, $0xF;
	s4 =	sor.u32 s7, s4  }
0x9: {  	_ =	strace $0x80000047;
	s28 =	ssub.s32 $0x2, s7;
	s7 =	smul.u32 $0x138800, s7  }
0xa: {  	s18 =	sshrl.u32 @p0 s18, $0x3;
	s5 =	smul.u32 $0x500, s4;
	s11 =	sshrl.u32 s28, $0x1  }
0xb: {  	s4 =	sadd.s32 $0x8CC00, s6;
	s9 =	sshrl.u32 s9, $0x2;
	s11 =	ssub.s32 s28, s11  }
0xc: {  	s19 =	sadd.s32 s9, s2;
	s30 =	sadd.s32 s12, s7;
	s31 =	sshrl.u32 s7, $0x3  }
0xd: {  	s8 =	sadd.s32 s5, s6;
	s5 =	sadd.s32 $0xDB000, s6;
	s6 =	sor.u32 $0x1C02, s29  }
0xe: {  	s9 =	sshrl.u32 s30, $0x3;
	s12 =	sadd.s32 s10, s31;
	s11 =	smax.u32 s11, $0x1  }
0xf: {  	s7 =	sadd.s32 $0x3800, s8;
	s8 =	sadd.s32 $0xD800, s8;
	s9 =	sadd.s32 s10, s9  }
0x10: {  	s10 =	sadd.s32 $0x25800, s12;
	s12 =	sshrl.u32 s19, $0x3;
	s19 =	sshrl.u32 @!p0 s19, $0x3  }
.LBB2_1:
0x11: {  	[spmem:s12], [sflag:s6] =	dma.local [hbm:s5], $0x2800  }
0x12: {  	_ =	swait.ge [sflag:s13], $0x2800  }
0x13: {  	[sflag:s13] =	ssyncset.done $0x0  }
0x14: {  	[sflag:s13] =	ssyncadd.s32 $0xFFFFD800  }
0x15: {  	[bflag:$0x0] =	sbarrier.arrive $0xFFFF  }
0x16: {  	[tilespmem:s3], [sflag:$0x2] =	stream.linear.gather [hbm4b:s7+s3], $0x2780, $0x38;
	[tilespmem:$0x1D000] =	vst v63  }
0x17: {  	_ =	swait.ge [sflag:s13], $0x2780  }
0x18: {  	[sflag:s13] =	ssyncset.done $0x0  }
0x19: {  	[sflag:s13] =	ssyncadd.s32 $0xFFFFD880  }
0x1a: {  	[tilespmem:s14], [sflag:$0x2] =	stream.linear.gather [hbm4b:s8+s3], $0x2780, $0x38;
	[tilespmem:$0x1D000] =	vst v63  }
0x1b: {  	_ =	swait.ge [sflag:s13], $0x2780  }
0x1c: {  	[sflag:s13] =	ssyncset.done $0x0  }
0x1d: {  	s21 =	simm.s32 $0x0;
	[sflag:s13] =	ssyncadd.s32 $0xFFFFD880  }
0x1e: {  	[tilespmem:s16], [sflag:$0x1] =	stream.indirect.gather [hbm4b:s4+s15], $0x80, s21, s15, $0xb8;
	[tilespmem:$0x1D000] =	vst v63  }
0x1f: {  	_ =	swait.ge [sflag:s17], $0x4000  }
0x20: {  	[sflag:s17] =	ssyncset.done $0x0  }
0x21: {  	s31 =	simm.s32 $0x2800;
	[sflag:s17] =	ssyncadd.s32 $0xFFFFC000  }
0x22: {  	[spmem:s2] =	stream.indirect.scatter.add.f32 [tilespmem:s16], [sflag:$0x2], $0x80, s31, s15, $0xb8;
	[tilespmem:$0x1D000] =	vst v63  }
0x23: {  	_ =	swait.ge [sflag:s13], $0x4000  }
0x24: {  	s22 =	simm.s32 $0x400;
	s21 =	simm.s32 $0x200;
	[sflag:s13] =	ssyncset.done $0x0  }
.LBB2_2:
0x25: {  	s23 =	sshra.s32 s21, $0x2  }
0x26: {  	[sflag:s13] =	ssyncadd.s32 $0xFFFFC000;
	s21 =	smov.u32 s22;
	s24 =	sadd.s32 $0x200, s22  }
0x27: {  	[tilespmem:s16], [sflag:$0x1] =	stream.indirect.gather [hbm4b:s4+s15], $0x80, s23, s15, $0xb8;
	[tilespmem:$0x1D000] =	vst v63  }
0x28: {  	p1 =	sne.s32 s22, $0x9C00;
	_ =	swait.ge [sflag:s17], $0x4000  }
.Ltmp0:
0x29: {  	[sflag:s17] =	ssyncset.done $0x0;
	(pc) =	sbr.rel @p1 .LBB2_2-.Ltmp0, $4  }
0x2a: {  	s22 =	sadd.s32 $0x2800, s23;
	[sflag:s17] =	ssyncadd.s32 $0xFFFFC000  }
0x2b: {  	[spmem:s2] =	stream.indirect.scatter.add.f32 [tilespmem:s16], [sflag:$0x2], $0x80, s22, s15, $0xb8;
	[tilespmem:$0x1D000] =	vst v63  }
0x2c: {  	_ =	swait.ge [sflag:s13], $0x4000  }
0x2d: {  	s22 =	smov.u32 s24;
	[sflag:s13] =	ssyncset.done $0x0  }
0x2e: {  	s21 =	sshra.s32 s21, $0x2;
	[sflag:s13] =	ssyncadd.s32 $0xFFFFC000  }
0x2f: {  	[tilespmem:s16], [sflag:$0x1] =	stream.indirect.gather [hbm4b:s4+s15], $0x80, s21, s15, $0xb8;
	[tilespmem:$0x1D000] =	vst v63  }
0x30: {  	_ =	swait.ge [sflag:s17], $0x4000  }
0x31: {  	[sflag:s17] =	ssyncset.done $0x0  }
0x32: {  	s21 =	sadd.s32 $0x2800, s21;
	[sflag:s17] =	ssyncadd.s32 $0xFFFFC000  }
0x33: {  	[spmem:s2] =	stream.indirect.scatter.add.f32 [tilespmem:s16], [sflag:$0x2], $0x80, s21, s15, $0xb8;
	[tilespmem:$0x1D000] =	vst v63  }
0x34: {  	_ =	swait.ge [sflag:s13], $0x4000  }
0x35: {  	[sflag:s13] =	ssyncset.done $0x0  }
0x36: {  	[sflag:s13] =	ssyncadd.s32 $0xFFFFC000  }
0x37: {  	s21 =	simm.s32 @p0 $0x2;
	[bflag:$0x0] =	sbarrier.arrive $0xFFFF  }
0x38: {  	[hbm:s10], [sflag:s6] =	dma.local @p0 [spmem:s18], $0x1900  }
0x39: {  	s20 =	sadd.s32 $0x1, s20;
	_ =	swait.ge @p0 [sflag:s21], $0x1900  }
0x3a: {  	p1 =	sne.s32 s20, s11;
	[sflag:s21] =	ssyncset.done @p0 $0x0  }
.Ltmp1:
0x3b: {  	[sflag:s21] =	ssyncadd.s32 @p0 $0xFFFFE700;
	s21 =	simm.s32 @!p0 $0x2;
	(pc) =	sbr.rel @p1 .LBB2_1-.Ltmp1, $4  }
0x3c: {  	[hbm:s9], [sflag:s6] =	dma.local @!p0 [spmem:s19], $0x2800  }
0x3d: {  	_ =	swait.ge @!p0 [sflag:s21], $0x2800  }
0x3e: {  	[sflag:s21] =	ssyncset.done @!p0 $0x0  }
0x3f: {  	[sflag:s21] =	ssyncadd.s32 @!p0 $0xFFFFD800  }
0x40: {  	_ =	sfence.sel $0x180000  }
0x41: {  	[bflag:$0x0] =	sbarrier.arrive $0xFFFF  }
0x42: {  	p0 =	sne.s32 s0, $0x0;
	_ =	strace $0x90000047  }
0x43: {  	s0 =	sadd.s32 @!p0 $0x100000, s1;
	[bflag:$0x2] =	sbarrier.arrive $0xFFFF  }
0x44: {  	[sflag:s0] =	ssyncadd.tile.s32 @!p0 $0x1;
	_ =	shalt  }
.Lfunc_end2:
_tile_overlayer_lowered:
.L_overlay_start_2:
0x45: {  	(tag) =	ssettag $0x2  }
0x46: {  	s0 =	rddreg [dreg:$0x0];
	s2 =	stileid.u32  }
0x47: {  	s1 =	rddreg [dreg:$0x1];
	p0 =	sne.s32 s2, $0x0  }
0x48: {  	s3 =	rddreg [dreg:$0x2];
	[bflag:$0x3] =	sbarrier.arrive $0xFFFF;
	s2 =	simm.s32 @!p0 $0x1C02  }
0x49: {  	[timem:s3], [sflag:s2] =	dma.local @!p0 [hbm:s0], s1  }
0x4a: {  	s0 =	simm.s32 @!p0 $0x2  }
0x4b: {  	_ =	swait.ge @!p0 [sflag:s0], s1  }
0x4c: {  	s1 =	ssub.s32 @!p0 $0x0, s1;
	[sflag:s0] =	ssyncset.done @!p0 $0x0  }
0x4d: {  	[sflag:s0] =	ssyncadd.s32 @!p0 s1  }
0x4e: {  	[bflag:$0x3] =	sbarrier.arrive $0xFFFF  }
0x4f: {  	_ =	shalt  }

</sc_bundles>
